<compile_context>
chip_gen: v7x
topology: tpu7x:2x2x1
jax: 0.10.2.dev20260603
libtpu: 0.0.44.dev20260713+nightly
codegen_flags: <defaults>
</compile_context>

<pallas_src>
import functools

import jax
import jax.numpy as jnp
from jax import lax
from jax.experimental import pallas as pl
from jax.experimental.pallas import tpu as pltpu
from jax.experimental.pallas import tpu_sc as plsc

NC = 2
NS = 16
NW = NC * NS
CH = 128
TRASH = 64


def _make_mesh():
    return plsc.VectorSubcoreMesh(
        core_axis_name="c", subcore_axis_name="s", num_cores=NC, num_subcores=NS
    )


def _copy_row(src2d, j, dst1d):
    for k in range(8):
        dst1d[k * 16:(k + 1) * 16] = src2d[j, k * 16:(k + 1) * 16]


def _make_deg(n_pad, ept):
    rows_per_tile = n_pad // NS
    nch = ept // CH

    @functools.partial(
        pl.kernel,
        out_type=jax.ShapeDtypeStruct((NC, n_pad, 16), jnp.float32),
        mesh=_make_mesh(),
        compiler_params=pltpu.CompilerParams(use_tc_tiling_on_sc=False),
        scratch_types=[
            pltpu.VMEM((nch, CH), jnp.int32),
            pltpu.VMEM((CH,), jnp.int32),
            pltpu.VMEM((CH,), jnp.int32),
            pltpu.VMEM((CH, 16), jnp.float32),
            pltpu.VMEM_SHARED((n_pad, 16), jnp.float32),
            pltpu.SemaphoreType.DMA,
            pltpu.SemaphoreType.DMA,
        ],
    )
    def deg_kernel(col_hbm, zeros_hbm, out_hbm,
                   colall, colva, colvb, onesv, acc_sh, sema, semb):
        c = lax.axis_index("c")
        s = lax.axis_index("s")
        w = c * NS + s
        rbase = s * rows_per_tile

        def fill_ones(i, carry):
            onesv[i, :] = jnp.full((16,), 1.0, jnp.float32)
            return carry

        lax.fori_loop(0, CH, fill_ones, 0)
        pltpu.sync_copy(col_hbm.at[pl.ds(w * nch, nch)], colall)
        pltpu.sync_copy(
            zeros_hbm.at[pl.ds(rbase, rows_per_tile)],
            acc_sh.at[pl.ds(rbase, rows_per_tile)],
        )
        plsc.subcore_barrier()

        _copy_row(colall, 0, colva)
        pltpu.async_copy(onesv, acc_sh.at[colva], sema, add=True)
        _copy_row(colall, 1, colvb)
        pltpu.async_copy(onesv, acc_sh.at[colvb], semb, add=True)

        def body(i, carry):
            j = 2 * i + 2
            pltpu.make_async_copy(onesv, acc_sh.at[colva], sema).wait()
            _copy_row(colall, j, colva)
            pltpu.async_copy(onesv, acc_sh.at[colva], sema, add=True)
            pltpu.make_async_copy(onesv, acc_sh.at[colvb], semb).wait()
            _copy_row(colall, j + 1, colvb)
            pltpu.async_copy(onesv, acc_sh.at[colvb], semb, add=True)
            return carry

        lax.fori_loop(0, (nch - 2) // 2, body, 0)
        pltpu.make_async_copy(onesv, acc_sh.at[colva], sema).wait()
        pltpu.make_async_copy(onesv, acc_sh.at[colvb], semb).wait()
        plsc.subcore_barrier()
        pltpu.sync_copy(
            acc_sh.at[pl.ds(rbase, rows_per_tile)],
            out_hbm.at[c, pl.ds(rbase, rows_per_tile)],
        )

    return deg_kernel


def _make_spmm(n_pad, h, ept, tc_tiling=True):
    rows_per_tile = n_pad // NS
    nch = ept // CH

    @functools.partial(
        pl.kernel,
        out_type=jax.ShapeDtypeStruct((NC, n_pad, h), jnp.float32),
        mesh=_make_mesh(),
        compiler_params=pltpu.CompilerParams(use_tc_tiling_on_sc=tc_tiling),
        scratch_types=(
            [pltpu.VMEM((CH,), jnp.int32)] * 8
            + [
                pltpu.VMEM((CH, h), jnp.float32),
                pltpu.VMEM((CH, h), jnp.float32),
                pltpu.VMEM_SHARED((n_pad, h), jnp.float32),
            ]
            + [pltpu.SemaphoreType.DMA] * 8
        ),
    )
    def spmm_kernel(y_hbm, row_hbm, col_hbm, zeros_hbm, out_hbm,
                    r0, r1, r2, r3, c0, c1, c2, c3, gbufa, gbufb, acc_sh,
                    i0, i1, i2, i3, gsema, gsemb, ssema, ssemb):
        c = lax.axis_index("c")
        s = lax.axis_index("s")
        w = c * NS + s
        rbase = s * rows_per_tile
        ebase = w * ept
        rowv = [r0, r1, r2, r3]
        colv = [c0, c1, c2, c3]
        isem = [i0, i1, i2, i3]
        gbuf = [gbufa, gbufb]
        gsem = [gsema, gsemb]
        ssem = [ssema, ssemb]

        def stage(j, k):
            pltpu.async_copy(row_hbm.at[pl.ds(ebase + j * CH, CH)], rowv[k], isem[k])
            pltpu.async_copy(col_hbm.at[pl.ds(ebase + j * CH, CH)], colv[k], isem[k])

        def wait_slot(k):
            pltpu.make_async_copy(row_hbm.at[pl.ds(ebase, CH)], rowv[k], isem[k]).wait()
            pltpu.make_async_copy(col_hbm.at[pl.ds(ebase, CH)], colv[k], isem[k]).wait()

        def fire_gather(k, p):
            pltpu.async_copy(y_hbm.at[rowv[k]], gbuf[p], gsem[p])

        def wait_gather(p):
            pltpu.make_async_copy(y_hbm.at[rowv[0]], gbuf[p], gsem[p]).wait()

        def fire_scatter(k, p):
            pltpu.async_copy(gbuf[p], acc_sh.at[colv[k]], ssem[p], add=True)

        def wait_scatter(p):
            pltpu.make_async_copy(gbuf[p], acc_sh.at[colv[0]], ssem[p]).wait()

        stage(0, 0)
        stage(1, 1)
        stage(2, 2)
        pltpu.sync_copy(
            zeros_hbm.at[pl.ds(rbase, rows_per_tile)],
            acc_sh.at[pl.ds(rbase, rows_per_tile)],
        )
        plsc.subcore_barrier()
        wait_slot(0)
        fire_gather(0, 0)

        def step(j, k, first=False, stage_j=None, gather_next=True):
            p = k % 2
            wait_gather(p)
            fire_scatter(k, p)
            if not first:
                wait_scatter(1 - p)
            if stage_j is not None:
                stage(stage_j, (k + 3) % 4)
            if gather_next:
                wait_slot((k + 1) % 4)
                fire_gather((k + 1) % 4, 1 - p)

        step(0, 0, first=True, stage_j=3)
        step(1, 1, stage_j=4)
        step(2, 2, stage_j=5)
        step(3, 3, stage_j=6)

        def body(i, carry):
            j0 = 4 * i + 4
            step(j0, 0, stage_j=j0 + 3)
            step(j0 + 1, 1, stage_j=j0 + 4)
            step(j0 + 2, 2, stage_j=j0 + 5)
            step(j0 + 3, 3, stage_j=j0 + 6)
            return carry

        lax.fori_loop(0, (nch - 8) // 4, body, 0)
        j0 = nch - 4
        step(j0, 0, stage_j=j0 + 3)
        step(j0 + 1, 1, stage_j=None)
        step(j0 + 2, 2, stage_j=None)
        step(j0 + 3, 3, stage_j=None, gather_next=False)
        wait_scatter(1)
        plsc.subcore_barrier()
        pltpu.sync_copy(
            acc_sh.at[pl.ds(rbase, rows_per_tile)],
            out_hbm.at[c, pl.ds(rbase, rows_per_tile)],
        )

    return spmm_kernel


def _tc_stage1(degp, x, w1):
    n = x.shape[0]
    h = w1.shape[1]

    def body(deg_ref, x_ref, w_ref, y_ref, d_ref):
        deg = deg_ref[0, :n, 0:1] + deg_ref[1, :n, 0:1] + 1.0
        d = lax.rsqrt(deg)
        xw = jnp.dot(x_ref[...], w_ref[...], preferred_element_type=jnp.float32)
        y_ref[...] = xw * d
        d_ref[...] = d

    return pl.pallas_call(
        body,
        out_shape=(
            jax.ShapeDtypeStruct((n, h), jnp.float32),
            jax.ShapeDtypeStruct((n, 1), jnp.float32),
        ),
    )(degp, x, w1)


def _tc_stage2(acc1, y1, d, w2, b1):
    n, h = y1.shape
    c = w2.shape[1]

    def body(acc_ref, y_ref, d_ref, w_ref, b_ref, out_ref):
        agg = acc_ref[0, :n, :] + acc_ref[1, :n, :] + y_ref[...]
        hh = jnp.maximum(agg * d_ref[...] + b_ref[...], 0.0)
        out_ref[...] = (
            jnp.dot(hh, w_ref[...], preferred_element_type=jnp.float32)
            * d_ref[...]
        )

    return pl.pallas_call(
        body,
        out_shape=jax.ShapeDtypeStruct((n, c), jnp.float32),
    )(acc1, y1, d, w2, b1)


def _tc_stage3(acc2, y2, d, b2):
    n, c = y2.shape

    def body(acc_ref, y_ref, d_ref, b_ref, out_ref):
        o = (
            acc_ref[0, :n, :] + acc_ref[1, :n, :] + y_ref[...]
        ) * d_ref[...]
        o = o + b_ref[...]
        m = jnp.max(o, axis=1, keepdims=True)
        e = jnp.exp(o - m)
        lse = jnp.log(jnp.sum(e, axis=1, keepdims=True)) + m
        out_ref[...] = o - lse

    return pl.pallas_call(
        body,
        out_shape=jax.ShapeDtypeStruct((n, c), jnp.float32),
    )(acc2, y2, d, b2)


def kernel(x, edge_index, W1, b1, W2, b2):
    n, dd = x.shape
    h = W1.shape[1]
    cc = W2.shape[1]
    e = edge_index.shape[1]

    n_cap = -(-n // 16) * 16
    n_pad = -(-(n_cap + TRASH) // 1024) * 1024
    trash_rows = n_pad - n_cap
    ept = max(-(-e // (NW * 4 * CH)) * 4 * CH, 8 * CH)
    e_pad = ept * NW
    pad = e_pad - e

    pad_ids = jnp.arange(pad, dtype=jnp.int32)
    rows = jnp.concatenate([edge_index[0], pad_ids % n])
    cols = jnp.concatenate([edge_index[1], n_cap + pad_ids % trash_rows])
    cols2 = cols.reshape(-1, CH)

    zeros_h = jnp.zeros((n_pad, h), jnp.float32)
    zeros_c = jnp.zeros((n_pad, cc), jnp.float32)
    zeros16 = jnp.zeros((n_pad, 16), jnp.float32)

    degp = _make_deg(n_pad, ept)(cols2, zeros16)
    y1, d = _tc_stage1(degp, x, W1)
    acc1 = _make_spmm(n_pad, h, ept)(y1, rows, cols, zeros_h)
    y2 = _tc_stage2(acc1, y1, d, W2, b1.reshape(1, h))
    acc2 = _make_spmm(n_pad, cc, ept, tc_tiling=False)(y2, rows, cols, zeros_c)
    return _tc_stage3(acc2, y2, d, b2.reshape(1, cc))

# --- scband reference (transcript-rebuilt; emitter-appended) ---
"""Pipeline reference for scband-gcn-83777632075847 (READ-ONLY COPY).

The authoritative reference and input builder live on the scoring server;
editing this copy changes nothing except your own understanding.
"""

import jax, jax.numpy as jnp
import numpy as np

N = 10000
E = 320000
D = 128
H = 128
C = 64


def setup_inputs(seed: int = 0) -> dict:
    key = jax.random.key(seed)
    k1, k2, k3, k4 = jax.random.split(key, 4)
    x = jax.random.normal(k1, (N, D), dtype=jnp.float32)
    edge_index = jax.random.randint(k2, (2, E), 0, N, dtype=jnp.int32)
    W1 = jax.random.normal(k3, (D, H), dtype=jnp.float32) * 0.05
    b1 = jnp.zeros((H,), dtype=jnp.float32)
    W2 = jax.random.normal(k4, (H, C), dtype=jnp.float32) * 0.05
    b2 = jnp.zeros((C,), dtype=jnp.float32)
    return {"x": x, "edge_index": edge_index, "W1": W1, "b1": b1, "W2": W2, "b2": b2}


def gcn_conv(x, edge_index, W, b):
    # GCNConv (PyG semantics, improved=False, add_self_loops=True, normalize=True)
    n = x.shape[0]
    loops = jnp.arange(n, dtype=edge_index.dtype)
    row = jnp.concatenate([edge_index[0], loops])
    col = jnp.concatenate([edge_index[1], loops])
    deg = jax.ops.segment_sum(jnp.ones_like(col, dtype=x.dtype), col, num_segments=n)
    deg_inv_sqrt = jnp.where(deg > 0, deg ** -0.5, 0.0)
    norm = deg_inv_sqrt[row] * deg_inv_sqrt[col]
    xw = x @ W
    msgs = norm[:, None] * xw[row]
    out = jax.ops.segment_sum(msgs, col, num_segments=n)
    return out + b


def reference(x, edge_index, W1, b1, W2, b2):
    h = gcn_conv(x, edge_index, W1, b1)
    h = jax.nn.relu(h)
    # dropout p=0 in eval -> identity
    out = gcn_conv(h, edge_index, W2, b2)
    return jax.nn.log_softmax(out, axis=1)

if __name__ == "__main__":
    import jax
    _d = setup_inputs()
    print(jax.jit(kernel)(*tuple(_d.values())))

</pallas_src>

<mosaic_0001>
#map = affine_map<(d0, d1) -> (0, 0)>
#map1 = affine_map<(d0, d1) -> (0)>
#map2 = affine_map<(d0, d1) -> (0, 0, 0)>
module attributes {stable_mosaic.version = 14 : i64} {
  func.func @spmm_kernel(%arg0: i32, %arg1: i32, %arg2: memref<10000x64xf32, #tpu.memory_space<hbm>>, %arg3: memref<327680xi32, #tpu.memory_space<hbm>>, %arg4: memref<327680xi32, #tpu.memory_space<hbm>>, %arg5: memref<10240x64xf32, #tpu.memory_space<hbm>>, %arg6: memref<2x10240x64xf32, #tpu.memory_space<hbm>>, %arg7: memref<128xi32, #tpu.memory_space<vmem>>, %arg8: memref<128xi32, #tpu.memory_space<vmem>>, %arg9: memref<128xi32, #tpu.memory_space<vmem>>, %arg10: memref<128xi32, #tpu.memory_space<vmem>>, %arg11: memref<128xi32, #tpu.memory_space<vmem>>, %arg12: memref<128xi32, #tpu.memory_space<vmem>>, %arg13: memref<128xi32, #tpu.memory_space<vmem>>, %arg14: memref<128xi32, #tpu.memory_space<vmem>>, %arg15: memref<128x64xf32, #tpu.memory_space<vmem>>, %arg16: memref<128x64xf32, #tpu.memory_space<vmem>>, %arg17: memref<10240x64xf32, #tpu.memory_space<vmem_shared>>, %arg18: memref<!tpu.dma_semaphore, #tpu.memory_space<semaphore_mem>>, %arg19: memref<!tpu.dma_semaphore, #tpu.memory_space<semaphore_mem>>, %arg20: memref<!tpu.dma_semaphore, #tpu.memory_space<semaphore_mem>>, %arg21: memref<!tpu.dma_semaphore, #tpu.memory_space<semaphore_mem>>, %arg22: memref<!tpu.dma_semaphore, #tpu.memory_space<semaphore_mem>>, %arg23: memref<!tpu.dma_semaphore, #tpu.memory_space<semaphore_mem>>, %arg24: memref<!tpu.dma_semaphore, #tpu.memory_space<semaphore_mem>>, %arg25: memref<!tpu.dma_semaphore, #tpu.memory_space<semaphore_mem>>) attributes {dimension_semantics = [#tpu.dimension_semantics<core_parallel>, #tpu.dimension_semantics<subcore_parallel>], iteration_bounds = array<i64: 2, 16>, scalar_prefetch = 0 : i64, scratch_operands = 19 : i64, tpu.core_type = #tpu.core_type<sc_vector_subcore>, window_params = [{transform_indices = #map}, {transform_indices = #map1}, {transform_indices = #map1}, {transform_indices = #map}, {transform_indices = #map2}]} {
    %mul3A = arith.constant 16 : i32
    %mul3A_0 = arith.muli %arg0, %mul3A : i32
    %add3A = arith.addi %mul3A_0, %arg1 : i32
    %mul3A_1 = arith.constant 640 : i32
    %mul3A_2 = arith.muli %arg1, %mul3A_1 : i32
    %mul3A_3 = arith.constant 10240 : i32
    %mul3A_4 = arith.muli %add3A, %mul3A_3 : i32
    %add3A_5 = arith.constant 0 : i32
    %add3A_6 = arith.addi %mul3A_4, %add3A_5 : i32
    %dma_start3A = tpu.memref_slice %arg3[%add3A_6] : memref<327680xi32, #tpu.memory_space<hbm>> -> memref<128xi32, #tpu.memory_space<hbm>>
    %dma_start3A_7 = tpu.memref_slice %arg3[%add3A_6] : memref<327680xi32, #tpu.memory_space<hbm>> -> memref<128xi32, #tpu.memory_space<hbm>>
    tpu.enqueue_dma source(%dma_start3A_7 : memref<128xi32, #tpu.memory_space<hbm>>) target(%arg7 : memref<128xi32, #tpu.memory_space<vmem>>) target_semaphore(%arg18 : memref<!tpu.dma_semaphore, #tpu.memory_space<semaphore_mem>>)
    %add3A_8 = arith.constant 0 : i32
    %add3A_9 = arith.addi %mul3A_4, %add3A_8 : i32
    %dma_start3A_10 = tpu.memref_slice %arg4[%add3A_9] : memref<327680xi32, #tpu.memory_space<hbm>> -> memref<128xi32, #tpu.memory_space<hbm>>
    %dma_start3A_11 = tpu.memref_slice %arg4[%add3A_9] : memref<327680xi32, #tpu.memory_space<hbm>> -> memref<128xi32, #tpu.memory_space<hbm>>
    tpu.enqueue_dma source(%dma_start3A_11 : memref<128xi32, #tpu.memory_space<hbm>>) target(%arg11 : memref<128xi32, #tpu.memory_space<vmem>>) target_semaphore(%arg18 : memref<!tpu.dma_semaphore, #tpu.memory_space<semaphore_mem>>)
    %add3A_12 = arith.constant 128 : i32
    %add3A_13 = arith.addi %mul3A_4, %add3A_12 : i32
    %dma_start3A_14 = tpu.memref_slice %arg3[%add3A_13] : memref<327680xi32, #tpu.memory_space<hbm>> -> memref<128xi32, #tpu.memory_space<hbm>>
    %dma_start3A_15 = tpu.memref_slice %arg3[%add3A_13] : memref<327680xi32, #tpu.memory_space<hbm>> -> memref<128xi32, #tpu.memory_space<hbm>>
    tpu.enqueue_dma source(%dma_start3A_15 : memref<128xi32, #tpu.memory_space<hbm>>) target(%arg8 : memref<128xi32, #tpu.memory_space<vmem>>) target_semaphore(%arg19 : memref<!tpu.dma_semaphore, #tpu.memory_space<semaphore_mem>>)
    %add3A_16 = arith.constant 128 : i32
    %add3A_17 = arith.addi %mul3A_4, %add3A_16 : i32
    %dma_start3A_18 = tpu.memref_slice %arg4[%add3A_17] : memref<327680xi32, #tpu.memory_space<hbm>> -> memref<128xi32, #tpu.memory_space<hbm>>
    %dma_start3A_19 = tpu.memref_slice %arg4[%add3A_17] : memref<327680xi32, #tpu.memory_space<hbm>> -> memref<128xi32, #tpu.memory_space<hbm>>
    tpu.enqueue_dma source(%dma_start3A_19 : memref<128xi32, #tpu.memory_space<hbm>>) target(%arg12 : memref<128xi32, #tpu.memory_space<vmem>>) target_semaphore(%arg19 : memref<!tpu.dma_semaphore, #tpu.memory_space<semaphore_mem>>)
    %add3A_20 = arith.constant 256 : i32
    %add3A_21 = arith.addi %mul3A_4, %add3A_20 : i32
    %dma_start3A_22 = tpu.memref_slice %arg3[%add3A_21] : memref<327680xi32, #tpu.memory_space<hbm>> -> memref<128xi32, #tpu.memory_space<hbm>>
    %dma_start3A_23 = tpu.memref_slice %arg3[%add3A_21] : memref<327680xi32, #tpu.memory_space<hbm>> -> memref<128xi32, #tpu.memory_space<hbm>>
    tpu.enqueue_dma source(%dma_start3A_23 : memref<128xi32, #tpu.memory_space<hbm>>) target(%arg9 : memref<128xi32, #tpu.memory_space<vmem>>) target_semaphore(%arg20 : memref<!tpu.dma_semaphore, #tpu.memory_space<semaphore_mem>>)
    %add3A_24 = arith.constant 256 : i32
    %add3A_25 = arith.addi %mul3A_4, %add3A_24 : i32
    %dma_start3A_26 = tpu.memref_slice %arg4[%add3A_25] : memref<327680xi32, #tpu.memory_space<hbm>> -> memref<128xi32, #tpu.memory_space<hbm>>
    %dma_start3A_27 = tpu.memref_slice %arg4[%add3A_25] : memref<327680xi32, #tpu.memory_space<hbm>> -> memref<128xi32, #tpu.memory_space<hbm>>
    tpu.enqueue_dma source(%dma_start3A_27 : memref<128xi32, #tpu.memory_space<hbm>>) target(%arg13 : memref<128xi32, #tpu.memory_space<vmem>>) target_semaphore(%arg20 : memref<!tpu.dma_semaphore, #tpu.memory_space<semaphore_mem>>)
    "tpu.region"() ({
      %run_scoped3A = tpu.sem_alloc : memref<!tpu.dma_semaphore, #tpu.memory_space<semaphore_mem>>
      %dma_start3A_201 = arith.constant 0 : i32
      %dma_start3A_202 = tpu.memref_slice %arg17[%mul3A_2, %dma_start3A_201] : memref<10240x64xf32, #tpu.memory_space<vmem_shared>> -> memref<640x64xf32, #tpu.memory_space<vmem_shared>>
      %dma_start3A_203 = arith.constant 0 : i32
      %dma_start3A_204 = tpu.memref_slice %arg5[%mul3A_2, %dma_start3A_203] : memref<10240x64xf32, #tpu.memory_space<hbm>> -> memref<640x64xf32, #tpu.memory_space<hbm>>
      tpu.enqueue_dma source(%dma_start3A_204 : memref<640x64xf32, #tpu.memory_space<hbm>>) target(%dma_start3A_202 : memref<640x64xf32, #tpu.memory_space<vmem_shared>>) target_semaphore(%run_scoped3A : memref<!tpu.dma_semaphore, #tpu.memory_space<semaphore_mem>>)
      %dma_wait3A_205 = arith.constant 0 : i32
      %dma_wait3A_206 = tpu.memref_slice %arg17[%mul3A_2, %dma_wait3A_205] : memref<10240x64xf32, #tpu.memory_space<vmem_shared>> -> memref<640x64xf32, #tpu.memory_space<vmem_shared>>
      %dma_wait3A_207 = arith.constant 0 : i32
      %dma_wait3A_208 = tpu.memref_slice %arg5[%mul3A_2, %dma_wait3A_207] : memref<10240x64xf32, #tpu.memory_space<hbm>> -> memref<640x64xf32, #tpu.memory_space<hbm>>
      tpu.wait_dma2 semaphore(%run_scoped3A : memref<!tpu.dma_semaphore, #tpu.memory_space<semaphore_mem>>) src(%dma_wait3A_208 : memref<640x64xf32, #tpu.memory_space<hbm>>) dst(%dma_wait3A_206 : memref<640x64xf32, #tpu.memory_space<vmem_shared>>)
      tpu.yield
    }) : () -> ()
    %barrier3A = arith.constant 0 : index
    tpu.barrier barrier_id(%barrier3A)
    %dma_wait3A = tpu.memref_slice %arg3[%mul3A_4] : memref<327680xi32, #tpu.memory_space<hbm>> -> memref<128xi32, #tpu.memory_space<hbm>>
    %dma_wait3A_28 = tpu.memref_slice %arg3[%mul3A_4] : memref<327680xi32, #tpu.memory_space<hbm>> -> memref<128xi32, #tpu.memory_space<hbm>>
    tpu.wait_dma2 semaphore(%arg18 : memref<!tpu.dma_semaphore, #tpu.memory_space<semaphore_mem>>) src(%dma_wait3A_28 : memref<128xi32, #tpu.memory_space<hbm>>) dst(%arg7 : memref<128xi32, #tpu.memory_space<vmem>>)
    %dma_wait3A_29 = tpu.memref_slice %arg4[%mul3A_4] : memref<327680xi32, #tpu.memory_space<hbm>> -> memref<128xi32, #tpu.memory_space<hbm>>
    %dma_wait3A_30 = tpu.memref_slice %arg4[%mul3A_4] : memref<327680xi32, #tpu.memory_space<hbm>> -> memref<128xi32, #tpu.memory_space<hbm>>
    tpu.wait_dma2 semaphore(%arg18 : memref<!tpu.dma_semaphore, #tpu.memory_space<semaphore_mem>>) src(%dma_wait3A_30 : memref<128xi32, #tpu.memory_space<hbm>>) dst(%arg11 : memref<128xi32, #tpu.memory_space<vmem>>)
    %dma_start3A_31 = arith.constant 0 : i32
    %dma_start3A_32 = arith.constant 0 : i32
    %dma_start3A_33 = tpu.memref_slice %arg2[%dma_start3A_31, %dma_start3A_32] : memref<10000x64xf32, #tpu.memory_space<hbm>> -> memref<10000x64xf32, #tpu.memory_space<hbm>>
    tpu.enqueue_indirect_dma source(%dma_start3A_33 : memref<10000x64xf32, #tpu.memory_space<hbm>>) target(%arg15 : memref<128x64xf32, #tpu.memory_space<vmem>>) offsets(%arg7 : memref<128xi32, #tpu.memory_space<vmem>>) semaphore(%arg22 : memref<!tpu.dma_semaphore, #tpu.memory_space<semaphore_mem>>)
    %dma_wait3A_34 = arith.constant 0 : i32
    %dma_wait3A_35 = arith.constant 0 : i32
    %dma_wait3A_36 = tpu.memref_slice %arg2[%dma_wait3A_34, %dma_wait3A_35] : memref<10000x64xf32, #tpu.memory_space<hbm>> -> memref<10000x64xf32, #tpu.memory_space<hbm>>
    tpu.wait_indirect_dma semaphore(%arg22 : memref<!tpu.dma_semaphore, #tpu.memory_space<semaphore_mem>>) src(%dma_wait3A_36 : memref<10000x64xf32, #tpu.memory_space<hbm>>) dst(%arg15 : memref<128x64xf32, #tpu.memory_space<vmem>>)
    %dma_start3A_37 = arith.constant 0 : i32
    %dma_start3A_38 = arith.constant 0 : i32
    %dma_start3A_39 = tpu.memref_slice %arg17[%dma_start3A_37, %dma_start3A_38] : memref<10240x64xf32, #tpu.memory_space<vmem_shared>> -> memref<10240x64xf32, #tpu.memory_space<vmem_shared>>
    tpu.enqueue_indirect_dma source(%arg15 : memref<128x64xf32, #tpu.memory_space<vmem>>) target(%dma_start3A_39 : memref<10240x64xf32, #tpu.memory_space<vmem_shared>>) offsets(%arg11 : memref<128xi32, #tpu.memory_space<vmem>>) semaphore(%arg24 : memref<!tpu.dma_semaphore, #tpu.memory_space<semaphore_mem>>) {add = true}
    %add3A_40 = arith.constant 384 : i32
    %add3A_41 = arith.addi %mul3A_4, %add3A_40 : i32
    %dma_start3A_42 = tpu.memref_slice %arg3[%add3A_41] : memref<327680xi32, #tpu.memory_space<hbm>> -> memref<128xi32, #tpu.memory_space<hbm>>
    %dma_start3A_43 = tpu.memref_slice %arg3[%add3A_41] : memref<327680xi32, #tpu.memory_space<hbm>> -> memref<128xi32, #tpu.memory_space<hbm>>
    tpu.enqueue_dma source(%dma_start3A_43 : memref<128xi32, #tpu.memory_space<hbm>>) target(%arg10 : memref<128xi32, #tpu.memory_space<vmem>>) target_semaphore(%arg21 : memref<!tpu.dma_semaphore, #tpu.memory_space<semaphore_mem>>)
    %add3A_44 = arith.constant 384 : i32
    %add3A_45 = arith.addi %mul3A_4, %add3A_44 : i32
    %dma_start3A_46 = tpu.memref_slice %arg4[%add3A_45] : memref<327680xi32, #tpu.memory_space<hbm>> -> memref<128xi32, #tpu.memory_space<hbm>>
    %dma_start3A_47 = tpu.memref_slice %arg4[%add3A_45] : memref<327680xi32, #tpu.memory_space<hbm>> -> memref<128xi32, #tpu.memory_space<hbm>>
    tpu.enqueue_dma source(%dma_start3A_47 : memref<128xi32, #tpu.memory_space<hbm>>) target(%arg14 : memref<128xi32, #tpu.memory_space<vmem>>) target_semaphore(%arg21 : memref<!tpu.dma_semaphore, #tpu.memory_space<semaphore_mem>>)
    %dma_wait3A_48 = tpu.memref_slice %arg3[%mul3A_4] : memref<327680xi32, #tpu.memory_space<hbm>> -> memref<128xi32, #tpu.memory_space<hbm>>
    %dma_wait3A_49 = tpu.memref_slice %arg3[%mul3A_4] : memref<327680xi32, #tpu.memory_space<hbm>> -> memref<128xi32, #tpu.memory_space<hbm>>
    tpu.wait_dma2 semaphore(%arg19 : memref<!tpu.dma_semaphore, #tpu.memory_space<semaphore_mem>>) src(%dma_wait3A_49 : memref<128xi32, #tpu.memory_space<hbm>>) dst(%arg8 : memref<128xi32, #tpu.memory_space<vmem>>)
    %dma_wait3A_50 = tpu.memref_slice %arg4[%mul3A_4] : memref<327680xi32, #tpu.memory_space<hbm>> -> memref<128xi32, #tpu.memory_space<hbm>>
    %dma_wait3A_51 = tpu.memref_slice %arg4[%mul3A_4] : memref<327680xi32, #tpu.memory_space<hbm>> -> memref<128xi32, #tpu.memory_space<hbm>>
    tpu.wait_dma2 semaphore(%arg19 : memref<!tpu.dma_semaphore, #tpu.memory_space<semaphore_mem>>) src(%dma_wait3A_51 : memref<128xi32, #tpu.memory_space<hbm>>) dst(%arg12 : memref<128xi32, #tpu.memory_space<vmem>>)
    %dma_start3A_52 = arith.constant 0 : i32
    %dma_start3A_53 = arith.constant 0 : i32
    %dma_start3A_54 = tpu.memref_slice %arg2[%dma_start3A_52, %dma_start3A_53] : memref<10000x64xf32, #tpu.memory_space<hbm>> -> memref<10000x64xf32, #tpu.memory_space<hbm>>
    tpu.enqueue_indirect_dma source(%dma_start3A_54 : memref<10000x64xf32, #tpu.memory_space<hbm>>) target(%arg16 : memref<128x64xf32, #tpu.memory_space<vmem>>) offsets(%arg8 : memref<128xi32, #tpu.memory_space<vmem>>) semaphore(%arg23 : memref<!tpu.dma_semaphore, #tpu.memory_space<semaphore_mem>>)
    %dma_wait3A_55 = arith.constant 0 : i32
    %dma_wait3A_56 = arith.constant 0 : i32
    %dma_wait3A_57 = tpu.memref_slice %arg2[%dma_wait3A_55, %dma_wait3A_56] : memref<10000x64xf32, #tpu.memory_space<hbm>> -> memref<10000x64xf32, #tpu.memory_space<hbm>>
    tpu.wait_indirect_dma semaphore(%arg23 : memref<!tpu.dma_semaphore, #tpu.memory_space<semaphore_mem>>) src(%dma_wait3A_57 : memref<10000x64xf32, #tpu.memory_space<hbm>>) dst(%arg16 : memref<128x64xf32, #tpu.memory_space<vmem>>)
    %dma_start3A_58 = arith.constant 0 : i32
    %dma_start3A_59 = arith.constant 0 : i32
    %dma_start3A_60 = tpu.memref_slice %arg17[%dma_start3A_58, %dma_start3A_59] : memref<10240x64xf32, #tpu.memory_space<vmem_shared>> -> memref<10240x64xf32, #tpu.memory_space<vmem_shared>>
    tpu.enqueue_indirect_dma source(%arg16 : memref<128x64xf32, #tpu.memory_space<vmem>>) target(%dma_start3A_60 : memref<10240x64xf32, #tpu.memory_space<vmem_shared>>) offsets(%arg12 : memref<128xi32, #tpu.memory_space<vmem>>) semaphore(%arg25 : memref<!tpu.dma_semaphore, #tpu.memory_space<semaphore_mem>>) {add = true}
    %dma_wait3A_61 = arith.constant 0 : i32
    %dma_wait3A_62 = arith.constant 0 : i32
    %dma_wait3A_63 = tpu.memref_slice %arg17[%dma_wait3A_61, %dma_wait3A_62] : memref<10240x64xf32, #tpu.memory_space<vmem_shared>> -> memref<10240x64xf32, #tpu.memory_space<vmem_shared>>
    tpu.wait_indirect_dma semaphore(%arg24 : memref<!tpu.dma_semaphore, #tpu.memory_space<semaphore_mem>>) src(%arg15 : memref<128x64xf32, #tpu.memory_space<vmem>>) dst(%dma_wait3A_63 : memref<10240x64xf32, #tpu.memory_space<vmem_shared>>)
    %add3A_64 = arith.constant 512 : i32
    %add3A_65 = arith.addi %mul3A_4, %add3A_64 : i32
    %dma_start3A_66 = tpu.memref_slice %arg3[%add3A_65] : memref<327680xi32, #tpu.memory_space<hbm>> -> memref<128xi32, #tpu.memory_space<hbm>>
    %dma_start3A_67 = tpu.memref_slice %arg3[%add3A_65] : memref<327680xi32, #tpu.memory_space<hbm>> -> memref<128xi32, #tpu.memory_space<hbm>>
    tpu.enqueue_dma source(%dma_start3A_67 : memref<128xi32, #tpu.memory_space<hbm>>) target(%arg7 : memref<128xi32, #tpu.memory_space<vmem>>) target_semaphore(%arg18 : memref<!tpu.dma_semaphore, #tpu.memory_space<semaphore_mem>>)
    %add3A_68 = arith.constant 512 : i32
    %add3A_69 = arith.addi %mul3A_4, %add3A_68 : i32
    %dma_start3A_70 = tpu.memref_slice %arg4[%add3A_69] : memref<327680xi32, #tpu.memory_space<hbm>> -> memref<128xi32, #tpu.memory_space<hbm>>
    %dma_start3A_71 = tpu.memref_slice %arg4[%add3A_69] : memref<327680xi32, #tpu.memory_space<hbm>> -> memref<128xi32, #tpu.memory_space<hbm>>
    tpu.enqueue_dma source(%dma_start3A_71 : memref<128xi32, #tpu.memory_space<hbm>>) target(%arg11 : memref<128xi32, #tpu.memory_space<vmem>>) target_semaphore(%arg18 : memref<!tpu.dma_semaphore, #tpu.memory_space<semaphore_mem>>)
    %dma_wait3A_72 = tpu.memref_slice %arg3[%mul3A_4] : memref<327680xi32, #tpu.memory_space<hbm>> -> memref<128xi32, #tpu.memory_space<hbm>>
    %dma_wait3A_73 = tpu.memref_slice %arg3[%mul3A_4] : memref<327680xi32, #tpu.memory_space<hbm>> -> memref<128xi32, #tpu.memory_space<hbm>>
    tpu.wait_dma2 semaphore(%arg20 : memref<!tpu.dma_semaphore, #tpu.memory_space<semaphore_mem>>) src(%dma_wait3A_73 : memref<128xi32, #tpu.memory_space<hbm>>) dst(%arg9 : memref<128xi32, #tpu.memory_space<vmem>>)
    %dma_wait3A_74 = tpu.memref_slice %arg4[%mul3A_4] : memref<327680xi32, #tpu.memory_space<hbm>> -> memref<128xi32, #tpu.memory_space<hbm>>
    %dma_wait3A_75 = tpu.memref_slice %arg4[%mul3A_4] : memref<327680xi32, #tpu.memory_space<hbm>> -> memref<128xi32, #tpu.memory_space<hbm>>
    tpu.wait_dma2 semaphore(%arg20 : memref<!tpu.dma_semaphore, #tpu.memory_space<semaphore_mem>>) src(%dma_wait3A_75 : memref<128xi32, #tpu.memory_space<hbm>>) dst(%arg13 : memref<128xi32, #tpu.memory_space<vmem>>)
    %dma_start3A_76 = arith.constant 0 : i32
    %dma_start3A_77 = arith.constant 0 : i32
    %dma_start3A_78 = tpu.memref_slice %arg2[%dma_start3A_76, %dma_start3A_77] : memref<10000x64xf32, #tpu.memory_space<hbm>> -> memref<10000x64xf32, #tpu.memory_space<hbm>>
    tpu.enqueue_indirect_dma source(%dma_start3A_78 : memref<10000x64xf32, #tpu.memory_space<hbm>>) target(%arg15 : memref<128x64xf32, #tpu.memory_space<vmem>>) offsets(%arg9 : memref<128xi32, #tpu.memory_space<vmem>>) semaphore(%arg22 : memref<!tpu.dma_semaphore, #tpu.memory_space<semaphore_mem>>)
    %dma_wait3A_79 = arith.constant 0 : i32
    %dma_wait3A_80 = arith.constant 0 : i32
    %dma_wait3A_81 = tpu.memref_slice %arg2[%dma_wait3A_79, %dma_wait3A_80] : memref<10000x64xf32, #tpu.memory_space<hbm>> -> memref<10000x64xf32, #tpu.memory_space<hbm>>
    tpu.wait_indirect_dma semaphore(%arg22 : memref<!tpu.dma_semaphore, #tpu.memory_space<semaphore_mem>>) src(%dma_wait3A_81 : memref<10000x64xf32, #tpu.memory_space<hbm>>) dst(%arg15 : memref<128x64xf32, #tpu.memory_space<vmem>>)
    %dma_start3A_82 = arith.constant 0 : i32
    %dma_start3A_83 = arith.constant 0 : i32
    %dma_start3A_84 = tpu.memref_slice %arg17[%dma_start3A_82, %dma_start3A_83] : memref<10240x64xf32, #tpu.memory_space<vmem_shared>> -> memref<10240x64xf32, #tpu.memory_space<vmem_shared>>
    tpu.enqueue_indirect_dma source(%arg15 : memref<128x64xf32, #tpu.memory_space<vmem>>) target(%dma_start3A_84 : memref<10240x64xf32, #tpu.memory_space<vmem_shared>>) offsets(%arg13 : memref<128xi32, #tpu.memory_space<vmem>>) semaphore(%arg24 : memref<!tpu.dma_semaphore, #tpu.memory_space<semaphore_mem>>) {add = true}
    %dma_wait3A_85 = arith.constant 0 : i32
    %dma_wait3A_86 = arith.constant 0 : i32
    %dma_wait3A_87 = tpu.memref_slice %arg17[%dma_wait3A_85, %dma_wait3A_86] : memref<10240x64xf32, #tpu.memory_space<vmem_shared>> -> memref<10240x64xf32, #tpu.memory_space<vmem_shared>>
    tpu.wait_indirect_dma semaphore(%arg25 : memref<!tpu.dma_semaphore, #tpu.memory_space<semaphore_mem>>) src(%arg16 : memref<128x64xf32, #tpu.memory_space<vmem>>) dst(%dma_wait3A_87 : memref<10240x64xf32, #tpu.memory_space<vmem_shared>>)
    %add3A_88 = arith.constant 640 : i32
    %add3A_89 = arith.addi %mul3A_4, %add3A_88 : i32
    %dma_start3A_90 = tpu.memref_slice %arg3[%add3A_89] : memref<327680xi32, #tpu.memory_space<hbm>> -> memref<128xi32, #tpu.memory_space<hbm>>
    %dma_start3A_91 = tpu.memref_slice %arg3[%add3A_89] : memref<327680xi32, #tpu.memory_space<hbm>> -> memref<128xi32, #tpu.memory_space<hbm>>
    tpu.enqueue_dma source(%dma_start3A_91 : memref<128xi32, #tpu.memory_space<hbm>>) target(%arg8 : memref<128xi32, #tpu.memory_space<vmem>>) target_semaphore(%arg19 : memref<!tpu.dma_semaphore, #tpu.memory_space<semaphore_mem>>)
    %add3A_92 = arith.constant 640 : i32
    %add3A_93 = arith.addi %mul3A_4, %add3A_92 : i32
    %dma_start3A_94 = tpu.memref_slice %arg4[%add3A_93] : memref<327680xi32, #tpu.memory_space<hbm>> -> memref<128xi32, #tpu.memory_space<hbm>>
    %dma_start3A_95 = tpu.memref_slice %arg4[%add3A_93] : memref<327680xi32, #tpu.memory_space<hbm>> -> memref<128xi32, #tpu.memory_space<hbm>>
    tpu.enqueue_dma source(%dma_start3A_95 : memref<128xi32, #tpu.memory_space<hbm>>) target(%arg12 : memref<128xi32, #tpu.memory_space<vmem>>) target_semaphore(%arg19 : memref<!tpu.dma_semaphore, #tpu.memory_space<semaphore_mem>>)
    %dma_wait3A_96 = tpu.memref_slice %arg3[%mul3A_4] : memref<327680xi32, #tpu.memory_space<hbm>> -> memref<128xi32, #tpu.memory_space<hbm>>
    %dma_wait3A_97 = tpu.memref_slice %arg3[%mul3A_4] : memref<327680xi32, #tpu.memory_space<hbm>> -> memref<128xi32, #tpu.memory_space<hbm>>
    tpu.wait_dma2 semaphore(%arg21 : memref<!tpu.dma_semaphore, #tpu.memory_space<semaphore_mem>>) src(%dma_wait3A_97 : memref<128xi32, #tpu.memory_space<hbm>>) dst(%arg10 : memref<128xi32, #tpu.memory_space<vmem>>)
    %dma_wait3A_98 = tpu.memref_slice %arg4[%mul3A_4] : memref<327680xi32, #tpu.memory_space<hbm>> -> memref<128xi32, #tpu.memory_space<hbm>>
    %dma_wait3A_99 = tpu.memref_slice %arg4[%mul3A_4] : memref<327680xi32, #tpu.memory_space<hbm>> -> memref<128xi32, #tpu.memory_space<hbm>>
    tpu.wait_dma2 semaphore(%arg21 : memref<!tpu.dma_semaphore, #tpu.memory_space<semaphore_mem>>) src(%dma_wait3A_99 : memref<128xi32, #tpu.memory_space<hbm>>) dst(%arg14 : memref<128xi32, #tpu.memory_space<vmem>>)
    %dma_start3A_100 = arith.constant 0 : i32
    %dma_start3A_101 = arith.constant 0 : i32
    %dma_start3A_102 = tpu.memref_slice %arg2[%dma_start3A_100, %dma_start3A_101] : memref<10000x64xf32, #tpu.memory_space<hbm>> -> memref<10000x64xf32, #tpu.memory_space<hbm>>
    tpu.enqueue_indirect_dma source(%dma_start3A_102 : memref<10000x64xf32, #tpu.memory_space<hbm>>) target(%arg16 : memref<128x64xf32, #tpu.memory_space<vmem>>) offsets(%arg10 : memref<128xi32, #tpu.memory_space<vmem>>) semaphore(%arg23 : memref<!tpu.dma_semaphore, #tpu.memory_space<semaphore_mem>>)
    %dma_wait3A_103 = arith.constant 0 : i32
    %dma_wait3A_104 = arith.constant 0 : i32
    %dma_wait3A_105 = tpu.memref_slice %arg2[%dma_wait3A_103, %dma_wait3A_104] : memref<10000x64xf32, #tpu.memory_space<hbm>> -> memref<10000x64xf32, #tpu.memory_space<hbm>>
    tpu.wait_indirect_dma semaphore(%arg23 : memref<!tpu.dma_semaphore, #tpu.memory_space<semaphore_mem>>) src(%dma_wait3A_105 : memref<10000x64xf32, #tpu.memory_space<hbm>>) dst(%arg16 : memref<128x64xf32, #tpu.memory_space<vmem>>)
    %dma_start3A_106 = arith.constant 0 : i32
    %dma_start3A_107 = arith.constant 0 : i32
    %dma_start3A_108 = tpu.memref_slice %arg17[%dma_start3A_106, %dma_start3A_107] : memref<10240x64xf32, #tpu.memory_space<vmem_shared>> -> memref<10240x64xf32, #tpu.memory_space<vmem_shared>>
    tpu.enqueue_indirect_dma source(%arg16 : memref<128x64xf32, #tpu.memory_space<vmem>>) target(%dma_start3A_108 : memref<10240x64xf32, #tpu.memory_space<vmem_shared>>) offsets(%arg14 : memref<128xi32, #tpu.memory_space<vmem>>) semaphore(%arg25 : memref<!tpu.dma_semaphore, #tpu.memory_space<semaphore_mem>>) {add = true}
    %dma_wait3A_109 = arith.constant 0 : i32
    %dma_wait3A_110 = arith.constant 0 : i32
    %dma_wait3A_111 = tpu.memref_slice %arg17[%dma_wait3A_109, %dma_wait3A_110] : memref<10240x64xf32, #tpu.memory_space<vmem_shared>> -> memref<10240x64xf32, #tpu.memory_space<vmem_shared>>
    tpu.wait_indirect_dma semaphore(%arg24 : memref<!tpu.dma_semaphore, #tpu.memory_space<semaphore_mem>>) src(%arg15 : memref<128x64xf32, #tpu.memory_space<vmem>>) dst(%dma_wait3A_111 : memref<10240x64xf32, #tpu.memory_space<vmem_shared>>)
    %add3A_112 = arith.constant 768 : i32
    %add3A_113 = arith.addi %mul3A_4, %add3A_112 : i32
    %dma_start3A_114 = tpu.memref_slice %arg3[%add3A_113] : memref<327680xi32, #tpu.memory_space<hbm>> -> memref<128xi32, #tpu.memory_space<hbm>>
    %dma_start3A_115 = tpu.memref_slice %arg3[%add3A_113] : memref<327680xi32, #tpu.memory_space<hbm>> -> memref<128xi32, #tpu.memory_space<hbm>>
    tpu.enqueue_dma source(%dma_start3A_115 : memref<128xi32, #tpu.memory_space<hbm>>) target(%arg9 : memref<128xi32, #tpu.memory_space<vmem>>) target_semaphore(%arg20 : memref<!tpu.dma_semaphore, #tpu.memory_space<semaphore_mem>>)
    %add3A_116 = arith.constant 768 : i32
    %add3A_117 = arith.addi %mul3A_4, %add3A_116 : i32
    %dma_start3A_118 = tpu.memref_slice %arg4[%add3A_117] : memref<327680xi32, #tpu.memory_space<hbm>> -> memref<128xi32, #tpu.memory_space<hbm>>
    %dma_start3A_119 = tpu.memref_slice %arg4[%add3A_117] : memref<327680xi32, #tpu.memory_space<hbm>> -> memref<128xi32, #tpu.memory_space<hbm>>
    tpu.enqueue_dma source(%dma_start3A_119 : memref<128xi32, #tpu.memory_space<hbm>>) target(%arg13 : memref<128xi32, #tpu.memory_space<vmem>>) target_semaphore(%arg20 : memref<!tpu.dma_semaphore, #tpu.memory_space<semaphore_mem>>)
    %dma_wait3A_120 = tpu.memref_slice %arg3[%mul3A_4] : memref<327680xi32, #tpu.memory_space<hbm>> -> memref<128xi32, #tpu.memory_space<hbm>>
    %dma_wait3A_121 = tpu.memref_slice %arg3[%mul3A_4] : memref<327680xi32, #tpu.memory_space<hbm>> -> memref<128xi32, #tpu.memory_space<hbm>>
    tpu.wait_dma2 semaphore(%arg18 : memref<!tpu.dma_semaphore, #tpu.memory_space<semaphore_mem>>) src(%dma_wait3A_121 : memref<128xi32, #tpu.memory_space<hbm>>) dst(%arg7 : memref<128xi32, #tpu.memory_space<vmem>>)
    %dma_wait3A_122 = tpu.memref_slice %arg4[%mul3A_4] : memref<327680xi32, #tpu.memory_space<hbm>> -> memref<128xi32, #tpu.memory_space<hbm>>
    %dma_wait3A_123 = tpu.memref_slice %arg4[%mul3A_4] : memref<327680xi32, #tpu.memory_space<hbm>> -> memref<128xi32, #tpu.memory_space<hbm>>
    tpu.wait_dma2 semaphore(%arg18 : memref<!tpu.dma_semaphore, #tpu.memory_space<semaphore_mem>>) src(%dma_wait3A_123 : memref<128xi32, #tpu.memory_space<hbm>>) dst(%arg11 : memref<128xi32, #tpu.memory_space<vmem>>)
    %dma_start3A_124 = arith.constant 0 : i32
    %dma_start3A_125 = arith.constant 0 : i32
    %dma_start3A_126 = tpu.memref_slice %arg2[%dma_start3A_124, %dma_start3A_125] : memref<10000x64xf32, #tpu.memory_space<hbm>> -> memref<10000x64xf32, #tpu.memory_space<hbm>>
    tpu.enqueue_indirect_dma source(%dma_start3A_126 : memref<10000x64xf32, #tpu.memory_space<hbm>>) target(%arg15 : memref<128x64xf32, #tpu.memory_space<vmem>>) offsets(%arg7 : memref<128xi32, #tpu.memory_space<vmem>>) semaphore(%arg22 : memref<!tpu.dma_semaphore, #tpu.memory_space<semaphore_mem>>)
    %scan3A = arith.constant 0 : i32
    %scan3A_127 = arith.constant 0 : i32
    %scan3A_128 = arith.constant 18 : i32
    %scan3A_129 = arith.addi %scan3A_127, %scan3A_128 : i32
    %scan3A_130 = arith.constant 1 : i32
    scf.for %scan3A_201 = %scan3A_127 to %scan3A_129 step %scan3A_130  : i32 {
      %mul3A_202 = arith.constant 4 : i32
      %mul3A_203 = arith.muli %mul3A_202, %scan3A_201 : i32
      %add3A_204 = arith.constant 4 : i32
      %add3A_205 = arith.addi %mul3A_203, %add3A_204 : i32
      %add3A_206 = arith.constant 3 : i32
      %add3A_207 = arith.addi %add3A_205, %add3A_206 : i32
      %dma_wait3A_208 = arith.constant 0 : i32
      %dma_wait3A_209 = arith.constant 0 : i32
      %dma_wait3A_210 = tpu.memref_slice %arg2[%dma_wait3A_208, %dma_wait3A_209] : memref<10000x64xf32, #tpu.memory_space<hbm>> -> memref<10000x64xf32, #tpu.memory_space<hbm>>
      tpu.wait_indirect_dma semaphore(%arg22 : memref<!tpu.dma_semaphore, #tpu.memory_space<semaphore_mem>>) src(%dma_wait3A_210 : memref<10000x64xf32, #tpu.memory_space<hbm>>) dst(%arg15 : memref<128x64xf32, #tpu.memory_space<vmem>>)
      %dma_start3A_211 = arith.constant 0 : i32
      %dma_start3A_212 = arith.constant 0 : i32
      %dma_start3A_213 = tpu.memref_slice %arg17[%dma_start3A_211, %dma_start3A_212] : memref<10240x64xf32, #tpu.memory_space<vmem_shared>> -> memref<10240x64xf32, #tpu.memory_space<vmem_shared>>
      tpu.enqueue_indirect_dma source(%arg15 : memref<128x64xf32, #tpu.memory_space<vmem>>) target(%dma_start3A_213 : memref<10240x64xf32, #tpu.memory_space<vmem_shared>>) offsets(%arg11 : memref<128xi32, #tpu.memory_space<vmem>>) semaphore(%arg24 : memref<!tpu.dma_semaphore, #tpu.memory_space<semaphore_mem>>) {add = true}
      %dma_wait3A_214 = arith.constant 0 : i32
      %dma_wait3A_215 = arith.constant 0 : i32
      %dma_wait3A_216 = tpu.memref_slice %arg17[%dma_wait3A_214, %dma_wait3A_215] : memref<10240x64xf32, #tpu.memory_space<vmem_shared>> -> memref<10240x64xf32, #tpu.memory_space<vmem_shared>>
      tpu.wait_indirect_dma semaphore(%arg25 : memref<!tpu.dma_semaphore, #tpu.memory_space<semaphore_mem>>) src(%arg16 : memref<128x64xf32, #tpu.memory_space<vmem>>) dst(%dma_wait3A_216 : memref<10240x64xf32, #tpu.memory_space<vmem_shared>>)
      %mul3A_217 = arith.constant 128 : i32
      %mul3A_218 = arith.muli %add3A_207, %mul3A_217 : i32
      %add3A_219 = arith.addi %mul3A_4, %mul3A_218 : i32
      %dma_start3A_220 = tpu.memref_slice %arg3[%add3A_219] : memref<327680xi32, #tpu.memory_space<hbm>> -> memref<128xi32, #tpu.memory_space<hbm>>
      %dma_start3A_221 = tpu.memref_slice %arg3[%add3A_219] : memref<327680xi32, #tpu.memory_space<hbm>> -> memref<128xi32, #tpu.memory_space<hbm>>
      tpu.enqueue_dma source(%dma_start3A_221 : memref<128xi32, #tpu.memory_space<hbm>>) target(%arg10 : memref<128xi32, #tpu.memory_space<vmem>>) target_semaphore(%arg21 : memref<!tpu.dma_semaphore, #tpu.memory_space<semaphore_mem>>)
      %mul3A_222 = arith.constant 128 : i32
      %mul3A_223 = arith.muli %add3A_207, %mul3A_222 : i32
      %add3A_224 = arith.addi %mul3A_4, %mul3A_223 : i32
      %dma_start3A_225 = tpu.memref_slice %arg4[%add3A_224] : memref<327680xi32, #tpu.memory_space<hbm>> -> memref<128xi32, #tpu.memory_space<hbm>>
      %dma_start3A_226 = tpu.memref_slice %arg4[%add3A_224] : memref<327680xi32, #tpu.memory_space<hbm>> -> memref<128xi32, #tpu.memory_space<hbm>>
      tpu.enqueue_dma source(%dma_start3A_226 : memref<128xi32, #tpu.memory_space<hbm>>) target(%arg14 : memref<128xi32, #tpu.memory_space<vmem>>) target_semaphore(%arg21 : memref<!tpu.dma_semaphore, #tpu.memory_space<semaphore_mem>>)
      %dma_wait3A_227 = tpu.memref_slice %arg3[%mul3A_4] : memref<327680xi32, #tpu.memory_space<hbm>> -> memref<128xi32, #tpu.memory_space<hbm>>
      %dma_wait3A_228 = tpu.memref_slice %arg3[%mul3A_4] : memref<327680xi32, #tpu.memory_space<hbm>> -> memref<128xi32, #tpu.memory_space<hbm>>
      tpu.wait_dma2 semaphore(%arg19 : memref<!tpu.dma_semaphore, #tpu.memory_space<semaphore_mem>>) src(%dma_wait3A_228 : memref<128xi32, #tpu.memory_space<hbm>>) dst(%arg8 : memref<128xi32, #tpu.memory_space<vmem>>)
      %dma_wait3A_229 = tpu.memref_slice %arg4[%mul3A_4] : memref<327680xi32, #tpu.memory_space<hbm>> -> memref<128xi32, #tpu.memory_space<hbm>>
      %dma_wait3A_230 = tpu.memref_slice %arg4[%mul3A_4] : memref<327680xi32, #tpu.memory_space<hbm>> -> memref<128xi32, #tpu.memory_space<hbm>>
      tpu.wait_dma2 semaphore(%arg19 : memref<!tpu.dma_semaphore, #tpu.memory_space<semaphore_mem>>) src(%dma_wait3A_230 : memref<128xi32, #tpu.memory_space<hbm>>) dst(%arg12 : memref<128xi32, #tpu.memory_space<vmem>>)
      %dma_start3A_231 = arith.constant 0 : i32
      %dma_start3A_232 = arith.constant 0 : i32
      %dma_start3A_233 = tpu.memref_slice %arg2[%dma_start3A_231, %dma_start3A_232] : memref<10000x64xf32, #tpu.memory_space<hbm>> -> memref<10000x64xf32, #tpu.memory_space<hbm>>
      tpu.enqueue_indirect_dma source(%dma_start3A_233 : memref<10000x64xf32, #tpu.memory_space<hbm>>) target(%arg16 : memref<128x64xf32, #tpu.memory_space<vmem>>) offsets(%arg8 : memref<128xi32, #tpu.memory_space<vmem>>) semaphore(%arg23 : memref<!tpu.dma_semaphore, #tpu.memory_space<semaphore_mem>>)
      %add3A_234 = arith.constant 1 : i32
      %add3A_235 = arith.addi %add3A_205, %add3A_234 : i32
      %add3A_236 = arith.constant 4 : i32
      %add3A_237 = arith.addi %add3A_205, %add3A_236 : i32
      %dma_wait3A_238 = arith.constant 0 : i32
      %dma_wait3A_239 = arith.constant 0 : i32
      %dma_wait3A_240 = tpu.memref_slice %arg2[%dma_wait3A_238, %dma_wait3A_239] : memref<10000x64xf32, #tpu.memory_space<hbm>> -> memref<10000x64xf32, #tpu.memory_space<hbm>>
      tpu.wait_indirect_dma semaphore(%arg23 : memref<!tpu.dma_semaphore, #tpu.memory_space<semaphore_mem>>) src(%dma_wait3A_240 : memref<10000x64xf32, #tpu.memory_space<hbm>>) dst(%arg16 : memref<128x64xf32, #tpu.memory_space<vmem>>)
      %dma_start3A_241 = arith.constant 0 : i32
      %dma_start3A_242 = arith.constant 0 : i32
      %dma_start3A_243 = tpu.memref_slice %arg17[%dma_start3A_241, %dma_start3A_242] : memref<10240x64xf32, #tpu.memory_space<vmem_shared>> -> memref<10240x64xf32, #tpu.memory_space<vmem_shared>>
      tpu.enqueue_indirect_dma source(%arg16 : memref<128x64xf32, #tpu.memory_space<vmem>>) target(%dma_start3A_243 : memref<10240x64xf32, #tpu.memory_space<vmem_shared>>) offsets(%arg12 : memref<128xi32, #tpu.memory_space<vmem>>) semaphore(%arg25 : memref<!tpu.dma_semaphore, #tpu.memory_space<semaphore_mem>>) {add = true}
      %dma_wait3A_244 = arith.constant 0 : i32
      %dma_wait3A_245 = arith.constant 0 : i32
      %dma_wait3A_246 = tpu.memref_slice %arg17[%dma_wait3A_244, %dma_wait3A_245] : memref<10240x64xf32, #tpu.memory_space<vmem_shared>> -> memref<10240x64xf32, #tpu.memory_space<vmem_shared>>
      tpu.wait_indirect_dma semaphore(%arg24 : memref<!tpu.dma_semaphore, #tpu.memory_space<semaphore_mem>>) src(%arg15 : memref<128x64xf32, #tpu.memory_space<vmem>>) dst(%dma_wait3A_246 : memref<10240x64xf32, #tpu.memory_space<vmem_shared>>)
      %mul3A_247 = arith.constant 128 : i32
      %mul3A_248 = arith.muli %add3A_237, %mul3A_247 : i32
      %add3A_249 = arith.addi %mul3A_4, %mul3A_248 : i32
      %dma_start3A_250 = tpu.memref_slice %arg3[%add3A_249] : memref<327680xi32, #tpu.memory_space<hbm>> -> memref<128xi32, #tpu.memory_space<hbm>>
      %dma_start3A_251 = tpu.memref_slice %arg3[%add3A_249] : memref<327680xi32, #tpu.memory_space<hbm>> -> memref<128xi32, #tpu.memory_space<hbm>>
      tpu.enqueue_dma source(%dma_start3A_251 : memref<128xi32, #tpu.memory_space<hbm>>) target(%arg7 : memref<128xi32, #tpu.memory_space<vmem>>) target_semaphore(%arg18 : memref<!tpu.dma_semaphore, #tpu.memory_space<semaphore_mem>>)
      %mul3A_252 = arith.constant 128 : i32
      %mul3A_253 = arith.muli %add3A_237, %mul3A_252 : i32
      %add3A_254 = arith.addi %mul3A_4, %mul3A_253 : i32
      %dma_start3A_255 = tpu.memref_slice %arg4[%add3A_254] : memref<327680xi32, #tpu.memory_space<hbm>> -> memref<128xi32, #tpu.memory_space<hbm>>
      %dma_start3A_256 = tpu.memref_slice %arg4[%add3A_254] : memref<327680xi32, #tpu.memory_space<hbm>> -> memref<128xi32, #tpu.memory_space<hbm>>
      tpu.enqueue_dma source(%dma_start3A_256 : memref<128xi32, #tpu.memory_space<hbm>>) target(%arg11 : memref<128xi32, #tpu.memory_space<vmem>>) target_semaphore(%arg18 : memref<!tpu.dma_semaphore, #tpu.memory_space<semaphore_mem>>)
      %dma_wait3A_257 = tpu.memref_slice %arg3[%mul3A_4] : memref<327680xi32, #tpu.memory_space<hbm>> -> memref<128xi32, #tpu.memory_space<hbm>>
      %dma_wait3A_258 = tpu.memref_slice %arg3[%mul3A_4] : memref<327680xi32, #tpu.memory_space<hbm>> -> memref<128xi32, #tpu.memory_space<hbm>>
      tpu.wait_dma2 semaphore(%arg20 : memref<!tpu.dma_semaphore, #tpu.memory_space<semaphore_mem>>) src(%dma_wait3A_258 : memref<128xi32, #tpu.memory_space<hbm>>) dst(%arg9 : memref<128xi32, #tpu.memory_space<vmem>>)
      %dma_wait3A_259 = tpu.memref_slice %arg4[%mul3A_4] : memref<327680xi32, #tpu.memory_space<hbm>> -> memref<128xi32, #tpu.memory_space<hbm>>
      %dma_wait3A_260 = tpu.memref_slice %arg4[%mul3A_4] : memref<327680xi32, #tpu.memory_space<hbm>> -> memref<128xi32, #tpu.memory_space<hbm>>
      tpu.wait_dma2 semaphore(%arg20 : memref<!tpu.dma_semaphore, #tpu.memory_space<semaphore_mem>>) src(%dma_wait3A_260 : memref<128xi32, #tpu.memory_space<hbm>>) dst(%arg13 : memref<128xi32, #tpu.memory_space<vmem>>)
      %dma_start3A_261 = arith.constant 0 : i32
      %dma_start3A_262 = arith.constant 0 : i32
      %dma_start3A_263 = tpu.memref_slice %arg2[%dma_start3A_261, %dma_start3A_262] : memref<10000x64xf32, #tpu.memory_space<hbm>> -> memref<10000x64xf32, #tpu.memory_space<hbm>>
      tpu.enqueue_indirect_dma source(%dma_start3A_263 : memref<10000x64xf32, #tpu.memory_space<hbm>>) target(%arg15 : memref<128x64xf32, #tpu.memory_space<vmem>>) offsets(%arg9 : memref<128xi32, #tpu.memory_space<vmem>>) semaphore(%arg22 : memref<!tpu.dma_semaphore, #tpu.memory_space<semaphore_mem>>)
      %add3A_264 = arith.constant 2 : i32
      %add3A_265 = arith.addi %add3A_205, %add3A_264 : i32
      %add3A_266 = arith.constant 5 : i32
      %add3A_267 = arith.addi %add3A_205, %add3A_266 : i32
      %dma_wait3A_268 = arith.constant 0 : i32
      %dma_wait3A_269 = arith.constant 0 : i32
      %dma_wait3A_270 = tpu.memref_slice %arg2[%dma_wait3A_268, %dma_wait3A_269] : memref<10000x64xf32, #tpu.memory_space<hbm>> -> memref<10000x64xf32, #tpu.memory_space<hbm>>
      tpu.wait_indirect_dma semaphore(%arg22 : memref<!tpu.dma_semaphore, #tpu.memory_space<semaphore_mem>>) src(%dma_wait3A_270 : memref<10000x64xf32, #tpu.memory_space<hbm>>) dst(%arg15 : memref<128x64xf32, #tpu.memory_space<vmem>>)
      %dma_start3A_271 = arith.constant 0 : i32
      %dma_start3A_272 = arith.constant 0 : i32
      %dma_start3A_273 = tpu.memref_slice %arg17[%dma_start3A_271, %dma_start3A_272] : memref<10240x64xf32, #tpu.memory_space<vmem_shared>> -> memref<10240x64xf32, #tpu.memory_space<vmem_shared>>
      tpu.enqueue_indirect_dma source(%arg15 : memref<128x64xf32, #tpu.memory_space<vmem>>) target(%dma_start3A_273 : memref<10240x64xf32, #tpu.memory_space<vmem_shared>>) offsets(%arg13 : memref<128xi32, #tpu.memory_space<vmem>>) semaphore(%arg24 : memref<!tpu.dma_semaphore, #tpu.memory_space<semaphore_mem>>) {add = true}
      %dma_wait3A_274 = arith.constant 0 : i32
      %dma_wait3A_275 = arith.constant 0 : i32
      %dma_wait3A_276 = tpu.memref_slice %arg17[%dma_wait3A_274, %dma_wait3A_275] : memref<10240x64xf32, #tpu.memory_space<vmem_shared>> -> memref<10240x64xf32, #tpu.memory_space<vmem_shared>>
      tpu.wait_indirect_dma semaphore(%arg25 : memref<!tpu.dma_semaphore, #tpu.memory_space<semaphore_mem>>) src(%arg16 : memref<128x64xf32, #tpu.memory_space<vmem>>) dst(%dma_wait3A_276 : memref<10240x64xf32, #tpu.memory_space<vmem_shared>>)
      %mul3A_277 = arith.constant 128 : i32
      %mul3A_278 = arith.muli %add3A_267, %mul3A_277 : i32
      %add3A_279 = arith.addi %mul3A_4, %mul3A_278 : i32
      %dma_start3A_280 = tpu.memref_slice %arg3[%add3A_279] : memref<327680xi32, #tpu.memory_space<hbm>> -> memref<128xi32, #tpu.memory_space<hbm>>
      %dma_start3A_281 = tpu.memref_slice %arg3[%add3A_279] : memref<327680xi32, #tpu.memory_space<hbm>> -> memref<128xi32, #tpu.memory_space<hbm>>
      tpu.enqueue_dma source(%dma_start3A_281 : memref<128xi32, #tpu.memory_space<hbm>>) target(%arg8 : memref<128xi32, #tpu.memory_space<vmem>>) target_semaphore(%arg19 : memref<!tpu.dma_semaphore, #tpu.memory_space<semaphore_mem>>)
      %mul3A_282 = arith.constant 128 : i32
      %mul3A_283 = arith.muli %add3A_267, %mul3A_282 : i32
      %add3A_284 = arith.addi %mul3A_4, %mul3A_283 : i32
      %dma_start3A_285 = tpu.memref_slice %arg4[%add3A_284] : memref<327680xi32, #tpu.memory_space<hbm>> -> memref<128xi32, #tpu.memory_space<hbm>>
      %dma_start3A_286 = tpu.memref_slice %arg4[%add3A_284] : memref<327680xi32, #tpu.memory_space<hbm>> -> memref<128xi32, #tpu.memory_space<hbm>>
      tpu.enqueue_dma source(%dma_start3A_286 : memref<128xi32, #tpu.memory_space<hbm>>) target(%arg12 : memref<128xi32, #tpu.memory_space<vmem>>) target_semaphore(%arg19 : memref<!tpu.dma_semaphore, #tpu.memory_space<semaphore_mem>>)
      %dma_wait3A_287 = tpu.memref_slice %arg3[%mul3A_4] : memref<327680xi32, #tpu.memory_space<hbm>> -> memref<128xi32, #tpu.memory_space<hbm>>
      %dma_wait3A_288 = tpu.memref_slice %arg3[%mul3A_4] : memref<327680xi32, #tpu.memory_space<hbm>> -> memref<128xi32, #tpu.memory_space<hbm>>
      tpu.wait_dma2 semaphore(%arg21 : memref<!tpu.dma_semaphore, #tpu.memory_space<semaphore_mem>>) src(%dma_wait3A_288 : memref<128xi32, #tpu.memory_space<hbm>>) dst(%arg10 : memref<128xi32, #tpu.memory_space<vmem>>)
      %dma_wait3A_289 = tpu.memref_slice %arg4[%mul3A_4] : memref<327680xi32, #tpu.memory_space<hbm>> -> memref<128xi32, #tpu.memory_space<hbm>>
      %dma_wait3A_290 = tpu.memref_slice %arg4[%mul3A_4] : memref<327680xi32, #tpu.memory_space<hbm>> -> memref<128xi32, #tpu.memory_space<hbm>>
      tpu.wait_dma2 semaphore(%arg21 : memref<!tpu.dma_semaphore, #tpu.memory_space<semaphore_mem>>) src(%dma_wait3A_290 : memref<128xi32, #tpu.memory_space<hbm>>) dst(%arg14 : memref<128xi32, #tpu.memory_space<vmem>>)
      %dma_start3A_291 = arith.constant 0 : i32
      %dma_start3A_292 = arith.constant 0 : i32
      %dma_start3A_293 = tpu.memref_slice %arg2[%dma_start3A_291, %dma_start3A_292] : memref<10000x64xf32, #tpu.memory_space<hbm>> -> memref<10000x64xf32, #tpu.memory_space<hbm>>
      tpu.enqueue_indirect_dma source(%dma_start3A_293 : memref<10000x64xf32, #tpu.memory_space<hbm>>) target(%arg16 : memref<128x64xf32, #tpu.memory_space<vmem>>) offsets(%arg10 : memref<128xi32, #tpu.memory_space<vmem>>) semaphore(%arg23 : memref<!tpu.dma_semaphore, #tpu.memory_space<semaphore_mem>>)
      %add3A_294 = arith.constant 3 : i32
      %add3A_295 = arith.addi %add3A_205, %add3A_294 : i32
      %add3A_296 = arith.constant 6 : i32
      %add3A_297 = arith.addi %add3A_205, %add3A_296 : i32
      %dma_wait3A_298 = arith.constant 0 : i32
      %dma_wait3A_299 = arith.constant 0 : i32
      %dma_wait3A_300 = tpu.memref_slice %arg2[%dma_wait3A_298, %dma_wait3A_299] : memref<10000x64xf32, #tpu.memory_space<hbm>> -> memref<10000x64xf32, #tpu.memory_space<hbm>>
      tpu.wait_indirect_dma semaphore(%arg23 : memref<!tpu.dma_semaphore, #tpu.memory_space<semaphore_mem>>) src(%dma_wait3A_300 : memref<10000x64xf32, #tpu.memory_space<hbm>>) dst(%arg16 : memref<128x64xf32, #tpu.memory_space<vmem>>)
      %dma_start3A_301 = arith.constant 0 : i32
      %dma_start3A_302 = arith.constant 0 : i32
      %dma_start3A_303 = tpu.memref_slice %arg17[%dma_start3A_301, %dma_start3A_302] : memref<10240x64xf32, #tpu.memory_space<vmem_shared>> -> memref<10240x64xf32, #tpu.memory_space<vmem_shared>>
      tpu.enqueue_indirect_dma source(%arg16 : memref<128x64xf32, #tpu.memory_space<vmem>>) target(%dma_start3A_303 : memref<10240x64xf32, #tpu.memory_space<vmem_shared>>) offsets(%arg14 : memref<128xi32, #tpu.memory_space<vmem>>) semaphore(%arg25 : memref<!tpu.dma_semaphore, #tpu.memory_space<semaphore_mem>>) {add = true}
      %dma_wait3A_304 = arith.constant 0 : i32
      %dma_wait3A_305 = arith.constant 0 : i32
      %dma_wait3A_306 = tpu.memref_slice %arg17[%dma_wait3A_304, %dma_wait3A_305] : memref<10240x64xf32, #tpu.memory_space<vmem_shared>> -> memref<10240x64xf32, #tpu.memory_space<vmem_shared>>
      tpu.wait_indirect_dma semaphore(%arg24 : memref<!tpu.dma_semaphore, #tpu.memory_space<semaphore_mem>>) src(%arg15 : memref<128x64xf32, #tpu.memory_space<vmem>>) dst(%dma_wait3A_306 : memref<10240x64xf32, #tpu.memory_space<vmem_shared>>)
      %mul3A_307 = arith.constant 128 : i32
      %mul3A_308 = arith.muli %add3A_297, %mul3A_307 : i32
      %add3A_309 = arith.addi %mul3A_4, %mul3A_308 : i32
      %dma_start3A_310 = tpu.memref_slice %arg3[%add3A_309] : memref<327680xi32, #tpu.memory_space<hbm>> -> memref<128xi32, #tpu.memory_space<hbm>>
      %dma_start3A_311 = tpu.memref_slice %arg3[%add3A_309] : memref<327680xi32, #tpu.memory_space<hbm>> -> memref<128xi32, #tpu.memory_space<hbm>>
      tpu.enqueue_dma source(%dma_start3A_311 : memref<128xi32, #tpu.memory_space<hbm>>) target(%arg9 : memref<128xi32, #tpu.memory_space<vmem>>) target_semaphore(%arg20 : memref<!tpu.dma_semaphore, #tpu.memory_space<semaphore_mem>>)
      %mul3A_312 = arith.constant 128 : i32
      %mul3A_313 = arith.muli %add3A_297, %mul3A_312 : i32
      %add3A_314 = arith.addi %mul3A_4, %mul3A_313 : i32
      %dma_start3A_315 = tpu.memref_slice %arg4[%add3A_314] : memref<327680xi32, #tpu.memory_space<hbm>> -> memref<128xi32, #tpu.memory_space<hbm>>
      %dma_start3A_316 = tpu.memref_slice %arg4[%add3A_314] : memref<327680xi32, #tpu.memory_space<hbm>> -> memref<128xi32, #tpu.memory_space<hbm>>
      tpu.enqueue_dma source(%dma_start3A_316 : memref<128xi32, #tpu.memory_space<hbm>>) target(%arg13 : memref<128xi32, #tpu.memory_space<vmem>>) target_semaphore(%arg20 : memref<!tpu.dma_semaphore, #tpu.memory_space<semaphore_mem>>)
      %dma_wait3A_317 = tpu.memref_slice %arg3[%mul3A_4] : memref<327680xi32, #tpu.memory_space<hbm>> -> memref<128xi32, #tpu.memory_space<hbm>>
      %dma_wait3A_318 = tpu.memref_slice %arg3[%mul3A_4] : memref<327680xi32, #tpu.memory_space<hbm>> -> memref<128xi32, #tpu.memory_space<hbm>>
      tpu.wait_dma2 semaphore(%arg18 : memref<!tpu.dma_semaphore, #tpu.memory_space<semaphore_mem>>) src(%dma_wait3A_318 : memref<128xi32, #tpu.memory_space<hbm>>) dst(%arg7 : memref<128xi32, #tpu.memory_space<vmem>>)
      %dma_wait3A_319 = tpu.memref_slice %arg4[%mul3A_4] : memref<327680xi32, #tpu.memory_space<hbm>> -> memref<128xi32, #tpu.memory_space<hbm>>
      %dma_wait3A_320 = tpu.memref_slice %arg4[%mul3A_4] : memref<327680xi32, #tpu.memory_space<hbm>> -> memref<128xi32, #tpu.memory_space<hbm>>
      tpu.wait_dma2 semaphore(%arg18 : memref<!tpu.dma_semaphore, #tpu.memory_space<semaphore_mem>>) src(%dma_wait3A_320 : memref<128xi32, #tpu.memory_space<hbm>>) dst(%arg11 : memref<128xi32, #tpu.memory_space<vmem>>)
      %dma_start3A_321 = arith.constant 0 : i32
      %dma_start3A_322 = arith.constant 0 : i32
      %dma_start3A_323 = tpu.memref_slice %arg2[%dma_start3A_321, %dma_start3A_322] : memref<10000x64xf32, #tpu.memory_space<hbm>> -> memref<10000x64xf32, #tpu.memory_space<hbm>>
      tpu.enqueue_indirect_dma source(%dma_start3A_323 : memref<10000x64xf32, #tpu.memory_space<hbm>>) target(%arg15 : memref<128x64xf32, #tpu.memory_space<vmem>>) offsets(%arg7 : memref<128xi32, #tpu.memory_space<vmem>>) semaphore(%arg22 : memref<!tpu.dma_semaphore, #tpu.memory_space<semaphore_mem>>)
    }
    %scan3A_131 = arith.constant 18 : i32
    %dma_wait3A_132 = arith.constant 0 : i32
    %dma_wait3A_133 = arith.constant 0 : i32
    %dma_wait3A_134 = tpu.memref_slice %arg2[%dma_wait3A_132, %dma_wait3A_133] : memref<10000x64xf32, #tpu.memory_space<hbm>> -> memref<10000x64xf32, #tpu.memory_space<hbm>>
    tpu.wait_indirect_dma semaphore(%arg22 : memref<!tpu.dma_semaphore, #tpu.memory_space<semaphore_mem>>) src(%dma_wait3A_134 : memref<10000x64xf32, #tpu.memory_space<hbm>>) dst(%arg15 : memref<128x64xf32, #tpu.memory_space<vmem>>)
    %dma_start3A_135 = arith.constant 0 : i32
    %dma_start3A_136 = arith.constant 0 : i32
    %dma_start3A_137 = tpu.memref_slice %arg17[%dma_start3A_135, %dma_start3A_136] : memref<10240x64xf32, #tpu.memory_space<vmem_shared>> -> memref<10240x64xf32, #tpu.memory_space<vmem_shared>>
    tpu.enqueue_indirect_dma source(%arg15 : memref<128x64xf32, #tpu.memory_space<vmem>>) target(%dma_start3A_137 : memref<10240x64xf32, #tpu.memory_space<vmem_shared>>) offsets(%arg11 : memref<128xi32, #tpu.memory_space<vmem>>) semaphore(%arg24 : memref<!tpu.dma_semaphore, #tpu.memory_space<semaphore_mem>>) {add = true}
    %dma_wait3A_138 = arith.constant 0 : i32
    %dma_wait3A_139 = arith.constant 0 : i32
    %dma_wait3A_140 = tpu.memref_slice %arg17[%dma_wait3A_138, %dma_wait3A_139] : memref<10240x64xf32, #tpu.memory_space<vmem_shared>> -> memref<10240x64xf32, #tpu.memory_space<vmem_shared>>
    tpu.wait_indirect_dma semaphore(%arg25 : memref<!tpu.dma_semaphore, #tpu.memory_space<semaphore_mem>>) src(%arg16 : memref<128x64xf32, #tpu.memory_space<vmem>>) dst(%dma_wait3A_140 : memref<10240x64xf32, #tpu.memory_space<vmem_shared>>)
    %add3A_141 = arith.constant 10112 : i32
    %add3A_142 = arith.addi %mul3A_4, %add3A_141 : i32
    %dma_start3A_143 = tpu.memref_slice %arg3[%add3A_142] : memref<327680xi32, #tpu.memory_space<hbm>> -> memref<128xi32, #tpu.memory_space<hbm>>
    %dma_start3A_144 = tpu.memref_slice %arg3[%add3A_142] : memref<327680xi32, #tpu.memory_space<hbm>> -> memref<128xi32, #tpu.memory_space<hbm>>
    tpu.enqueue_dma source(%dma_start3A_144 : memref<128xi32, #tpu.memory_space<hbm>>) target(%arg10 : memref<128xi32, #tpu.memory_space<vmem>>) target_semaphore(%arg21 : memref<!tpu.dma_semaphore, #tpu.memory_space<semaphore_mem>>)
    %add3A_145 = arith.constant 10112 : i32
    %add3A_146 = arith.addi %mul3A_4, %add3A_145 : i32
    %dma_start3A_147 = tpu.memref_slice %arg4[%add3A_146] : memref<327680xi32, #tpu.memory_space<hbm>> -> memref<128xi32, #tpu.memory_space<hbm>>
    %dma_start3A_148 = tpu.memref_slice %arg4[%add3A_146] : memref<327680xi32, #tpu.memory_space<hbm>> -> memref<128xi32, #tpu.memory_space<hbm>>
    tpu.enqueue_dma source(%dma_start3A_148 : memref<128xi32, #tpu.memory_space<hbm>>) target(%arg14 : memref<128xi32, #tpu.memory_space<vmem>>) target_semaphore(%arg21 : memref<!tpu.dma_semaphore, #tpu.memory_space<semaphore_mem>>)
    %dma_wait3A_149 = tpu.memref_slice %arg3[%mul3A_4] : memref<327680xi32, #tpu.memory_space<hbm>> -> memref<128xi32, #tpu.memory_space<hbm>>
    %dma_wait3A_150 = tpu.memref_slice %arg3[%mul3A_4] : memref<327680xi32, #tpu.memory_space<hbm>> -> memref<128xi32, #tpu.memory_space<hbm>>
    tpu.wait_dma2 semaphore(%arg19 : memref<!tpu.dma_semaphore, #tpu.memory_space<semaphore_mem>>) src(%dma_wait3A_150 : memref<128xi32, #tpu.memory_space<hbm>>) dst(%arg8 : memref<128xi32, #tpu.memory_space<vmem>>)
    %dma_wait3A_151 = tpu.memref_slice %arg4[%mul3A_4] : memref<327680xi32, #tpu.memory_space<hbm>> -> memref<128xi32, #tpu.memory_space<hbm>>
    %dma_wait3A_152 = tpu.memref_slice %arg4[%mul3A_4] : memref<327680xi32, #tpu.memory_space<hbm>> -> memref<128xi32, #tpu.memory_space<hbm>>
    tpu.wait_dma2 semaphore(%arg19 : memref<!tpu.dma_semaphore, #tpu.memory_space<semaphore_mem>>) src(%dma_wait3A_152 : memref<128xi32, #tpu.memory_space<hbm>>) dst(%arg12 : memref<128xi32, #tpu.memory_space<vmem>>)
    %dma_start3A_153 = arith.constant 0 : i32
    %dma_start3A_154 = arith.constant 0 : i32
    %dma_start3A_155 = tpu.memref_slice %arg2[%dma_start3A_153, %dma_start3A_154] : memref<10000x64xf32, #tpu.memory_space<hbm>> -> memref<10000x64xf32, #tpu.memory_space<hbm>>
    tpu.enqueue_indirect_dma source(%dma_start3A_155 : memref<10000x64xf32, #tpu.memory_space<hbm>>) target(%arg16 : memref<128x64xf32, #tpu.memory_space<vmem>>) offsets(%arg8 : memref<128xi32, #tpu.memory_space<vmem>>) semaphore(%arg23 : memref<!tpu.dma_semaphore, #tpu.memory_space<semaphore_mem>>)
    %dma_wait3A_156 = arith.constant 0 : i32
    %dma_wait3A_157 = arith.constant 0 : i32
    %dma_wait3A_158 = tpu.memref_slice %arg2[%dma_wait3A_156, %dma_wait3A_157] : memref<10000x64xf32, #tpu.memory_space<hbm>> -> memref<10000x64xf32, #tpu.memory_space<hbm>>
    tpu.wait_indirect_dma semaphore(%arg23 : memref<!tpu.dma_semaphore, #tpu.memory_space<semaphore_mem>>) src(%dma_wait3A_158 : memref<10000x64xf32, #tpu.memory_space<hbm>>) dst(%arg16 : memref<128x64xf32, #tpu.memory_space<vmem>>)
    %dma_start3A_159 = arith.constant 0 : i32
    %dma_start3A_160 = arith.constant 0 : i32
    %dma_start3A_161 = tpu.memref_slice %arg17[%dma_start3A_159, %dma_start3A_160] : memref<10240x64xf32, #tpu.memory_space<vmem_shared>> -> memref<10240x64xf32, #tpu.memory_space<vmem_shared>>
    tpu.enqueue_indirect_dma source(%arg16 : memref<128x64xf32, #tpu.memory_space<vmem>>) target(%dma_start3A_161 : memref<10240x64xf32, #tpu.memory_space<vmem_shared>>) offsets(%arg12 : memref<128xi32, #tpu.memory_space<vmem>>) semaphore(%arg25 : memref<!tpu.dma_semaphore, #tpu.memory_space<semaphore_mem>>) {add = true}
    %dma_wait3A_162 = arith.constant 0 : i32
    %dma_wait3A_163 = arith.constant 0 : i32
    %dma_wait3A_164 = tpu.memref_slice %arg17[%dma_wait3A_162, %dma_wait3A_163] : memref<10240x64xf32, #tpu.memory_space<vmem_shared>> -> memref<10240x64xf32, #tpu.memory_space<vmem_shared>>
    tpu.wait_indirect_dma semaphore(%arg24 : memref<!tpu.dma_semaphore, #tpu.memory_space<semaphore_mem>>) src(%arg15 : memref<128x64xf32, #tpu.memory_space<vmem>>) dst(%dma_wait3A_164 : memref<10240x64xf32, #tpu.memory_space<vmem_shared>>)
    %dma_wait3A_165 = tpu.memref_slice %arg3[%mul3A_4] : memref<327680xi32, #tpu.memory_space<hbm>> -> memref<128xi32, #tpu.memory_space<hbm>>
    %dma_wait3A_166 = tpu.memref_slice %arg3[%mul3A_4] : memref<327680xi32, #tpu.memory_space<hbm>> -> memref<128xi32, #tpu.memory_space<hbm>>
    tpu.wait_dma2 semaphore(%arg20 : memref<!tpu.dma_semaphore, #tpu.memory_space<semaphore_mem>>) src(%dma_wait3A_166 : memref<128xi32, #tpu.memory_space<hbm>>) dst(%arg9 : memref<128xi32, #tpu.memory_space<vmem>>)
    %dma_wait3A_167 = tpu.memref_slice %arg4[%mul3A_4] : memref<327680xi32, #tpu.memory_space<hbm>> -> memref<128xi32, #tpu.memory_space<hbm>>
    %dma_wait3A_168 = tpu.memref_slice %arg4[%mul3A_4] : memref<327680xi32, #tpu.memory_space<hbm>> -> memref<128xi32, #tpu.memory_space<hbm>>
    tpu.wait_dma2 semaphore(%arg20 : memref<!tpu.dma_semaphore, #tpu.memory_space<semaphore_mem>>) src(%dma_wait3A_168 : memref<128xi32, #tpu.memory_space<hbm>>) dst(%arg13 : memref<128xi32, #tpu.memory_space<vmem>>)
    %dma_start3A_169 = arith.constant 0 : i32
    %dma_start3A_170 = arith.constant 0 : i32
    %dma_start3A_171 = tpu.memref_slice %arg2[%dma_start3A_169, %dma_start3A_170] : memref<10000x64xf32, #tpu.memory_space<hbm>> -> memref<10000x64xf32, #tpu.memory_space<hbm>>
    tpu.enqueue_indirect_dma source(%dma_start3A_171 : memref<10000x64xf32, #tpu.memory_space<hbm>>) target(%arg15 : memref<128x64xf32, #tpu.memory_space<vmem>>) offsets(%arg9 : memref<128xi32, #tpu.memory_space<vmem>>) semaphore(%arg22 : memref<!tpu.dma_semaphore, #tpu.memory_space<semaphore_mem>>)
    %dma_wait3A_172 = arith.constant 0 : i32
    %dma_wait3A_173 = arith.constant 0 : i32
    %dma_wait3A_174 = tpu.memref_slice %arg2[%dma_wait3A_172, %dma_wait3A_173] : memref<10000x64xf32, #tpu.memory_space<hbm>> -> memref<10000x64xf32, #tpu.memory_space<hbm>>
    tpu.wait_indirect_dma semaphore(%arg22 : memref<!tpu.dma_semaphore, #tpu.memory_space<semaphore_mem>>) src(%dma_wait3A_174 : memref<10000x64xf32, #tpu.memory_space<hbm>>) dst(%arg15 : memref<128x64xf32, #tpu.memory_space<vmem>>)
    %dma_start3A_175 = arith.constant 0 : i32
    %dma_start3A_176 = arith.constant 0 : i32
    %dma_start3A_177 = tpu.memref_slice %arg17[%dma_start3A_175, %dma_start3A_176] : memref<10240x64xf32, #tpu.memory_space<vmem_shared>> -> memref<10240x64xf32, #tpu.memory_space<vmem_shared>>
    tpu.enqueue_indirect_dma source(%arg15 : memref<128x64xf32, #tpu.memory_space<vmem>>) target(%dma_start3A_177 : memref<10240x64xf32, #tpu.memory_space<vmem_shared>>) offsets(%arg13 : memref<128xi32, #tpu.memory_space<vmem>>) semaphore(%arg24 : memref<!tpu.dma_semaphore, #tpu.memory_space<semaphore_mem>>) {add = true}
    %dma_wait3A_178 = arith.constant 0 : i32
    %dma_wait3A_179 = arith.constant 0 : i32
    %dma_wait3A_180 = tpu.memref_slice %arg17[%dma_wait3A_178, %dma_wait3A_179] : memref<10240x64xf32, #tpu.memory_space<vmem_shared>> -> memref<10240x64xf32, #tpu.memory_space<vmem_shared>>
    tpu.wait_indirect_dma semaphore(%arg25 : memref<!tpu.dma_semaphore, #tpu.memory_space<semaphore_mem>>) src(%arg16 : memref<128x64xf32, #tpu.memory_space<vmem>>) dst(%dma_wait3A_180 : memref<10240x64xf32, #tpu.memory_space<vmem_shared>>)
    %dma_wait3A_181 = tpu.memref_slice %arg3[%mul3A_4] : memref<327680xi32, #tpu.memory_space<hbm>> -> memref<128xi32, #tpu.memory_space<hbm>>
    %dma_wait3A_182 = tpu.memref_slice %arg3[%mul3A_4] : memref<327680xi32, #tpu.memory_space<hbm>> -> memref<128xi32, #tpu.memory_space<hbm>>
    tpu.wait_dma2 semaphore(%arg21 : memref<!tpu.dma_semaphore, #tpu.memory_space<semaphore_mem>>) src(%dma_wait3A_182 : memref<128xi32, #tpu.memory_space<hbm>>) dst(%arg10 : memref<128xi32, #tpu.memory_space<vmem>>)
    %dma_wait3A_183 = tpu.memref_slice %arg4[%mul3A_4] : memref<327680xi32, #tpu.memory_space<hbm>> -> memref<128xi32, #tpu.memory_space<hbm>>
    %dma_wait3A_184 = tpu.memref_slice %arg4[%mul3A_4] : memref<327680xi32, #tpu.memory_space<hbm>> -> memref<128xi32, #tpu.memory_space<hbm>>
    tpu.wait_dma2 semaphore(%arg21 : memref<!tpu.dma_semaphore, #tpu.memory_space<semaphore_mem>>) src(%dma_wait3A_184 : memref<128xi32, #tpu.memory_space<hbm>>) dst(%arg14 : memref<128xi32, #tpu.memory_space<vmem>>)
    %dma_start3A_185 = arith.constant 0 : i32
    %dma_start3A_186 = arith.constant 0 : i32
    %dma_start3A_187 = tpu.memref_slice %arg2[%dma_start3A_185, %dma_start3A_186] : memref<10000x64xf32, #tpu.memory_space<hbm>> -> memref<10000x64xf32, #tpu.memory_space<hbm>>
    tpu.enqueue_indirect_dma source(%dma_start3A_187 : memref<10000x64xf32, #tpu.memory_space<hbm>>) target(%arg16 : memref<128x64xf32, #tpu.memory_space<vmem>>) offsets(%arg10 : memref<128xi32, #tpu.memory_space<vmem>>) semaphore(%arg23 : memref<!tpu.dma_semaphore, #tpu.memory_space<semaphore_mem>>)
    %dma_wait3A_188 = arith.constant 0 : i32
    %dma_wait3A_189 = arith.constant 0 : i32
    %dma_wait3A_190 = tpu.memref_slice %arg2[%dma_wait3A_188, %dma_wait3A_189] : memref<10000x64xf32, #tpu.memory_space<hbm>> -> memref<10000x64xf32, #tpu.memory_space<hbm>>
    tpu.wait_indirect_dma semaphore(%arg23 : memref<!tpu.dma_semaphore, #tpu.memory_space<semaphore_mem>>) src(%dma_wait3A_190 : memref<10000x64xf32, #tpu.memory_space<hbm>>) dst(%arg16 : memref<128x64xf32, #tpu.memory_space<vmem>>)
    %dma_start3A_191 = arith.constant 0 : i32
    %dma_start3A_192 = arith.constant 0 : i32
    %dma_start3A_193 = tpu.memref_slice %arg17[%dma_start3A_191, %dma_start3A_192] : memref<10240x64xf32, #tpu.memory_space<vmem_shared>> -> memref<10240x64xf32, #tpu.memory_space<vmem_shared>>
    tpu.enqueue_indirect_dma source(%arg16 : memref<128x64xf32, #tpu.memory_space<vmem>>) target(%dma_start3A_193 : memref<10240x64xf32, #tpu.memory_space<vmem_shared>>) offsets(%arg14 : memref<128xi32, #tpu.memory_space<vmem>>) semaphore(%arg25 : memref<!tpu.dma_semaphore, #tpu.memory_space<semaphore_mem>>) {add = true}
    %dma_wait3A_194 = arith.constant 0 : i32
    %dma_wait3A_195 = arith.constant 0 : i32
    %dma_wait3A_196 = tpu.memref_slice %arg17[%dma_wait3A_194, %dma_wait3A_195] : memref<10240x64xf32, #tpu.memory_space<vmem_shared>> -> memref<10240x64xf32, #tpu.memory_space<vmem_shared>>
    tpu.wait_indirect_dma semaphore(%arg24 : memref<!tpu.dma_semaphore, #tpu.memory_space<semaphore_mem>>) src(%arg15 : memref<128x64xf32, #tpu.memory_space<vmem>>) dst(%dma_wait3A_196 : memref<10240x64xf32, #tpu.memory_space<vmem_shared>>)
    %dma_wait3A_197 = arith.constant 0 : i32
    %dma_wait3A_198 = arith.constant 0 : i32
    %dma_wait3A_199 = tpu.memref_slice %arg17[%dma_wait3A_197, %dma_wait3A_198] : memref<10240x64xf32, #tpu.memory_space<vmem_shared>> -> memref<10240x64xf32, #tpu.memory_space<vmem_shared>>
    tpu.wait_indirect_dma semaphore(%arg25 : memref<!tpu.dma_semaphore, #tpu.memory_space<semaphore_mem>>) src(%arg16 : memref<128x64xf32, #tpu.memory_space<vmem>>) dst(%dma_wait3A_199 : memref<10240x64xf32, #tpu.memory_space<vmem_shared>>)
    %barrier3A_200 = arith.constant 0 : index
    tpu.barrier barrier_id(%barrier3A_200)
    "tpu.region"() ({
      %run_scoped3A = tpu.sem_alloc : memref<!tpu.dma_semaphore, #tpu.memory_space<semaphore_mem>>
      %dma_start3A_201 = arith.constant 0 : i32
      %dma_start3A_202 = tpu.memref_slice %arg6[%arg0, %mul3A_2, %dma_start3A_201] : memref<2x10240x64xf32, #tpu.memory_space<hbm>> -> memref<1x640x64xf32, #tpu.memory_space<hbm>>
      %dma_start3A_203 = tpu.memref_squeeze %dma_start3A_202 : memref<1x640x64xf32, #tpu.memory_space<hbm>> -> memref<640x64xf32, #tpu.memory_space<hbm>>
      %dma_start3A_204 = arith.constant 0 : i32
      %dma_start3A_205 = tpu.memref_slice %arg17[%mul3A_2, %dma_start3A_204] : memref<10240x64xf32, #tpu.memory_space<vmem_shared>> -> memref<640x64xf32, #tpu.memory_space<vmem_shared>>
      tpu.enqueue_dma source(%dma_start3A_205 : memref<640x64xf32, #tpu.memory_space<vmem_shared>>) target(%dma_start3A_203 : memref<640x64xf32, #tpu.memory_space<hbm>>) target_semaphore(%run_scoped3A : memref<!tpu.dma_semaphore, #tpu.memory_space<semaphore_mem>>)
      %dma_wait3A_206 = arith.constant 0 : i32
      %dma_wait3A_207 = tpu.memref_slice %arg6[%arg0, %mul3A_2, %dma_wait3A_206] : memref<2x10240x64xf32, #tpu.memory_space<hbm>> -> memref<1x640x64xf32, #tpu.memory_space<hbm>>
      %dma_wait3A_208 = tpu.memref_squeeze %dma_wait3A_207 : memref<1x640x64xf32, #tpu.memory_space<hbm>> -> memref<640x64xf32, #tpu.memory_space<hbm>>
      %dma_wait3A_209 = arith.constant 0 : i32
      %dma_wait3A_210 = tpu.memref_slice %arg17[%mul3A_2, %dma_wait3A_209] : memref<10240x64xf32, #tpu.memory_space<vmem_shared>> -> memref<640x64xf32, #tpu.memory_space<vmem_shared>>
      tpu.wait_dma2 semaphore(%run_scoped3A : memref<!tpu.dma_semaphore, #tpu.memory_space<semaphore_mem>>) src(%dma_wait3A_210 : memref<640x64xf32, #tpu.memory_space<vmem_shared>>) dst(%dma_wait3A_208 : memref<640x64xf32, #tpu.memory_space<hbm>>)
      tpu.yield
    }) : () -> ()
    return
  }
}

#map = affine_map<(d0, d1) -> (0, 0)>
#map1 = affine_map<(d0, d1) -> (0, 0, 0)>
module attributes {stable_mosaic.version = 14 : i64} {
  func.func @deg_kernel(%arg0: i32, %arg1: i32, %arg2: memref<2560x128xi32, #tpu.memory_space<hbm>>, %arg3: memref<10240x16xf32, #tpu.memory_space<hbm>>, %arg4: memref<2x10240x16xf32, #tpu.memory_space<hbm>>, %arg5: memref<80x128xi32, #tpu.memory_space<vmem>>, %arg6: memref<128xi32, #tpu.memory_space<vmem>>, %arg7: memref<128xi32, #tpu.memory_space<vmem>>, %arg8: memref<128x16xf32, #tpu.memory_space<vmem>>, %arg9: memref<10240x16xf32, #tpu.memory_space<vmem_shared>>, %arg10: memref<!tpu.dma_semaphore, #tpu.memory_space<semaphore_mem>>, %arg11: memref<!tpu.dma_semaphore, #tpu.memory_space<semaphore_mem>>) attributes {dimension_semantics = [#tpu.dimension_semantics<core_parallel>, #tpu.dimension_semantics<subcore_parallel>], iteration_bounds = array<i64: 2, 16>, scalar_prefetch = 0 : i64, scratch_operands = 7 : i64, tpu.core_type = #tpu.core_type<sc_vector_subcore>, window_params = [{transform_indices = #map}, {transform_indices = #map}, {transform_indices = #map1}]} {
    %mul3A = arith.constant 16 : i32
    %mul3A_0 = arith.muli %arg0, %mul3A : i32
    %add3A = arith.addi %mul3A_0, %arg1 : i32
    %mul3A_1 = arith.constant 640 : i32
    %mul3A_2 = arith.muli %arg1, %mul3A_1 : i32
    %scan3A = arith.constant 0 : i32
    %scan3A_3 = arith.constant 0 : i32
    %scan3A_4 = arith.constant 128 : i32
    %scan3A_5 = arith.addi %scan3A_3, %scan3A_4 : i32
    %scan3A_6 = arith.constant 1 : i32
    scf.for %scan3A_169 = %scan3A_3 to %scan3A_5 step %scan3A_6  : i32 {
      %broadcast_in_dim3A = arith.constant 1.000000e+00 : f32
      %broadcast_in_dim3A_170 = vector.broadcast %broadcast_in_dim3A : f32 to vector<16xf32>
      %swap3A_171 = arith.index_cast %scan3A_169 : i32 to index
      %swap3A_172 = arith.constant 0 : index
      %swap3A_173 = tpu.vector_load %arg8[%swap3A_171, %swap3A_172] {strides = array<i32>} : memref<128x16xf32, #tpu.memory_space<vmem>>, vector<1x16xf32>,
      %swap3A_174 = vector.shape_cast %swap3A_173 : vector<1x16xf32> to vector<16xf32>
      %swap3A_175 = vector.shape_cast %broadcast_in_dim3A_170 : vector<16xf32> to vector<1x16xf32>
      tpu.vector_store %arg8[%swap3A_171, %swap3A_172], %swap3A_175 {strides = array<i32>} : memref<128x16xf32, #tpu.memory_space<vmem>>, vector<1x16xf32>,
    }
    %scan3A_7 = arith.constant 128 : i32
    %mul3A_8 = arith.constant 80 : i32
    %mul3A_9 = arith.muli %add3A, %mul3A_8 : i32
    "tpu.region"() ({
      %run_scoped3A = tpu.sem_alloc : memref<!tpu.dma_semaphore, #tpu.memory_space<semaphore_mem>>
      %dma_start3A_169 = arith.constant 0 : i32
      %dma_start3A_170 = tpu.memref_slice %arg2[%mul3A_9, %dma_start3A_169] : memref<2560x128xi32, #tpu.memory_space<hbm>> -> memref<80x128xi32, #tpu.memory_space<hbm>>
      %dma_start3A_171 = arith.constant 0 : i32
      %dma_start3A_172 = tpu.memref_slice %arg2[%mul3A_9, %dma_start3A_171] : memref<2560x128xi32, #tpu.memory_space<hbm>> -> memref<80x128xi32, #tpu.memory_space<hbm>>
      tpu.enqueue_dma source(%dma_start3A_172 : memref<80x128xi32, #tpu.memory_space<hbm>>) target(%arg5 : memref<80x128xi32, #tpu.memory_space<vmem>>) target_semaphore(%run_scoped3A : memref<!tpu.dma_semaphore, #tpu.memory_space<semaphore_mem>>)
      %dma_wait3A_173 = arith.constant 0 : i32
      %dma_wait3A_174 = tpu.memref_slice %arg2[%mul3A_9, %dma_wait3A_173] : memref<2560x128xi32, #tpu.memory_space<hbm>> -> memref<80x128xi32, #tpu.memory_space<hbm>>
      %dma_wait3A_175 = arith.constant 0 : i32
      %dma_wait3A_176 = tpu.memref_slice %arg2[%mul3A_9, %dma_wait3A_175] : memref<2560x128xi32, #tpu.memory_space<hbm>> -> memref<80x128xi32, #tpu.memory_space<hbm>>
      tpu.wait_dma2 semaphore(%run_scoped3A : memref<!tpu.dma_semaphore, #tpu.memory_space<semaphore_mem>>) src(%dma_wait3A_176 : memref<80x128xi32, #tpu.memory_space<hbm>>) dst(%arg5 : memref<80x128xi32, #tpu.memory_space<vmem>>)
      tpu.yield
    }) : () -> ()
    "tpu.region"() ({
      %run_scoped3A = tpu.sem_alloc : memref<!tpu.dma_semaphore, #tpu.memory_space<semaphore_mem>>
      %dma_start3A_169 = arith.constant 0 : i32
      %dma_start3A_170 = tpu.memref_slice %arg9[%mul3A_2, %dma_start3A_169] : memref<10240x16xf32, #tpu.memory_space<vmem_shared>> -> memref<640x16xf32, #tpu.memory_space<vmem_shared>>
      %dma_start3A_171 = arith.constant 0 : i32
      %dma_start3A_172 = tpu.memref_slice %arg3[%mul3A_2, %dma_start3A_171] : memref<10240x16xf32, #tpu.memory_space<hbm>> -> memref<640x16xf32, #tpu.memory_space<hbm>>
      tpu.enqueue_dma source(%dma_start3A_172 : memref<640x16xf32, #tpu.memory_space<hbm>>) target(%dma_start3A_170 : memref<640x16xf32, #tpu.memory_space<vmem_shared>>) target_semaphore(%run_scoped3A : memref<!tpu.dma_semaphore, #tpu.memory_space<semaphore_mem>>)
      %dma_wait3A_173 = arith.constant 0 : i32
      %dma_wait3A_174 = tpu.memref_slice %arg9[%mul3A_2, %dma_wait3A_173] : memref<10240x16xf32, #tpu.memory_space<vmem_shared>> -> memref<640x16xf32, #tpu.memory_space<vmem_shared>>
      %dma_wait3A_175 = arith.constant 0 : i32
      %dma_wait3A_176 = tpu.memref_slice %arg3[%mul3A_2, %dma_wait3A_175] : memref<10240x16xf32, #tpu.memory_space<hbm>> -> memref<640x16xf32, #tpu.memory_space<hbm>>
      tpu.wait_dma2 semaphore(%run_scoped3A : memref<!tpu.dma_semaphore, #tpu.memory_space<semaphore_mem>>) src(%dma_wait3A_176 : memref<640x16xf32, #tpu.memory_space<hbm>>) dst(%dma_wait3A_174 : memref<640x16xf32, #tpu.memory_space<vmem_shared>>)
      tpu.yield
    }) : () -> ()
    %barrier3A = arith.constant 0 : index
    tpu.barrier barrier_id(%barrier3A)
    %get3A = arith.constant 0 : i32
    %get3A_10 = arith.index_cast %get3A : i32 to index
    %get3A_11 = arith.constant 0 : index
    %get3A_12 = tpu.vector_load %arg5[%get3A_10, %get3A_11] {strides = array<i32>} : memref<80x128xi32, #tpu.memory_space<vmem>>, vector<1x16xi32>,
    %get3A_13 = vector.shape_cast %get3A_12 : vector<1x16xi32> to vector<16xi32>
    %swap3A = arith.constant 0 : index
    %swap3A_14 = tpu.vector_load %arg6[%swap3A] {strides = array<i32>} : memref<128xi32, #tpu.memory_space<vmem>>, vector<16xi32>,
    %swap3A_15 = vector.shape_cast %swap3A_14 : vector<16xi32> to vector<16xi32>
    %swap3A_16 = vector.shape_cast %get3A_13 : vector<16xi32> to vector<16xi32>
    tpu.vector_store %arg6[%swap3A], %swap3A_16 {strides = array<i32>} : memref<128xi32, #tpu.memory_space<vmem>>, vector<16xi32>,
    %get3A_17 = arith.constant 0 : i32
    %get3A_18 = arith.index_cast %get3A_17 : i32 to index
    %get3A_19 = arith.constant 16 : index
    %get3A_20 = tpu.vector_load %arg5[%get3A_18, %get3A_19] {strides = array<i32>} : memref<80x128xi32, #tpu.memory_space<vmem>>, vector<1x16xi32>,
    %get3A_21 = vector.shape_cast %get3A_20 : vector<1x16xi32> to vector<16xi32>
    %swap3A_22 = arith.constant 16 : index
    %swap3A_23 = tpu.vector_load %arg6[%swap3A_22] {strides = array<i32>} : memref<128xi32, #tpu.memory_space<vmem>>, vector<16xi32>,
    %swap3A_24 = vector.shape_cast %swap3A_23 : vector<16xi32> to vector<16xi32>
    %swap3A_25 = vector.shape_cast %get3A_21 : vector<16xi32> to vector<16xi32>
    tpu.vector_store %arg6[%swap3A_22], %swap3A_25 {strides = array<i32>} : memref<128xi32, #tpu.memory_space<vmem>>, vector<16xi32>,
    %get3A_26 = arith.constant 0 : i32
    %get3A_27 = arith.index_cast %get3A_26 : i32 to index
    %get3A_28 = arith.constant 32 : index
    %get3A_29 = tpu.vector_load %arg5[%get3A_27, %get3A_28] {strides = array<i32>} : memref<80x128xi32, #tpu.memory_space<vmem>>, vector<1x16xi32>,
    %get3A_30 = vector.shape_cast %get3A_29 : vector<1x16xi32> to vector<16xi32>
    %swap3A_31 = arith.constant 32 : index
    %swap3A_32 = tpu.vector_load %arg6[%swap3A_31] {strides = array<i32>} : memref<128xi32, #tpu.memory_space<vmem>>, vector<16xi32>,
    %swap3A_33 = vector.shape_cast %swap3A_32 : vector<16xi32> to vector<16xi32>
    %swap3A_34 = vector.shape_cast %get3A_30 : vector<16xi32> to vector<16xi32>
    tpu.vector_store %arg6[%swap3A_31], %swap3A_34 {strides = array<i32>} : memref<128xi32, #tpu.memory_space<vmem>>, vector<16xi32>,
    %get3A_35 = arith.constant 0 : i32
    %get3A_36 = arith.index_cast %get3A_35 : i32 to index
    %get3A_37 = arith.constant 48 : index
    %get3A_38 = tpu.vector_load %arg5[%get3A_36, %get3A_37] {strides = array<i32>} : memref<80x128xi32, #tpu.memory_space<vmem>>, vector<1x16xi32>,
    %get3A_39 = vector.shape_cast %get3A_38 : vector<1x16xi32> to vector<16xi32>
    %swap3A_40 = arith.constant 48 : index
    %swap3A_41 = tpu.vector_load %arg6[%swap3A_40] {strides = array<i32>} : memref<128xi32, #tpu.memory_space<vmem>>, vector<16xi32>,
    %swap3A_42 = vector.shape_cast %swap3A_41 : vector<16xi32> to vector<16xi32>
    %swap3A_43 = vector.shape_cast %get3A_39 : vector<16xi32> to vector<16xi32>
    tpu.vector_store %arg6[%swap3A_40], %swap3A_43 {strides = array<i32>} : memref<128xi32, #tpu.memory_space<vmem>>, vector<16xi32>,
    %get3A_44 = arith.constant 0 : i32
    %get3A_45 = arith.index_cast %get3A_44 : i32 to index
    %get3A_46 = arith.constant 64 : index
    %get3A_47 = tpu.vector_load %arg5[%get3A_45, %get3A_46] {strides = array<i32>} : memref<80x128xi32, #tpu.memory_space<vmem>>, vector<1x16xi32>,
    %get3A_48 = vector.shape_cast %get3A_47 : vector<1x16xi32> to vector<16xi32>
    %swap3A_49 = arith.constant 64 : index
    %swap3A_50 = tpu.vector_load %arg6[%swap3A_49] {strides = array<i32>} : memref<128xi32, #tpu.memory_space<vmem>>, vector<16xi32>,
    %swap3A_51 = vector.shape_cast %swap3A_50 : vector<16xi32> to vector<16xi32>
    %swap3A_52 = vector.shape_cast %get3A_48 : vector<16xi32> to vector<16xi32>
    tpu.vector_store %arg6[%swap3A_49], %swap3A_52 {strides = array<i32>} : memref<128xi32, #tpu.memory_space<vmem>>, vector<16xi32>,
    %get3A_53 = arith.constant 0 : i32
    %get3A_54 = arith.index_cast %get3A_53 : i32 to index
    %get3A_55 = arith.constant 80 : index
    %get3A_56 = tpu.vector_load %arg5[%get3A_54, %get3A_55] {strides = array<i32>} : memref<80x128xi32, #tpu.memory_space<vmem>>, vector<1x16xi32>,
    %get3A_57 = vector.shape_cast %get3A_56 : vector<1x16xi32> to vector<16xi32>
    %swap3A_58 = arith.constant 80 : index
    %swap3A_59 = tpu.vector_load %arg6[%swap3A_58] {strides = array<i32>} : memref<128xi32, #tpu.memory_space<vmem>>, vector<16xi32>,
    %swap3A_60 = vector.shape_cast %swap3A_59 : vector<16xi32> to vector<16xi32>
    %swap3A_61 = vector.shape_cast %get3A_57 : vector<16xi32> to vector<16xi32>
    tpu.vector_store %arg6[%swap3A_58], %swap3A_61 {strides = array<i32>} : memref<128xi32, #tpu.memory_space<vmem>>, vector<16xi32>,
    %get3A_62 = arith.constant 0 : i32
    %get3A_63 = arith.index_cast %get3A_62 : i32 to index
    %get3A_64 = arith.constant 96 : index
    %get3A_65 = tpu.vector_load %arg5[%get3A_63, %get3A_64] {strides = array<i32>} : memref<80x128xi32, #tpu.memory_space<vmem>>, vector<1x16xi32>,
    %get3A_66 = vector.shape_cast %get3A_65 : vector<1x16xi32> to vector<16xi32>
    %swap3A_67 = arith.constant 96 : index
    %swap3A_68 = tpu.vector_load %arg6[%swap3A_67] {strides = array<i32>} : memref<128xi32, #tpu.memory_space<vmem>>, vector<16xi32>,
    %swap3A_69 = vector.shape_cast %swap3A_68 : vector<16xi32> to vector<16xi32>
    %swap3A_70 = vector.shape_cast %get3A_66 : vector<16xi32> to vector<16xi32>
    tpu.vector_store %arg6[%swap3A_67], %swap3A_70 {strides = array<i32>} : memref<128xi32, #tpu.memory_space<vmem>>, vector<16xi32>,
    %get3A_71 = arith.constant 0 : i32
    %get3A_72 = arith.index_cast %get3A_71 : i32 to index
    %get3A_73 = arith.constant 112 : index
    %get3A_74 = tpu.vector_load %arg5[%get3A_72, %get3A_73] {strides = array<i32>} : memref<80x128xi32, #tpu.memory_space<vmem>>, vector<1x16xi32>,
    %get3A_75 = vector.shape_cast %get3A_74 : vector<1x16xi32> to vector<16xi32>
    %swap3A_76 = arith.constant 112 : index
    %swap3A_77 = tpu.vector_load %arg6[%swap3A_76] {strides = array<i32>} : memref<128xi32, #tpu.memory_space<vmem>>, vector<16xi32>,
    %swap3A_78 = vector.shape_cast %swap3A_77 : vector<16xi32> to vector<16xi32>
    %swap3A_79 = vector.shape_cast %get3A_75 : vector<16xi32> to vector<16xi32>
    tpu.vector_store %arg6[%swap3A_76], %swap3A_79 {strides = array<i32>} : memref<128xi32, #tpu.memory_space<vmem>>, vector<16xi32>,
    %dma_start3A = arith.constant 0 : i32
    %dma_start3A_80 = arith.constant 0 : i32
    %dma_start3A_81 = tpu.memref_slice %arg9[%dma_start3A, %dma_start3A_80] : memref<10240x16xf32, #tpu.memory_space<vmem_shared>> -> memref<10240x16xf32, #tpu.memory_space<vmem_shared>>
    tpu.enqueue_indirect_dma source(%arg8 : memref<128x16xf32, #tpu.memory_space<vmem>>) target(%dma_start3A_81 : memref<10240x16xf32, #tpu.memory_space<vmem_shared>>) offsets(%arg6 : memref<128xi32, #tpu.memory_space<vmem>>) semaphore(%arg10 : memref<!tpu.dma_semaphore, #tpu.memory_space<semaphore_mem>>) {add = true}
    %get3A_82 = arith.constant 1 : i32
    %get3A_83 = arith.index_cast %get3A_82 : i32 to index
    %get3A_84 = arith.constant 0 : index
    %get3A_85 = tpu.vector_load %arg5[%get3A_83, %get3A_84] {strides = array<i32>} : memref<80x128xi32, #tpu.memory_space<vmem>>, vector<1x16xi32>,
    %get3A_86 = vector.shape_cast %get3A_85 : vector<1x16xi32> to vector<16xi32>
    %swap3A_87 = arith.constant 0 : index
    %swap3A_88 = tpu.vector_load %arg7[%swap3A_87] {strides = array<i32>} : memref<128xi32, #tpu.memory_space<vmem>>, vector<16xi32>,
    %swap3A_89 = vector.shape_cast %swap3A_88 : vector<16xi32> to vector<16xi32>
    %swap3A_90 = vector.shape_cast %get3A_86 : vector<16xi32> to vector<16xi32>
    tpu.vector_store %arg7[%swap3A_87], %swap3A_90 {strides = array<i32>} : memref<128xi32, #tpu.memory_space<vmem>>, vector<16xi32>,
    %get3A_91 = arith.constant 1 : i32
    %get3A_92 = arith.index_cast %get3A_91 : i32 to index
    %get3A_93 = arith.constant 16 : index
    %get3A_94 = tpu.vector_load %arg5[%get3A_92, %get3A_93] {strides = array<i32>} : memref<80x128xi32, #tpu.memory_space<vmem>>, vector<1x16xi32>,
    %get3A_95 = vector.shape_cast %get3A_94 : vector<1x16xi32> to vector<16xi32>
    %swap3A_96 = arith.constant 16 : index
    %swap3A_97 = tpu.vector_load %arg7[%swap3A_96] {strides = array<i32>} : memref<128xi32, #tpu.memory_space<vmem>>, vector<16xi32>,
    %swap3A_98 = vector.shape_cast %swap3A_97 : vector<16xi32> to vector<16xi32>
    %swap3A_99 = vector.shape_cast %get3A_95 : vector<16xi32> to vector<16xi32>
    tpu.vector_store %arg7[%swap3A_96], %swap3A_99 {strides = array<i32>} : memref<128xi32, #tpu.memory_space<vmem>>, vector<16xi32>,
    %get3A_100 = arith.constant 1 : i32
    %get3A_101 = arith.index_cast %get3A_100 : i32 to index
    %get3A_102 = arith.constant 32 : index
    %get3A_103 = tpu.vector_load %arg5[%get3A_101, %get3A_102] {strides = array<i32>} : memref<80x128xi32, #tpu.memory_space<vmem>>, vector<1x16xi32>,
    %get3A_104 = vector.shape_cast %get3A_103 : vector<1x16xi32> to vector<16xi32>
    %swap3A_105 = arith.constant 32 : index
    %swap3A_106 = tpu.vector_load %arg7[%swap3A_105] {strides = array<i32>} : memref<128xi32, #tpu.memory_space<vmem>>, vector<16xi32>,
    %swap3A_107 = vector.shape_cast %swap3A_106 : vector<16xi32> to vector<16xi32>
    %swap3A_108 = vector.shape_cast %get3A_104 : vector<16xi32> to vector<16xi32>
    tpu.vector_store %arg7[%swap3A_105], %swap3A_108 {strides = array<i32>} : memref<128xi32, #tpu.memory_space<vmem>>, vector<16xi32>,
    %get3A_109 = arith.constant 1 : i32
    %get3A_110 = arith.index_cast %get3A_109 : i32 to index
    %get3A_111 = arith.constant 48 : index
    %get3A_112 = tpu.vector_load %arg5[%get3A_110, %get3A_111] {strides = array<i32>} : memref<80x128xi32, #tpu.memory_space<vmem>>, vector<1x16xi32>,
    %get3A_113 = vector.shape_cast %get3A_112 : vector<1x16xi32> to vector<16xi32>
    %swap3A_114 = arith.constant 48 : index
    %swap3A_115 = tpu.vector_load %arg7[%swap3A_114] {strides = array<i32>} : memref<128xi32, #tpu.memory_space<vmem>>, vector<16xi32>,
    %swap3A_116 = vector.shape_cast %swap3A_115 : vector<16xi32> to vector<16xi32>
    %swap3A_117 = vector.shape_cast %get3A_113 : vector<16xi32> to vector<16xi32>
    tpu.vector_store %arg7[%swap3A_114], %swap3A_117 {strides = array<i32>} : memref<128xi32, #tpu.memory_space<vmem>>, vector<16xi32>,
    %get3A_118 = arith.constant 1 : i32
    %get3A_119 = arith.index_cast %get3A_118 : i32 to index
    %get3A_120 = arith.constant 64 : index
    %get3A_121 = tpu.vector_load %arg5[%get3A_119, %get3A_120] {strides = array<i32>} : memref<80x128xi32, #tpu.memory_space<vmem>>, vector<1x16xi32>,
    %get3A_122 = vector.shape_cast %get3A_121 : vector<1x16xi32> to vector<16xi32>
    %swap3A_123 = arith.constant 64 : index
    %swap3A_124 = tpu.vector_load %arg7[%swap3A_123] {strides = array<i32>} : memref<128xi32, #tpu.memory_space<vmem>>, vector<16xi32>,
    %swap3A_125 = vector.shape_cast %swap3A_124 : vector<16xi32> to vector<16xi32>
    %swap3A_126 = vector.shape_cast %get3A_122 : vector<16xi32> to vector<16xi32>
    tpu.vector_store %arg7[%swap3A_123], %swap3A_126 {strides = array<i32>} : memref<128xi32, #tpu.memory_space<vmem>>, vector<16xi32>,
    %get3A_127 = arith.constant 1 : i32
    %get3A_128 = arith.index_cast %get3A_127 : i32 to index
    %get3A_129 = arith.constant 80 : index
    %get3A_130 = tpu.vector_load %arg5[%get3A_128, %get3A_129] {strides = array<i32>} : memref<80x128xi32, #tpu.memory_space<vmem>>, vector<1x16xi32>,
    %get3A_131 = vector.shape_cast %get3A_130 : vector<1x16xi32> to vector<16xi32>
    %swap3A_132 = arith.constant 80 : index
    %swap3A_133 = tpu.vector_load %arg7[%swap3A_132] {strides = array<i32>} : memref<128xi32, #tpu.memory_space<vmem>>, vector<16xi32>,
    %swap3A_134 = vector.shape_cast %swap3A_133 : vector<16xi32> to vector<16xi32>
    %swap3A_135 = vector.shape_cast %get3A_131 : vector<16xi32> to vector<16xi32>
    tpu.vector_store %arg7[%swap3A_132], %swap3A_135 {strides = array<i32>} : memref<128xi32, #tpu.memory_space<vmem>>, vector<16xi32>,
    %get3A_136 = arith.constant 1 : i32
    %get3A_137 = arith.index_cast %get3A_136 : i32 to index
    %get3A_138 = arith.constant 96 : index
    %get3A_139 = tpu.vector_load %arg5[%get3A_137, %get3A_138] {strides = array<i32>} : memref<80x128xi32, #tpu.memory_space<vmem>>, vector<1x16xi32>,
    %get3A_140 = vector.shape_cast %get3A_139 : vector<1x16xi32> to vector<16xi32>
    %swap3A_141 = arith.constant 96 : index
    %swap3A_142 = tpu.vector_load %arg7[%swap3A_141] {strides = array<i32>} : memref<128xi32, #tpu.memory_space<vmem>>, vector<16xi32>,
    %swap3A_143 = vector.shape_cast %swap3A_142 : vector<16xi32> to vector<16xi32>
    %swap3A_144 = vector.shape_cast %get3A_140 : vector<16xi32> to vector<16xi32>
    tpu.vector_store %arg7[%swap3A_141], %swap3A_144 {strides = array<i32>} : memref<128xi32, #tpu.memory_space<vmem>>, vector<16xi32>,
    %get3A_145 = arith.constant 1 : i32
    %get3A_146 = arith.index_cast %get3A_145 : i32 to index
    %get3A_147 = arith.constant 112 : index
    %get3A_148 = tpu.vector_load %arg5[%get3A_146, %get3A_147] {strides = array<i32>} : memref<80x128xi32, #tpu.memory_space<vmem>>, vector<1x16xi32>,
    %get3A_149 = vector.shape_cast %get3A_148 : vector<1x16xi32> to vector<16xi32>
    %swap3A_150 = arith.constant 112 : index
    %swap3A_151 = tpu.vector_load %arg7[%swap3A_150] {strides = array<i32>} : memref<128xi32, #tpu.memory_space<vmem>>, vector<16xi32>,
    %swap3A_152 = vector.shape_cast %swap3A_151 : vector<16xi32> to vector<16xi32>
    %swap3A_153 = vector.shape_cast %get3A_149 : vector<16xi32> to vector<16xi32>
    tpu.vector_store %arg7[%swap3A_150], %swap3A_153 {strides = array<i32>} : memref<128xi32, #tpu.memory_space<vmem>>, vector<16xi32>,
    %dma_start3A_154 = arith.constant 0 : i32
    %dma_start3A_155 = arith.constant 0 : i32
    %dma_start3A_156 = tpu.memref_slice %arg9[%dma_start3A_154, %dma_start3A_155] : memref<10240x16xf32, #tpu.memory_space<vmem_shared>> -> memref<10240x16xf32, #tpu.memory_space<vmem_shared>>
    tpu.enqueue_indirect_dma source(%arg8 : memref<128x16xf32, #tpu.memory_space<vmem>>) target(%dma_start3A_156 : memref<10240x16xf32, #tpu.memory_space<vmem_shared>>) offsets(%arg7 : memref<128xi32, #tpu.memory_space<vmem>>) semaphore(%arg11 : memref<!tpu.dma_semaphore, #tpu.memory_space<semaphore_mem>>) {add = true}
    %scan3A_157 = arith.constant 0 : i32
    %scan3A_158 = arith.constant 0 : i32
    %scan3A_159 = arith.constant 39 : i32
    %scan3A_160 = arith.addi %scan3A_158, %scan3A_159 : i32
    %scan3A_161 = arith.constant 1 : i32
    scf.for %scan3A_169 = %scan3A_158 to %scan3A_160 step %scan3A_161  : i32 {
      %mul3A_170 = arith.constant 2 : i32
      %mul3A_171 = arith.muli %mul3A_170, %scan3A_169 : i32
      %add3A_172 = arith.constant 2 : i32
      %add3A_173 = arith.addi %mul3A_171, %add3A_172 : i32
      %dma_wait3A_174 = arith.constant 0 : i32
      %dma_wait3A_175 = arith.constant 0 : i32
      %dma_wait3A_176 = tpu.memref_slice %arg9[%dma_wait3A_174, %dma_wait3A_175] : memref<10240x16xf32, #tpu.memory_space<vmem_shared>> -> memref<10240x16xf32, #tpu.memory_space<vmem_shared>>
      tpu.wait_indirect_dma semaphore(%arg10 : memref<!tpu.dma_semaphore, #tpu.memory_space<semaphore_mem>>) src(%arg8 : memref<128x16xf32, #tpu.memory_space<vmem>>) dst(%dma_wait3A_176 : memref<10240x16xf32, #tpu.memory_space<vmem_shared>>)
      %get3A_177 = arith.index_cast %add3A_173 : i32 to index
      %get3A_178 = arith.constant 0 : index
      %get3A_179 = tpu.vector_load %arg5[%get3A_177, %get3A_178] {strides = array<i32>} : memref<80x128xi32, #tpu.memory_space<vmem>>, vector<1x16xi32>,
      %get3A_180 = vector.shape_cast %get3A_179 : vector<1x16xi32> to vector<16xi32>
      %swap3A_181 = arith.constant 0 : index
      %swap3A_182 = tpu.vector_load %arg6[%swap3A_181] {strides = array<i32>} : memref<128xi32, #tpu.memory_space<vmem>>, vector<16xi32>,
      %swap3A_183 = vector.shape_cast %swap3A_182 : vector<16xi32> to vector<16xi32>
      %swap3A_184 = vector.shape_cast %get3A_180 : vector<16xi32> to vector<16xi32>
      tpu.vector_store %arg6[%swap3A_181], %swap3A_184 {strides = array<i32>} : memref<128xi32, #tpu.memory_space<vmem>>, vector<16xi32>,
      %get3A_185 = arith.index_cast %add3A_173 : i32 to index
      %get3A_186 = arith.constant 16 : index
      %get3A_187 = tpu.vector_load %arg5[%get3A_185, %get3A_186] {strides = array<i32>} : memref<80x128xi32, #tpu.memory_space<vmem>>, vector<1x16xi32>,
      %get3A_188 = vector.shape_cast %get3A_187 : vector<1x16xi32> to vector<16xi32>
      %swap3A_189 = arith.constant 16 : index
      %swap3A_190 = tpu.vector_load %arg6[%swap3A_189] {strides = array<i32>} : memref<128xi32, #tpu.memory_space<vmem>>, vector<16xi32>,
      %swap3A_191 = vector.shape_cast %swap3A_190 : vector<16xi32> to vector<16xi32>
      %swap3A_192 = vector.shape_cast %get3A_188 : vector<16xi32> to vector<16xi32>
      tpu.vector_store %arg6[%swap3A_189], %swap3A_192 {strides = array<i32>} : memref<128xi32, #tpu.memory_space<vmem>>, vector<16xi32>,
      %get3A_193 = arith.index_cast %add3A_173 : i32 to index
      %get3A_194 = arith.constant 32 : index
      %get3A_195 = tpu.vector_load %arg5[%get3A_193, %get3A_194] {strides = array<i32>} : memref<80x128xi32, #tpu.memory_space<vmem>>, vector<1x16xi32>,
      %get3A_196 = vector.shape_cast %get3A_195 : vector<1x16xi32> to vector<16xi32>
      %swap3A_197 = arith.constant 32 : index
      %swap3A_198 = tpu.vector_load %arg6[%swap3A_197] {strides = array<i32>} : memref<128xi32, #tpu.memory_space<vmem>>, vector<16xi32>,
      %swap3A_199 = vector.shape_cast %swap3A_198 : vector<16xi32> to vector<16xi32>
      %swap3A_200 = vector.shape_cast %get3A_196 : vector<16xi32> to vector<16xi32>
      tpu.vector_store %arg6[%swap3A_197], %swap3A_200 {strides = array<i32>} : memref<128xi32, #tpu.memory_space<vmem>>, vector<16xi32>,
      %get3A_201 = arith.index_cast %add3A_173 : i32 to index
      %get3A_202 = arith.constant 48 : index
      %get3A_203 = tpu.vector_load %arg5[%get3A_201, %get3A_202] {strides = array<i32>} : memref<80x128xi32, #tpu.memory_space<vmem>>, vector<1x16xi32>,
      %get3A_204 = vector.shape_cast %get3A_203 : vector<1x16xi32> to vector<16xi32>
      %swap3A_205 = arith.constant 48 : index
      %swap3A_206 = tpu.vector_load %arg6[%swap3A_205] {strides = array<i32>} : memref<128xi32, #tpu.memory_space<vmem>>, vector<16xi32>,
      %swap3A_207 = vector.shape_cast %swap3A_206 : vector<16xi32> to vector<16xi32>
      %swap3A_208 = vector.shape_cast %get3A_204 : vector<16xi32> to vector<16xi32>
      tpu.vector_store %arg6[%swap3A_205], %swap3A_208 {strides = array<i32>} : memref<128xi32, #tpu.memory_space<vmem>>, vector<16xi32>,
      %get3A_209 = arith.index_cast %add3A_173 : i32 to index
      %get3A_210 = arith.constant 64 : index
      %get3A_211 = tpu.vector_load %arg5[%get3A_209, %get3A_210] {strides = array<i32>} : memref<80x128xi32, #tpu.memory_space<vmem>>, vector<1x16xi32>,
      %get3A_212 = vector.shape_cast %get3A_211 : vector<1x16xi32> to vector<16xi32>
      %swap3A_213 = arith.constant 64 : index
      %swap3A_214 = tpu.vector_load %arg6[%swap3A_213] {strides = array<i32>} : memref<128xi32, #tpu.memory_space<vmem>>, vector<16xi32>,
      %swap3A_215 = vector.shape_cast %swap3A_214 : vector<16xi32> to vector<16xi32>
      %swap3A_216 = vector.shape_cast %get3A_212 : vector<16xi32> to vector<16xi32>
      tpu.vector_store %arg6[%swap3A_213], %swap3A_216 {strides = array<i32>} : memref<128xi32, #tpu.memory_space<vmem>>, vector<16xi32>,
      %get3A_217 = arith.index_cast %add3A_173 : i32 to index
      %get3A_218 = arith.constant 80 : index
      %get3A_219 = tpu.vector_load %arg5[%get3A_217, %get3A_218] {strides = array<i32>} : memref<80x128xi32, #tpu.memory_space<vmem>>, vector<1x16xi32>,
      %get3A_220 = vector.shape_cast %get3A_219 : vector<1x16xi32> to vector<16xi32>
      %swap3A_221 = arith.constant 80 : index
      %swap3A_222 = tpu.vector_load %arg6[%swap3A_221] {strides = array<i32>} : memref<128xi32, #tpu.memory_space<vmem>>, vector<16xi32>,
      %swap3A_223 = vector.shape_cast %swap3A_222 : vector<16xi32> to vector<16xi32>
      %swap3A_224 = vector.shape_cast %get3A_220 : vector<16xi32> to vector<16xi32>
      tpu.vector_store %arg6[%swap3A_221], %swap3A_224 {strides = array<i32>} : memref<128xi32, #tpu.memory_space<vmem>>, vector<16xi32>,
      %get3A_225 = arith.index_cast %add3A_173 : i32 to index
      %get3A_226 = arith.constant 96 : index
      %get3A_227 = tpu.vector_load %arg5[%get3A_225, %get3A_226] {strides = array<i32>} : memref<80x128xi32, #tpu.memory_space<vmem>>, vector<1x16xi32>,
      %get3A_228 = vector.shape_cast %get3A_227 : vector<1x16xi32> to vector<16xi32>
      %swap3A_229 = arith.constant 96 : index
      %swap3A_230 = tpu.vector_load %arg6[%swap3A_229] {strides = array<i32>} : memref<128xi32, #tpu.memory_space<vmem>>, vector<16xi32>,
      %swap3A_231 = vector.shape_cast %swap3A_230 : vector<16xi32> to vector<16xi32>
      %swap3A_232 = vector.shape_cast %get3A_228 : vector<16xi32> to vector<16xi32>
      tpu.vector_store %arg6[%swap3A_229], %swap3A_232 {strides = array<i32>} : memref<128xi32, #tpu.memory_space<vmem>>, vector<16xi32>,
      %get3A_233 = arith.index_cast %add3A_173 : i32 to index
      %get3A_234 = arith.constant 112 : index
      %get3A_235 = tpu.vector_load %arg5[%get3A_233, %get3A_234] {strides = array<i32>} : memref<80x128xi32, #tpu.memory_space<vmem>>, vector<1x16xi32>,
      %get3A_236 = vector.shape_cast %get3A_235 : vector<1x16xi32> to vector<16xi32>
      %swap3A_237 = arith.constant 112 : index
      %swap3A_238 = tpu.vector_load %arg6[%swap3A_237] {strides = array<i32>} : memref<128xi32, #tpu.memory_space<vmem>>, vector<16xi32>,
      %swap3A_239 = vector.shape_cast %swap3A_238 : vector<16xi32> to vector<16xi32>
      %swap3A_240 = vector.shape_cast %get3A_236 : vector<16xi32> to vector<16xi32>
      tpu.vector_store %arg6[%swap3A_237], %swap3A_240 {strides = array<i32>} : memref<128xi32, #tpu.memory_space<vmem>>, vector<16xi32>,
      %dma_start3A_241 = arith.constant 0 : i32
      %dma_start3A_242 = arith.constant 0 : i32
      %dma_start3A_243 = tpu.memref_slice %arg9[%dma_start3A_241, %dma_start3A_242] : memref<10240x16xf32, #tpu.memory_space<vmem_shared>> -> memref<10240x16xf32, #tpu.memory_space<vmem_shared>>
      tpu.enqueue_indirect_dma source(%arg8 : memref<128x16xf32, #tpu.memory_space<vmem>>) target(%dma_start3A_243 : memref<10240x16xf32, #tpu.memory_space<vmem_shared>>) offsets(%arg6 : memref<128xi32, #tpu.memory_space<vmem>>) semaphore(%arg10 : memref<!tpu.dma_semaphore, #tpu.memory_space<semaphore_mem>>) {add = true}
      %dma_wait3A_244 = arith.constant 0 : i32
      %dma_wait3A_245 = arith.constant 0 : i32
      %dma_wait3A_246 = tpu.memref_slice %arg9[%dma_wait3A_244, %dma_wait3A_245] : memref<10240x16xf32, #tpu.memory_space<vmem_shared>> -> memref<10240x16xf32, #tpu.memory_space<vmem_shared>>
      tpu.wait_indirect_dma semaphore(%arg11 : memref<!tpu.dma_semaphore, #tpu.memory_space<semaphore_mem>>) src(%arg8 : memref<128x16xf32, #tpu.memory_space<vmem>>) dst(%dma_wait3A_246 : memref<10240x16xf32, #tpu.memory_space<vmem_shared>>)
      %add3A_247 = arith.constant 1 : i32
      %add3A_248 = arith.addi %add3A_173, %add3A_247 : i32
      %get3A_249 = arith.index_cast %add3A_248 : i32 to index
      %get3A_250 = arith.constant 0 : index
      %get3A_251 = tpu.vector_load %arg5[%get3A_249, %get3A_250] {strides = array<i32>} : memref<80x128xi32, #tpu.memory_space<vmem>>, vector<1x16xi32>,
      %get3A_252 = vector.shape_cast %get3A_251 : vector<1x16xi32> to vector<16xi32>
      %swap3A_253 = arith.constant 0 : index
      %swap3A_254 = tpu.vector_load %arg7[%swap3A_253] {strides = array<i32>} : memref<128xi32, #tpu.memory_space<vmem>>, vector<16xi32>,
      %swap3A_255 = vector.shape_cast %swap3A_254 : vector<16xi32> to vector<16xi32>
      %swap3A_256 = vector.shape_cast %get3A_252 : vector<16xi32> to vector<16xi32>
      tpu.vector_store %arg7[%swap3A_253], %swap3A_256 {strides = array<i32>} : memref<128xi32, #tpu.memory_space<vmem>>, vector<16xi32>,
      %get3A_257 = arith.index_cast %add3A_248 : i32 to index
      %get3A_258 = arith.constant 16 : index
      %get3A_259 = tpu.vector_load %arg5[%get3A_257, %get3A_258] {strides = array<i32>} : memref<80x128xi32, #tpu.memory_space<vmem>>, vector<1x16xi32>,
      %get3A_260 = vector.shape_cast %get3A_259 : vector<1x16xi32> to vector<16xi32>
      %swap3A_261 = arith.constant 16 : index
      %swap3A_262 = tpu.vector_load %arg7[%swap3A_261] {strides = array<i32>} : memref<128xi32, #tpu.memory_space<vmem>>, vector<16xi32>,
      %swap3A_263 = vector.shape_cast %swap3A_262 : vector<16xi32> to vector<16xi32>
      %swap3A_264 = vector.shape_cast %get3A_260 : vector<16xi32> to vector<16xi32>
      tpu.vector_store %arg7[%swap3A_261], %swap3A_264 {strides = array<i32>} : memref<128xi32, #tpu.memory_space<vmem>>, vector<16xi32>,
      %get3A_265 = arith.index_cast %add3A_248 : i32 to index
      %get3A_266 = arith.constant 32 : index
      %get3A_267 = tpu.vector_load %arg5[%get3A_265, %get3A_266] {strides = array<i32>} : memref<80x128xi32, #tpu.memory_space<vmem>>, vector<1x16xi32>,
      %get3A_268 = vector.shape_cast %get3A_267 : vector<1x16xi32> to vector<16xi32>
      %swap3A_269 = arith.constant 32 : index
      %swap3A_270 = tpu.vector_load %arg7[%swap3A_269] {strides = array<i32>} : memref<128xi32, #tpu.memory_space<vmem>>, vector<16xi32>,
      %swap3A_271 = vector.shape_cast %swap3A_270 : vector<16xi32> to vector<16xi32>
      %swap3A_272 = vector.shape_cast %get3A_268 : vector<16xi32> to vector<16xi32>
      tpu.vector_store %arg7[%swap3A_269], %swap3A_272 {strides = array<i32>} : memref<128xi32, #tpu.memory_space<vmem>>, vector<16xi32>,
      %get3A_273 = arith.index_cast %add3A_248 : i32 to index
      %get3A_274 = arith.constant 48 : index
      %get3A_275 = tpu.vector_load %arg5[%get3A_273, %get3A_274] {strides = array<i32>} : memref<80x128xi32, #tpu.memory_space<vmem>>, vector<1x16xi32>,
      %get3A_276 = vector.shape_cast %get3A_275 : vector<1x16xi32> to vector<16xi32>
      %swap3A_277 = arith.constant 48 : index
      %swap3A_278 = tpu.vector_load %arg7[%swap3A_277] {strides = array<i32>} : memref<128xi32, #tpu.memory_space<vmem>>, vector<16xi32>,
      %swap3A_279 = vector.shape_cast %swap3A_278 : vector<16xi32> to vector<16xi32>
      %swap3A_280 = vector.shape_cast %get3A_276 : vector<16xi32> to vector<16xi32>
      tpu.vector_store %arg7[%swap3A_277], %swap3A_280 {strides = array<i32>} : memref<128xi32, #tpu.memory_space<vmem>>, vector<16xi32>,
      %get3A_281 = arith.index_cast %add3A_248 : i32 to index
      %get3A_282 = arith.constant 64 : index
      %get3A_283 = tpu.vector_load %arg5[%get3A_281, %get3A_282] {strides = array<i32>} : memref<80x128xi32, #tpu.memory_space<vmem>>, vector<1x16xi32>,
      %get3A_284 = vector.shape_cast %get3A_283 : vector<1x16xi32> to vector<16xi32>
      %swap3A_285 = arith.constant 64 : index
      %swap3A_286 = tpu.vector_load %arg7[%swap3A_285] {strides = array<i32>} : memref<128xi32, #tpu.memory_space<vmem>>, vector<16xi32>,
      %swap3A_287 = vector.shape_cast %swap3A_286 : vector<16xi32> to vector<16xi32>
      %swap3A_288 = vector.shape_cast %get3A_284 : vector<16xi32> to vector<16xi32>
      tpu.vector_store %arg7[%swap3A_285], %swap3A_288 {strides = array<i32>} : memref<128xi32, #tpu.memory_space<vmem>>, vector<16xi32>,
      %get3A_289 = arith.index_cast %add3A_248 : i32 to index
      %get3A_290 = arith.constant 80 : index
      %get3A_291 = tpu.vector_load %arg5[%get3A_289, %get3A_290] {strides = array<i32>} : memref<80x128xi32, #tpu.memory_space<vmem>>, vector<1x16xi32>,
      %get3A_292 = vector.shape_cast %get3A_291 : vector<1x16xi32> to vector<16xi32>
      %swap3A_293 = arith.constant 80 : index
      %swap3A_294 = tpu.vector_load %arg7[%swap3A_293] {strides = array<i32>} : memref<128xi32, #tpu.memory_space<vmem>>, vector<16xi32>,
      %swap3A_295 = vector.shape_cast %swap3A_294 : vector<16xi32> to vector<16xi32>
      %swap3A_296 = vector.shape_cast %get3A_292 : vector<16xi32> to vector<16xi32>
      tpu.vector_store %arg7[%swap3A_293], %swap3A_296 {strides = array<i32>} : memref<128xi32, #tpu.memory_space<vmem>>, vector<16xi32>,
      %get3A_297 = arith.index_cast %add3A_248 : i32 to index
      %get3A_298 = arith.constant 96 : index
      %get3A_299 = tpu.vector_load %arg5[%get3A_297, %get3A_298] {strides = array<i32>} : memref<80x128xi32, #tpu.memory_space<vmem>>, vector<1x16xi32>,
      %get3A_300 = vector.shape_cast %get3A_299 : vector<1x16xi32> to vector<16xi32>
      %swap3A_301 = arith.constant 96 : index
      %swap3A_302 = tpu.vector_load %arg7[%swap3A_301] {strides = array<i32>} : memref<128xi32, #tpu.memory_space<vmem>>, vector<16xi32>,
      %swap3A_303 = vector.shape_cast %swap3A_302 : vector<16xi32> to vector<16xi32>
      %swap3A_304 = vector.shape_cast %get3A_300 : vector<16xi32> to vector<16xi32>
      tpu.vector_store %arg7[%swap3A_301], %swap3A_304 {strides = array<i32>} : memref<128xi32, #tpu.memory_space<vmem>>, vector<16xi32>,
      %get3A_305 = arith.index_cast %add3A_248 : i32 to index
      %get3A_306 = arith.constant 112 : index
      %get3A_307 = tpu.vector_load %arg5[%get3A_305, %get3A_306] {strides = array<i32>} : memref<80x128xi32, #tpu.memory_space<vmem>>, vector<1x16xi32>,
      %get3A_308 = vector.shape_cast %get3A_307 : vector<1x16xi32> to vector<16xi32>
      %swap3A_309 = arith.constant 112 : index
      %swap3A_310 = tpu.vector_load %arg7[%swap3A_309] {strides = array<i32>} : memref<128xi32, #tpu.memory_space<vmem>>, vector<16xi32>,
      %swap3A_311 = vector.shape_cast %swap3A_310 : vector<16xi32> to vector<16xi32>
      %swap3A_312 = vector.shape_cast %get3A_308 : vector<16xi32> to vector<16xi32>
      tpu.vector_store %arg7[%swap3A_309], %swap3A_312 {strides = array<i32>} : memref<128xi32, #tpu.memory_space<vmem>>, vector<16xi32>,
      %dma_start3A_313 = arith.constant 0 : i32
      %dma_start3A_314 = arith.constant 0 : i32
      %dma_start3A_315 = tpu.memref_slice %arg9[%dma_start3A_313, %dma_start3A_314] : memref<10240x16xf32, #tpu.memory_space<vmem_shared>> -> memref<10240x16xf32, #tpu.memory_space<vmem_shared>>
      tpu.enqueue_indirect_dma source(%arg8 : memref<128x16xf32, #tpu.memory_space<vmem>>) target(%dma_start3A_315 : memref<10240x16xf32, #tpu.memory_space<vmem_shared>>) offsets(%arg7 : memref<128xi32, #tpu.memory_space<vmem>>) semaphore(%arg11 : memref<!tpu.dma_semaphore, #tpu.memory_space<semaphore_mem>>) {add = true}
    }
    %scan3A_162 = arith.constant 39 : i32
    %dma_wait3A = arith.constant 0 : i32
    %dma_wait3A_163 = arith.constant 0 : i32
    %dma_wait3A_164 = tpu.memref_slice %arg9[%dma_wait3A, %dma_wait3A_163] : memref<10240x16xf32, #tpu.memory_space<vmem_shared>> -> memref<10240x16xf32, #tpu.memory_space<vmem_shared>>
    tpu.wait_indirect_dma semaphore(%arg10 : memref<!tpu.dma_semaphore, #tpu.memory_space<semaphore_mem>>) src(%arg8 : memref<128x16xf32, #tpu.memory_space<vmem>>) dst(%dma_wait3A_164 : memref<10240x16xf32, #tpu.memory_space<vmem_shared>>)
    %dma_wait3A_165 = arith.constant 0 : i32
    %dma_wait3A_166 = arith.constant 0 : i32
    %dma_wait3A_167 = tpu.memref_slice %arg9[%dma_wait3A_165, %dma_wait3A_166] : memref<10240x16xf32, #tpu.memory_space<vmem_shared>> -> memref<10240x16xf32, #tpu.memory_space<vmem_shared>>
    tpu.wait_indirect_dma semaphore(%arg11 : memref<!tpu.dma_semaphore, #tpu.memory_space<semaphore_mem>>) src(%arg8 : memref<128x16xf32, #tpu.memory_space<vmem>>) dst(%dma_wait3A_167 : memref<10240x16xf32, #tpu.memory_space<vmem_shared>>)
    %barrier3A_168 = arith.constant 0 : index
    tpu.barrier barrier_id(%barrier3A_168)
    "tpu.region"() ({
      %run_scoped3A = tpu.sem_alloc : memref<!tpu.dma_semaphore, #tpu.memory_space<semaphore_mem>>
      %dma_start3A_169 = arith.constant 0 : i32
      %dma_start3A_170 = tpu.memref_slice %arg4[%arg0, %mul3A_2, %dma_start3A_169] : memref<2x10240x16xf32, #tpu.memory_space<hbm>> -> memref<1x640x16xf32, #tpu.memory_space<hbm>>
      %dma_start3A_171 = tpu.memref_squeeze %dma_start3A_170 : memref<1x640x16xf32, #tpu.memory_space<hbm>> -> memref<640x16xf32, #tpu.memory_space<hbm>>
      %dma_start3A_172 = arith.constant 0 : i32
      %dma_start3A_173 = tpu.memref_slice %arg9[%mul3A_2, %dma_start3A_172] : memref<10240x16xf32, #tpu.memory_space<vmem_shared>> -> memref<640x16xf32, #tpu.memory_space<vmem_shared>>
      tpu.enqueue_dma source(%dma_start3A_173 : memref<640x16xf32, #tpu.memory_space<vmem_shared>>) target(%dma_start3A_171 : memref<640x16xf32, #tpu.memory_space<hbm>>) target_semaphore(%run_scoped3A : memref<!tpu.dma_semaphore, #tpu.memory_space<semaphore_mem>>)
      %dma_wait3A_174 = arith.constant 0 : i32
      %dma_wait3A_175 = tpu.memref_slice %arg4[%arg0, %mul3A_2, %dma_wait3A_174] : memref<2x10240x16xf32, #tpu.memory_space<hbm>> -> memref<1x640x16xf32, #tpu.memory_space<hbm>>
      %dma_wait3A_176 = tpu.memref_squeeze %dma_wait3A_175 : memref<1x640x16xf32, #tpu.memory_space<hbm>> -> memref<640x16xf32, #tpu.memory_space<hbm>>
      %dma_wait3A_177 = arith.constant 0 : i32
      %dma_wait3A_178 = tpu.memref_slice %arg9[%mul3A_2, %dma_wait3A_177] : memref<10240x16xf32, #tpu.memory_space<vmem_shared>> -> memref<640x16xf32, #tpu.memory_space<vmem_shared>>
      tpu.wait_dma2 semaphore(%run_scoped3A : memref<!tpu.dma_semaphore, #tpu.memory_space<semaphore_mem>>) src(%dma_wait3A_178 : memref<640x16xf32, #tpu.memory_space<vmem_shared>>) dst(%dma_wait3A_176 : memref<640x16xf32, #tpu.memory_space<hbm>>)
      tpu.yield
    }) : () -> ()
    return
  }
}

#map = affine_map<(d0, d1) -> (0, 0)>
#map1 = affine_map<(d0, d1) -> (0)>
#map2 = affine_map<(d0, d1) -> (0, 0, 0)>
module attributes {stable_mosaic.version = 14 : i64} {
  func.func @spmm_kernel(%arg0: i32, %arg1: i32, %arg2: memref<10000x128xf32, #tpu.memory_space<hbm>>, %arg3: memref<327680xi32, #tpu.memory_space<hbm>>, %arg4: memref<327680xi32, #tpu.memory_space<hbm>>, %arg5: memref<10240x128xf32, #tpu.memory_space<hbm>>, %arg6: memref<2x10240x128xf32, #tpu.memory_space<hbm>>, %arg7: memref<128xi32, #tpu.memory_space<vmem>>, %arg8: memref<128xi32, #tpu.memory_space<vmem>>, %arg9: memref<128xi32, #tpu.memory_space<vmem>>, %arg10: memref<128xi32, #tpu.memory_space<vmem>>, %arg11: memref<128xi32, #tpu.memory_space<vmem>>, %arg12: memref<128xi32, #tpu.memory_space<vmem>>, %arg13: memref<128xi32, #tpu.memory_space<vmem>>, %arg14: memref<128xi32, #tpu.memory_space<vmem>>, %arg15: memref<128x128xf32, #tpu.memory_space<vmem>>, %arg16: memref<128x128xf32, #tpu.memory_space<vmem>>, %arg17: memref<10240x128xf32, #tpu.memory_space<vmem_shared>>, %arg18: memref<!tpu.dma_semaphore, #tpu.memory_space<semaphore_mem>>, %arg19: memref<!tpu.dma_semaphore, #tpu.memory_space<semaphore_mem>>, %arg20: memref<!tpu.dma_semaphore, #tpu.memory_space<semaphore_mem>>, %arg21: memref<!tpu.dma_semaphore, #tpu.memory_space<semaphore_mem>>, %arg22: memref<!tpu.dma_semaphore, #tpu.memory_space<semaphore_mem>>, %arg23: memref<!tpu.dma_semaphore, #tpu.memory_space<semaphore_mem>>, %arg24: memref<!tpu.dma_semaphore, #tpu.memory_space<semaphore_mem>>, %arg25: memref<!tpu.dma_semaphore, #tpu.memory_space<semaphore_mem>>) attributes {dimension_semantics = [#tpu.dimension_semantics<core_parallel>, #tpu.dimension_semantics<subcore_parallel>], iteration_bounds = array<i64: 2, 16>, scalar_prefetch = 0 : i64, scratch_operands = 19 : i64, tpu.core_type = #tpu.core_type<sc_vector_subcore>, window_params = [{transform_indices = #map}, {transform_indices = #map1}, {transform_indices = #map1}, {transform_indices = #map}, {transform_indices = #map2}]} {
    %mul3A = arith.constant 16 : i32
    %mul3A_0 = arith.muli %arg0, %mul3A : i32
    %add3A = arith.addi %mul3A_0, %arg1 : i32
    %mul3A_1 = arith.constant 640 : i32
    %mul3A_2 = arith.muli %arg1, %mul3A_1 : i32
    %mul3A_3 = arith.constant 10240 : i32
    %mul3A_4 = arith.muli %add3A, %mul3A_3 : i32
    %add3A_5 = arith.constant 0 : i32
    %add3A_6 = arith.addi %mul3A_4, %add3A_5 : i32
    %dma_start3A = tpu.memref_slice %arg3[%add3A_6] : memref<327680xi32, #tpu.memory_space<hbm>> -> memref<128xi32, #tpu.memory_space<hbm>>
    %dma_start3A_7 = tpu.memref_slice %arg3[%add3A_6] : memref<327680xi32, #tpu.memory_space<hbm>> -> memref<128xi32, #tpu.memory_space<hbm>>
    tpu.enqueue_dma source(%dma_start3A_7 : memref<128xi32, #tpu.memory_space<hbm>>) target(%arg7 : memref<128xi32, #tpu.memory_space<vmem>>) target_semaphore(%arg18 : memref<!tpu.dma_semaphore, #tpu.memory_space<semaphore_mem>>)
    %add3A_8 = arith.constant 0 : i32
    %add3A_9 = arith.addi %mul3A_4, %add3A_8 : i32
    %dma_start3A_10 = tpu.memref_slice %arg4[%add3A_9] : memref<327680xi32, #tpu.memory_space<hbm>> -> memref<128xi32, #tpu.memory_space<hbm>>
    %dma_start3A_11 = tpu.memref_slice %arg4[%add3A_9] : memref<327680xi32, #tpu.memory_space<hbm>> -> memref<128xi32, #tpu.memory_space<hbm>>
    tpu.enqueue_dma source(%dma_start3A_11 : memref<128xi32, #tpu.memory_space<hbm>>) target(%arg11 : memref<128xi32, #tpu.memory_space<vmem>>) target_semaphore(%arg18 : memref<!tpu.dma_semaphore, #tpu.memory_space<semaphore_mem>>)
    %add3A_12 = arith.constant 128 : i32
    %add3A_13 = arith.addi %mul3A_4, %add3A_12 : i32
    %dma_start3A_14 = tpu.memref_slice %arg3[%add3A_13] : memref<327680xi32, #tpu.memory_space<hbm>> -> memref<128xi32, #tpu.memory_space<hbm>>
    %dma_start3A_15 = tpu.memref_slice %arg3[%add3A_13] : memref<327680xi32, #tpu.memory_space<hbm>> -> memref<128xi32, #tpu.memory_space<hbm>>
    tpu.enqueue_dma source(%dma_start3A_15 : memref<128xi32, #tpu.memory_space<hbm>>) target(%arg8 : memref<128xi32, #tpu.memory_space<vmem>>) target_semaphore(%arg19 : memref<!tpu.dma_semaphore, #tpu.memory_space<semaphore_mem>>)
    %add3A_16 = arith.constant 128 : i32
    %add3A_17 = arith.addi %mul3A_4, %add3A_16 : i32
    %dma_start3A_18 = tpu.memref_slice %arg4[%add3A_17] : memref<327680xi32, #tpu.memory_space<hbm>> -> memref<128xi32, #tpu.memory_space<hbm>>
    %dma_start3A_19 = tpu.memref_slice %arg4[%add3A_17] : memref<327680xi32, #tpu.memory_space<hbm>> -> memref<128xi32, #tpu.memory_space<hbm>>
    tpu.enqueue_dma source(%dma_start3A_19 : memref<128xi32, #tpu.memory_space<hbm>>) target(%arg12 : memref<128xi32, #tpu.memory_space<vmem>>) target_semaphore(%arg19 : memref<!tpu.dma_semaphore, #tpu.memory_space<semaphore_mem>>)
    %add3A_20 = arith.constant 256 : i32
    %add3A_21 = arith.addi %mul3A_4, %add3A_20 : i32
    %dma_start3A_22 = tpu.memref_slice %arg3[%add3A_21] : memref<327680xi32, #tpu.memory_space<hbm>> -> memref<128xi32, #tpu.memory_space<hbm>>
    %dma_start3A_23 = tpu.memref_slice %arg3[%add3A_21] : memref<327680xi32, #tpu.memory_space<hbm>> -> memref<128xi32, #tpu.memory_space<hbm>>
    tpu.enqueue_dma source(%dma_start3A_23 : memref<128xi32, #tpu.memory_space<hbm>>) target(%arg9 : memref<128xi32, #tpu.memory_space<vmem>>) target_semaphore(%arg20 : memref<!tpu.dma_semaphore, #tpu.memory_space<semaphore_mem>>)
    %add3A_24 = arith.constant 256 : i32
    %add3A_25 = arith.addi %mul3A_4, %add3A_24 : i32
    %dma_start3A_26 = tpu.memref_slice %arg4[%add3A_25] : memref<327680xi32, #tpu.memory_space<hbm>> -> memref<128xi32, #tpu.memory_space<hbm>>
    %dma_start3A_27 = tpu.memref_slice %arg4[%add3A_25] : memref<327680xi32, #tpu.memory_space<hbm>> -> memref<128xi32, #tpu.memory_space<hbm>>
    tpu.enqueue_dma source(%dma_start3A_27 : memref<128xi32, #tpu.memory_space<hbm>>) target(%arg13 : memref<128xi32, #tpu.memory_space<vmem>>) target_semaphore(%arg20 : memref<!tpu.dma_semaphore, #tpu.memory_space<semaphore_mem>>)
    "tpu.region"() ({
      %run_scoped3A = tpu.sem_alloc : memref<!tpu.dma_semaphore, #tpu.memory_space<semaphore_mem>>
      %dma_start3A_201 = arith.constant 0 : i32
      %dma_start3A_202 = tpu.memref_slice %arg17[%mul3A_2, %dma_start3A_201] : memref<10240x128xf32, #tpu.memory_space<vmem_shared>> -> memref<640x128xf32, #tpu.memory_space<vmem_shared>>
      %dma_start3A_203 = arith.constant 0 : i32
      %dma_start3A_204 = tpu.memref_slice %arg5[%mul3A_2, %dma_start3A_203] : memref<10240x128xf32, #tpu.memory_space<hbm>> -> memref<640x128xf32, #tpu.memory_space<hbm>>
      tpu.enqueue_dma source(%dma_start3A_204 : memref<640x128xf32, #tpu.memory_space<hbm>>) target(%dma_start3A_202 : memref<640x128xf32, #tpu.memory_space<vmem_shared>>) target_semaphore(%run_scoped3A : memref<!tpu.dma_semaphore, #tpu.memory_space<semaphore_mem>>)
      %dma_wait3A_205 = arith.constant 0 : i32
      %dma_wait3A_206 = tpu.memref_slice %arg17[%mul3A_2, %dma_wait3A_205] : memref<10240x128xf32, #tpu.memory_space<vmem_shared>> -> memref<640x128xf32, #tpu.memory_space<vmem_shared>>
      %dma_wait3A_207 = arith.constant 0 : i32
      %dma_wait3A_208 = tpu.memref_slice %arg5[%mul3A_2, %dma_wait3A_207] : memref<10240x128xf32, #tpu.memory_space<hbm>> -> memref<640x128xf32, #tpu.memory_space<hbm>>
      tpu.wait_dma2 semaphore(%run_scoped3A : memref<!tpu.dma_semaphore, #tpu.memory_space<semaphore_mem>>) src(%dma_wait3A_208 : memref<640x128xf32, #tpu.memory_space<hbm>>) dst(%dma_wait3A_206 : memref<640x128xf32, #tpu.memory_space<vmem_shared>>)
      tpu.yield
    }) : () -> ()
    %barrier3A = arith.constant 0 : index
    tpu.barrier barrier_id(%barrier3A)
    %dma_wait3A = tpu.memref_slice %arg3[%mul3A_4] : memref<327680xi32, #tpu.memory_space<hbm>> -> memref<128xi32, #tpu.memory_space<hbm>>
    %dma_wait3A_28 = tpu.memref_slice %arg3[%mul3A_4] : memref<327680xi32, #tpu.memory_space<hbm>> -> memref<128xi32, #tpu.memory_space<hbm>>
    tpu.wait_dma2 semaphore(%arg18 : memref<!tpu.dma_semaphore, #tpu.memory_space<semaphore_mem>>) src(%dma_wait3A_28 : memref<128xi32, #tpu.memory_space<hbm>>) dst(%arg7 : memref<128xi32, #tpu.memory_space<vmem>>)
    %dma_wait3A_29 = tpu.memref_slice %arg4[%mul3A_4] : memref<327680xi32, #tpu.memory_space<hbm>> -> memref<128xi32, #tpu.memory_space<hbm>>
    %dma_wait3A_30 = tpu.memref_slice %arg4[%mul3A_4] : memref<327680xi32, #tpu.memory_space<hbm>> -> memref<128xi32, #tpu.memory_space<hbm>>
    tpu.wait_dma2 semaphore(%arg18 : memref<!tpu.dma_semaphore, #tpu.memory_space<semaphore_mem>>) src(%dma_wait3A_30 : memref<128xi32, #tpu.memory_space<hbm>>) dst(%arg11 : memref<128xi32, #tpu.memory_space<vmem>>)
    %dma_start3A_31 = arith.constant 0 : i32
    %dma_start3A_32 = arith.constant 0 : i32
    %dma_start3A_33 = tpu.memref_slice %arg2[%dma_start3A_31, %dma_start3A_32] : memref<10000x128xf32, #tpu.memory_space<hbm>> -> memref<10000x128xf32, #tpu.memory_space<hbm>>
    tpu.enqueue_indirect_dma source(%dma_start3A_33 : memref<10000x128xf32, #tpu.memory_space<hbm>>) target(%arg15 : memref<128x128xf32, #tpu.memory_space<vmem>>) offsets(%arg7 : memref<128xi32, #tpu.memory_space<vmem>>) semaphore(%arg22 : memref<!tpu.dma_semaphore, #tpu.memory_space<semaphore_mem>>)
    %dma_wait3A_34 = arith.constant 0 : i32
    %dma_wait3A_35 = arith.constant 0 : i32
    %dma_wait3A_36 = tpu.memref_slice %arg2[%dma_wait3A_34, %dma_wait3A_35] : memref<10000x128xf32, #tpu.memory_space<hbm>> -> memref<10000x128xf32, #tpu.memory_space<hbm>>
    tpu.wait_indirect_dma semaphore(%arg22 : memref<!tpu.dma_semaphore, #tpu.memory_space<semaphore_mem>>) src(%dma_wait3A_36 : memref<10000x128xf32, #tpu.memory_space<hbm>>) dst(%arg15 : memref<128x128xf32, #tpu.memory_space<vmem>>)
    %dma_start3A_37 = arith.constant 0 : i32
    %dma_start3A_38 = arith.constant 0 : i32
    %dma_start3A_39 = tpu.memref_slice %arg17[%dma_start3A_37, %dma_start3A_38] : memref<10240x128xf32, #tpu.memory_space<vmem_shared>> -> memref<10240x128xf32, #tpu.memory_space<vmem_shared>>
    tpu.enqueue_indirect_dma source(%arg15 : memref<128x128xf32, #tpu.memory_space<vmem>>) target(%dma_start3A_39 : memref<10240x128xf32, #tpu.memory_space<vmem_shared>>) offsets(%arg11 : memref<128xi32, #tpu.memory_space<vmem>>) semaphore(%arg24 : memref<!tpu.dma_semaphore, #tpu.memory_space<semaphore_mem>>) {add = true}
    %add3A_40 = arith.constant 384 : i32
    %add3A_41 = arith.addi %mul3A_4, %add3A_40 : i32
    %dma_start3A_42 = tpu.memref_slice %arg3[%add3A_41] : memref<327680xi32, #tpu.memory_space<hbm>> -> memref<128xi32, #tpu.memory_space<hbm>>
    %dma_start3A_43 = tpu.memref_slice %arg3[%add3A_41] : memref<327680xi32, #tpu.memory_space<hbm>> -> memref<128xi32, #tpu.memory_space<hbm>>
    tpu.enqueue_dma source(%dma_start3A_43 : memref<128xi32, #tpu.memory_space<hbm>>) target(%arg10 : memref<128xi32, #tpu.memory_space<vmem>>) target_semaphore(%arg21 : memref<!tpu.dma_semaphore, #tpu.memory_space<semaphore_mem>>)
    %add3A_44 = arith.constant 384 : i32
    %add3A_45 = arith.addi %mul3A_4, %add3A_44 : i32
    %dma_start3A_46 = tpu.memref_slice %arg4[%add3A_45] : memref<327680xi32, #tpu.memory_space<hbm>> -> memref<128xi32, #tpu.memory_space<hbm>>
    %dma_start3A_47 = tpu.memref_slice %arg4[%add3A_45] : memref<327680xi32, #tpu.memory_space<hbm>> -> memref<128xi32, #tpu.memory_space<hbm>>
    tpu.enqueue_dma source(%dma_start3A_47 : memref<128xi32, #tpu.memory_space<hbm>>) target(%arg14 : memref<128xi32, #tpu.memory_space<vmem>>) target_semaphore(%arg21 : memref<!tpu.dma_semaphore, #tpu.memory_space<semaphore_mem>>)
    %dma_wait3A_48 = tpu.memref_slice %arg3[%mul3A_4] : memref<327680xi32, #tpu.memory_space<hbm>> -> memref<128xi32, #tpu.memory_space<hbm>>
    %dma_wait3A_49 = tpu.memref_slice %arg3[%mul3A_4] : memref<327680xi32, #tpu.memory_space<hbm>> -> memref<128xi32, #tpu.memory_space<hbm>>
    tpu.wait_dma2 semaphore(%arg19 : memref<!tpu.dma_semaphore, #tpu.memory_space<semaphore_mem>>) src(%dma_wait3A_49 : memref<128xi32, #tpu.memory_space<hbm>>) dst(%arg8 : memref<128xi32, #tpu.memory_space<vmem>>)
    %dma_wait3A_50 = tpu.memref_slice %arg4[%mul3A_4] : memref<327680xi32, #tpu.memory_space<hbm>> -> memref<128xi32, #tpu.memory_space<hbm>>
    %dma_wait3A_51 = tpu.memref_slice %arg4[%mul3A_4] : memref<327680xi32, #tpu.memory_space<hbm>> -> memref<128xi32, #tpu.memory_space<hbm>>
    tpu.wait_dma2 semaphore(%arg19 : memref<!tpu.dma_semaphore, #tpu.memory_space<semaphore_mem>>) src(%dma_wait3A_51 : memref<128xi32, #tpu.memory_space<hbm>>) dst(%arg12 : memref<128xi32, #tpu.memory_space<vmem>>)
    %dma_start3A_52 = arith.constant 0 : i32
    %dma_start3A_53 = arith.constant 0 : i32
    %dma_start3A_54 = tpu.memref_slice %arg2[%dma_start3A_52, %dma_start3A_53] : memref<10000x128xf32, #tpu.memory_space<hbm>> -> memref<10000x128xf32, #tpu.memory_space<hbm>>
    tpu.enqueue_indirect_dma source(%dma_start3A_54 : memref<10000x128xf32, #tpu.memory_space<hbm>>) target(%arg16 : memref<128x128xf32, #tpu.memory_space<vmem>>) offsets(%arg8 : memref<128xi32, #tpu.memory_space<vmem>>) semaphore(%arg23 : memref<!tpu.dma_semaphore, #tpu.memory_space<semaphore_mem>>)
    %dma_wait3A_55 = arith.constant 0 : i32
    %dma_wait3A_56 = arith.constant 0 : i32
    %dma_wait3A_57 = tpu.memref_slice %arg2[%dma_wait3A_55, %dma_wait3A_56] : memref<10000x128xf32, #tpu.memory_space<hbm>> -> memref<10000x128xf32, #tpu.memory_space<hbm>>
    tpu.wait_indirect_dma semaphore(%arg23 : memref<!tpu.dma_semaphore, #tpu.memory_space<semaphore_mem>>) src(%dma_wait3A_57 : memref<10000x128xf32, #tpu.memory_space<hbm>>) dst(%arg16 : memref<128x128xf32, #tpu.memory_space<vmem>>)
    %dma_start3A_58 = arith.constant 0 : i32
    %dma_start3A_59 = arith.constant 0 : i32
    %dma_start3A_60 = tpu.memref_slice %arg17[%dma_start3A_58, %dma_start3A_59] : memref<10240x128xf32, #tpu.memory_space<vmem_shared>> -> memref<10240x128xf32, #tpu.memory_space<vmem_shared>>
    tpu.enqueue_indirect_dma source(%arg16 : memref<128x128xf32, #tpu.memory_space<vmem>>) target(%dma_start3A_60 : memref<10240x128xf32, #tpu.memory_space<vmem_shared>>) offsets(%arg12 : memref<128xi32, #tpu.memory_space<vmem>>) semaphore(%arg25 : memref<!tpu.dma_semaphore, #tpu.memory_space<semaphore_mem>>) {add = true}
    %dma_wait3A_61 = arith.constant 0 : i32
    %dma_wait3A_62 = arith.constant 0 : i32
    %dma_wait3A_63 = tpu.memref_slice %arg17[%dma_wait3A_61, %dma_wait3A_62] : memref<10240x128xf32, #tpu.memory_space<vmem_shared>> -> memref<10240x128xf32, #tpu.memory_space<vmem_shared>>
    tpu.wait_indirect_dma semaphore(%arg24 : memref<!tpu.dma_semaphore, #tpu.memory_space<semaphore_mem>>) src(%arg15 : memref<128x128xf32, #tpu.memory_space<vmem>>) dst(%dma_wait3A_63 : memref<10240x128xf32, #tpu.memory_space<vmem_shared>>)
    %add3A_64 = arith.constant 512 : i32
    %add3A_65 = arith.addi %mul3A_4, %add3A_64 : i32
    %dma_start3A_66 = tpu.memref_slice %arg3[%add3A_65] : memref<327680xi32, #tpu.memory_space<hbm>> -> memref<128xi32, #tpu.memory_space<hbm>>
    %dma_start3A_67 = tpu.memref_slice %arg3[%add3A_65] : memref<327680xi32, #tpu.memory_space<hbm>> -> memref<128xi32, #tpu.memory_space<hbm>>
    tpu.enqueue_dma source(%dma_start3A_67 : memref<128xi32, #tpu.memory_space<hbm>>) target(%arg7 : memref<128xi32, #tpu.memory_space<vmem>>) target_semaphore(%arg18 : memref<!tpu.dma_semaphore, #tpu.memory_space<semaphore_mem>>)
    %add3A_68 = arith.constant 512 : i32
    %add3A_69 = arith.addi %mul3A_4, %add3A_68 : i32
    %dma_start3A_70 = tpu.memref_slice %arg4[%add3A_69] : memref<327680xi32, #tpu.memory_space<hbm>> -> memref<128xi32, #tpu.memory_space<hbm>>
    %dma_start3A_71 = tpu.memref_slice %arg4[%add3A_69] : memref<327680xi32, #tpu.memory_space<hbm>> -> memref<128xi32, #tpu.memory_space<hbm>>
    tpu.enqueue_dma source(%dma_start3A_71 : memref<128xi32, #tpu.memory_space<hbm>>) target(%arg11 : memref<128xi32, #tpu.memory_space<vmem>>) target_semaphore(%arg18 : memref<!tpu.dma_semaphore, #tpu.memory_space<semaphore_mem>>)
    %dma_wait3A_72 = tpu.memref_slice %arg3[%mul3A_4] : memref<327680xi32, #tpu.memory_space<hbm>> -> memref<128xi32, #tpu.memory_space<hbm>>
    %dma_wait3A_73 = tpu.memref_slice %arg3[%mul3A_4] : memref<327680xi32, #tpu.memory_space<hbm>> -> memref<128xi32, #tpu.memory_space<hbm>>
    tpu.wait_dma2 semaphore(%arg20 : memref<!tpu.dma_semaphore, #tpu.memory_space<semaphore_mem>>) src(%dma_wait3A_73 : memref<128xi32, #tpu.memory_space<hbm>>) dst(%arg9 : memref<128xi32, #tpu.memory_space<vmem>>)
    %dma_wait3A_74 = tpu.memref_slice %arg4[%mul3A_4] : memref<327680xi32, #tpu.memory_space<hbm>> -> memref<128xi32, #tpu.memory_space<hbm>>
    %dma_wait3A_75 = tpu.memref_slice %arg4[%mul3A_4] : memref<327680xi32, #tpu.memory_space<hbm>> -> memref<128xi32, #tpu.memory_space<hbm>>
    tpu.wait_dma2 semaphore(%arg20 : memref<!tpu.dma_semaphore, #tpu.memory_space<semaphore_mem>>) src(%dma_wait3A_75 : memref<128xi32, #tpu.memory_space<hbm>>) dst(%arg13 : memref<128xi32, #tpu.memory_space<vmem>>)
    %dma_start3A_76 = arith.constant 0 : i32
    %dma_start3A_77 = arith.constant 0 : i32
    %dma_start3A_78 = tpu.memref_slice %arg2[%dma_start3A_76, %dma_start3A_77] : memref<10000x128xf32, #tpu.memory_space<hbm>> -> memref<10000x128xf32, #tpu.memory_space<hbm>>
    tpu.enqueue_indirect_dma source(%dma_start3A_78 : memref<10000x128xf32, #tpu.memory_space<hbm>>) target(%arg15 : memref<128x128xf32, #tpu.memory_space<vmem>>) offsets(%arg9 : memref<128xi32, #tpu.memory_space<vmem>>) semaphore(%arg22 : memref<!tpu.dma_semaphore, #tpu.memory_space<semaphore_mem>>)
    %dma_wait3A_79 = arith.constant 0 : i32
    %dma_wait3A_80 = arith.constant 0 : i32
    %dma_wait3A_81 = tpu.memref_slice %arg2[%dma_wait3A_79, %dma_wait3A_80] : memref<10000x128xf32, #tpu.memory_space<hbm>> -> memref<10000x128xf32, #tpu.memory_space<hbm>>
    tpu.wait_indirect_dma semaphore(%arg22 : memref<!tpu.dma_semaphore, #tpu.memory_space<semaphore_mem>>) src(%dma_wait3A_81 : memref<10000x128xf32, #tpu.memory_space<hbm>>) dst(%arg15 : memref<128x128xf32, #tpu.memory_space<vmem>>)
    %dma_start3A_82 = arith.constant 0 : i32
    %dma_start3A_83 = arith.constant 0 : i32
    %dma_start3A_84 = tpu.memref_slice %arg17[%dma_start3A_82, %dma_start3A_83] : memref<10240x128xf32, #tpu.memory_space<vmem_shared>> -> memref<10240x128xf32, #tpu.memory_space<vmem_shared>>
    tpu.enqueue_indirect_dma source(%arg15 : memref<128x128xf32, #tpu.memory_space<vmem>>) target(%dma_start3A_84 : memref<10240x128xf32, #tpu.memory_space<vmem_shared>>) offsets(%arg13 : memref<128xi32, #tpu.memory_space<vmem>>) semaphore(%arg24 : memref<!tpu.dma_semaphore, #tpu.memory_space<semaphore_mem>>) {add = true}
    %dma_wait3A_85 = arith.constant 0 : i32
    %dma_wait3A_86 = arith.constant 0 : i32
    %dma_wait3A_87 = tpu.memref_slice %arg17[%dma_wait3A_85, %dma_wait3A_86] : memref<10240x128xf32, #tpu.memory_space<vmem_shared>> -> memref<10240x128xf32, #tpu.memory_space<vmem_shared>>
    tpu.wait_indirect_dma semaphore(%arg25 : memref<!tpu.dma_semaphore, #tpu.memory_space<semaphore_mem>>) src(%arg16 : memref<128x128xf32, #tpu.memory_space<vmem>>) dst(%dma_wait3A_87 : memref<10240x128xf32, #tpu.memory_space<vmem_shared>>)
    %add3A_88 = arith.constant 640 : i32
    %add3A_89 = arith.addi %mul3A_4, %add3A_88 : i32
    %dma_start3A_90 = tpu.memref_slice %arg3[%add3A_89] : memref<327680xi32, #tpu.memory_space<hbm>> -> memref<128xi32, #tpu.memory_space<hbm>>
    %dma_start3A_91 = tpu.memref_slice %arg3[%add3A_89] : memref<327680xi32, #tpu.memory_space<hbm>> -> memref<128xi32, #tpu.memory_space<hbm>>
    tpu.enqueue_dma source(%dma_start3A_91 : memref<128xi32, #tpu.memory_space<hbm>>) target(%arg8 : memref<128xi32, #tpu.memory_space<vmem>>) target_semaphore(%arg19 : memref<!tpu.dma_semaphore, #tpu.memory_space<semaphore_mem>>)
    %add3A_92 = arith.constant 640 : i32
    %add3A_93 = arith.addi %mul3A_4, %add3A_92 : i32
    %dma_start3A_94 = tpu.memref_slice %arg4[%add3A_93] : memref<327680xi32, #tpu.memory_space<hbm>> -> memref<128xi32, #tpu.memory_space<hbm>>
    %dma_start3A_95 = tpu.memref_slice %arg4[%add3A_93] : memref<327680xi32, #tpu.memory_space<hbm>> -> memref<128xi32, #tpu.memory_space<hbm>>
    tpu.enqueue_dma source(%dma_start3A_95 : memref<128xi32, #tpu.memory_space<hbm>>) target(%arg12 : memref<128xi32, #tpu.memory_space<vmem>>) target_semaphore(%arg19 : memref<!tpu.dma_semaphore, #tpu.memory_space<semaphore_mem>>)
    %dma_wait3A_96 = tpu.memref_slice %arg3[%mul3A_4] : memref<327680xi32, #tpu.memory_space<hbm>> -> memref<128xi32, #tpu.memory_space<hbm>>
    %dma_wait3A_97 = tpu.memref_slice %arg3[%mul3A_4] : memref<327680xi32, #tpu.memory_space<hbm>> -> memref<128xi32, #tpu.memory_space<hbm>>
    tpu.wait_dma2 semaphore(%arg21 : memref<!tpu.dma_semaphore, #tpu.memory_space<semaphore_mem>>) src(%dma_wait3A_97 : memref<128xi32, #tpu.memory_space<hbm>>) dst(%arg10 : memref<128xi32, #tpu.memory_space<vmem>>)
    %dma_wait3A_98 = tpu.memref_slice %arg4[%mul3A_4] : memref<327680xi32, #tpu.memory_space<hbm>> -> memref<128xi32, #tpu.memory_space<hbm>>
    %dma_wait3A_99 = tpu.memref_slice %arg4[%mul3A_4] : memref<327680xi32, #tpu.memory_space<hbm>> -> memref<128xi32, #tpu.memory_space<hbm>>
    tpu.wait_dma2 semaphore(%arg21 : memref<!tpu.dma_semaphore, #tpu.memory_space<semaphore_mem>>) src(%dma_wait3A_99 : memref<128xi32, #tpu.memory_space<hbm>>) dst(%arg14 : memref<128xi32, #tpu.memory_space<vmem>>)
    %dma_start3A_100 = arith.constant 0 : i32
    %dma_start3A_101 = arith.constant 0 : i32
    %dma_start3A_102 = tpu.memref_slice %arg2[%dma_start3A_100, %dma_start3A_101] : memref<10000x128xf32, #tpu.memory_space<hbm>> -> memref<10000x128xf32, #tpu.memory_space<hbm>>
    tpu.enqueue_indirect_dma source(%dma_start3A_102 : memref<10000x128xf32, #tpu.memory_space<hbm>>) target(%arg16 : memref<128x128xf32, #tpu.memory_space<vmem>>) offsets(%arg10 : memref<128xi32, #tpu.memory_space<vmem>>) semaphore(%arg23 : memref<!tpu.dma_semaphore, #tpu.memory_space<semaphore_mem>>)
    %dma_wait3A_103 = arith.constant 0 : i32
    %dma_wait3A_104 = arith.constant 0 : i32
    %dma_wait3A_105 = tpu.memref_slice %arg2[%dma_wait3A_103, %dma_wait3A_104] : memref<10000x128xf32, #tpu.memory_space<hbm>> -> memref<10000x128xf32, #tpu.memory_space<hbm>>
    tpu.wait_indirect_dma semaphore(%arg23 : memref<!tpu.dma_semaphore, #tpu.memory_space<semaphore_mem>>) src(%dma_wait3A_105 : memref<10000x128xf32, #tpu.memory_space<hbm>>) dst(%arg16 : memref<128x128xf32, #tpu.memory_space<vmem>>)
    %dma_start3A_106 = arith.constant 0 : i32
    %dma_start3A_107 = arith.constant 0 : i32
    %dma_start3A_108 = tpu.memref_slice %arg17[%dma_start3A_106, %dma_start3A_107] : memref<10240x128xf32, #tpu.memory_space<vmem_shared>> -> memref<10240x128xf32, #tpu.memory_space<vmem_shared>>
    tpu.enqueue_indirect_dma source(%arg16 : memref<128x128xf32, #tpu.memory_space<vmem>>) target(%dma_start3A_108 : memref<10240x128xf32, #tpu.memory_space<vmem_shared>>) offsets(%arg14 : memref<128xi32, #tpu.memory_space<vmem>>) semaphore(%arg25 : memref<!tpu.dma_semaphore, #tpu.memory_space<semaphore_mem>>) {add = true}
    %dma_wait3A_109 = arith.constant 0 : i32
    %dma_wait3A_110 = arith.constant 0 : i32
    %dma_wait3A_111 = tpu.memref_slice %arg17[%dma_wait3A_109, %dma_wait3A_110] : memref<10240x128xf32, #tpu.memory_space<vmem_shared>> -> memref<10240x128xf32, #tpu.memory_space<vmem_shared>>
    tpu.wait_indirect_dma semaphore(%arg24 : memref<!tpu.dma_semaphore, #tpu.memory_space<semaphore_mem>>) src(%arg15 : memref<128x128xf32, #tpu.memory_space<vmem>>) dst(%dma_wait3A_111 : memref<10240x128xf32, #tpu.memory_space<vmem_shared>>)
    %add3A_112 = arith.constant 768 : i32
    %add3A_113 = arith.addi %mul3A_4, %add3A_112 : i32
    %dma_start3A_114 = tpu.memref_slice %arg3[%add3A_113] : memref<327680xi32, #tpu.memory_space<hbm>> -> memref<128xi32, #tpu.memory_space<hbm>>
    %dma_start3A_115 = tpu.memref_slice %arg3[%add3A_113] : memref<327680xi32, #tpu.memory_space<hbm>> -> memref<128xi32, #tpu.memory_space<hbm>>
    tpu.enqueue_dma source(%dma_start3A_115 : memref<128xi32, #tpu.memory_space<hbm>>) target(%arg9 : memref<128xi32, #tpu.memory_space<vmem>>) target_semaphore(%arg20 : memref<!tpu.dma_semaphore, #tpu.memory_space<semaphore_mem>>)
    %add3A_116 = arith.constant 768 : i32
    %add3A_117 = arith.addi %mul3A_4, %add3A_116 : i32
    %dma_start3A_118 = tpu.memref_slice %arg4[%add3A_117] : memref<327680xi32, #tpu.memory_space<hbm>> -> memref<128xi32, #tpu.memory_space<hbm>>
    %dma_start3A_119 = tpu.memref_slice %arg4[%add3A_117] : memref<327680xi32, #tpu.memory_space<hbm>> -> memref<128xi32, #tpu.memory_space<hbm>>
    tpu.enqueue_dma source(%dma_start3A_119 : memref<128xi32, #tpu.memory_space<hbm>>) target(%arg13 : memref<128xi32, #tpu.memory_space<vmem>>) target_semaphore(%arg20 : memref<!tpu.dma_semaphore, #tpu.memory_space<semaphore_mem>>)
    %dma_wait3A_120 = tpu.memref_slice %arg3[%mul3A_4] : memref<327680xi32, #tpu.memory_space<hbm>> -> memref<128xi32, #tpu.memory_space<hbm>>
    %dma_wait3A_121 = tpu.memref_slice %arg3[%mul3A_4] : memref<327680xi32, #tpu.memory_space<hbm>> -> memref<128xi32, #tpu.memory_space<hbm>>
    tpu.wait_dma2 semaphore(%arg18 : memref<!tpu.dma_semaphore, #tpu.memory_space<semaphore_mem>>) src(%dma_wait3A_121 : memref<128xi32, #tpu.memory_space<hbm>>) dst(%arg7 : memref<128xi32, #tpu.memory_space<vmem>>)
    %dma_wait3A_122 = tpu.memref_slice %arg4[%mul3A_4] : memref<327680xi32, #tpu.memory_space<hbm>> -> memref<128xi32, #tpu.memory_space<hbm>>
    %dma_wait3A_123 = tpu.memref_slice %arg4[%mul3A_4] : memref<327680xi32, #tpu.memory_space<hbm>> -> memref<128xi32, #tpu.memory_space<hbm>>
    tpu.wait_dma2 semaphore(%arg18 : memref<!tpu.dma_semaphore, #tpu.memory_space<semaphore_mem>>) src(%dma_wait3A_123 : memref<128xi32, #tpu.memory_space<hbm>>) dst(%arg11 : memref<128xi32, #tpu.memory_space<vmem>>)
    %dma_start3A_124 = arith.constant 0 : i32
    %dma_start3A_125 = arith.constant 0 : i32
    %dma_start3A_126 = tpu.memref_slice %arg2[%dma_start3A_124, %dma_start3A_125] : memref<10000x128xf32, #tpu.memory_space<hbm>> -> memref<10000x128xf32, #tpu.memory_space<hbm>>
    tpu.enqueue_indirect_dma source(%dma_start3A_126 : memref<10000x128xf32, #tpu.memory_space<hbm>>) target(%arg15 : memref<128x128xf32, #tpu.memory_space<vmem>>) offsets(%arg7 : memref<128xi32, #tpu.memory_space<vmem>>) semaphore(%arg22 : memref<!tpu.dma_semaphore, #tpu.memory_space<semaphore_mem>>)
    %scan3A = arith.constant 0 : i32
    %scan3A_127 = arith.constant 0 : i32
    %scan3A_128 = arith.constant 18 : i32
    %scan3A_129 = arith.addi %scan3A_127, %scan3A_128 : i32
    %scan3A_130 = arith.constant 1 : i32
    scf.for %scan3A_201 = %scan3A_127 to %scan3A_129 step %scan3A_130  : i32 {
      %mul3A_202 = arith.constant 4 : i32
      %mul3A_203 = arith.muli %mul3A_202, %scan3A_201 : i32
      %add3A_204 = arith.constant 4 : i32
      %add3A_205 = arith.addi %mul3A_203, %add3A_204 : i32
      %add3A_206 = arith.constant 3 : i32
      %add3A_207 = arith.addi %add3A_205, %add3A_206 : i32
      %dma_wait3A_208 = arith.constant 0 : i32
      %dma_wait3A_209 = arith.constant 0 : i32
      %dma_wait3A_210 = tpu.memref_slice %arg2[%dma_wait3A_208, %dma_wait3A_209] : memref<10000x128xf32, #tpu.memory_space<hbm>> -> memref<10000x128xf32, #tpu.memory_space<hbm>>
      tpu.wait_indirect_dma semaphore(%arg22 : memref<!tpu.dma_semaphore, #tpu.memory_space<semaphore_mem>>) src(%dma_wait3A_210 : memref<10000x128xf32, #tpu.memory_space<hbm>>) dst(%arg15 : memref<128x128xf32, #tpu.memory_space<vmem>>)
      %dma_start3A_211 = arith.constant 0 : i32
      %dma_start3A_212 = arith.constant 0 : i32
      %dma_start3A_213 = tpu.memref_slice %arg17[%dma_start3A_211, %dma_start3A_212] : memref<10240x128xf32, #tpu.memory_space<vmem_shared>> -> memref<10240x128xf32, #tpu.memory_space<vmem_shared>>
      tpu.enqueue_indirect_dma source(%arg15 : memref<128x128xf32, #tpu.memory_space<vmem>>) target(%dma_start3A_213 : memref<10240x128xf32, #tpu.memory_space<vmem_shared>>) offsets(%arg11 : memref<128xi32, #tpu.memory_space<vmem>>) semaphore(%arg24 : memref<!tpu.dma_semaphore, #tpu.memory_space<semaphore_mem>>) {add = true}
      %dma_wait3A_214 = arith.constant 0 : i32
      %dma_wait3A_215 = arith.constant 0 : i32
      %dma_wait3A_216 = tpu.memref_slice %arg17[%dma_wait3A_214, %dma_wait3A_215] : memref<10240x128xf32, #tpu.memory_space<vmem_shared>> -> memref<10240x128xf32, #tpu.memory_space<vmem_shared>>
      tpu.wait_indirect_dma semaphore(%arg25 : memref<!tpu.dma_semaphore, #tpu.memory_space<semaphore_mem>>) src(%arg16 : memref<128x128xf32, #tpu.memory_space<vmem>>) dst(%dma_wait3A_216 : memref<10240x128xf32, #tpu.memory_space<vmem_shared>>)
      %mul3A_217 = arith.constant 128 : i32
      %mul3A_218 = arith.muli %add3A_207, %mul3A_217 : i32
      %add3A_219 = arith.addi %mul3A_4, %mul3A_218 : i32
      %dma_start3A_220 = tpu.memref_slice %arg3[%add3A_219] : memref<327680xi32, #tpu.memory_space<hbm>> -> memref<128xi32, #tpu.memory_space<hbm>>
      %dma_start3A_221 = tpu.memref_slice %arg3[%add3A_219] : memref<327680xi32, #tpu.memory_space<hbm>> -> memref<128xi32, #tpu.memory_space<hbm>>
      tpu.enqueue_dma source(%dma_start3A_221 : memref<128xi32, #tpu.memory_space<hbm>>) target(%arg10 : memref<128xi32, #tpu.memory_space<vmem>>) target_semaphore(%arg21 : memref<!tpu.dma_semaphore, #tpu.memory_space<semaphore_mem>>)
      %mul3A_222 = arith.constant 128 : i32
      %mul3A_223 = arith.muli %add3A_207, %mul3A_222 : i32
      %add3A_224 = arith.addi %mul3A_4, %mul3A_223 : i32
      %dma_start3A_225 = tpu.memref_slice %arg4[%add3A_224] : memref<327680xi32, #tpu.memory_space<hbm>> -> memref<128xi32, #tpu.memory_space<hbm>>
      %dma_start3A_226 = tpu.memref_slice %arg4[%add3A_224] : memref<327680xi32, #tpu.memory_space<hbm>> -> memref<128xi32, #tpu.memory_space<hbm>>
      tpu.enqueue_dma source(%dma_start3A_226 : memref<128xi32, #tpu.memory_space<hbm>>) target(%arg14 : memref<128xi32, #tpu.memory_space<vmem>>) target_semaphore(%arg21 : memref<!tpu.dma_semaphore, #tpu.memory_space<semaphore_mem>>)
      %dma_wait3A_227 = tpu.memref_slice %arg3[%mul3A_4] : memref<327680xi32, #tpu.memory_space<hbm>> -> memref<128xi32, #tpu.memory_space<hbm>>
      %dma_wait3A_228 = tpu.memref_slice %arg3[%mul3A_4] : memref<327680xi32, #tpu.memory_space<hbm>> -> memref<128xi32, #tpu.memory_space<hbm>>
      tpu.wait_dma2 semaphore(%arg19 : memref<!tpu.dma_semaphore, #tpu.memory_space<semaphore_mem>>) src(%dma_wait3A_228 : memref<128xi32, #tpu.memory_space<hbm>>) dst(%arg8 : memref<128xi32, #tpu.memory_space<vmem>>)
      %dma_wait3A_229 = tpu.memref_slice %arg4[%mul3A_4] : memref<327680xi32, #tpu.memory_space<hbm>> -> memref<128xi32, #tpu.memory_space<hbm>>
      %dma_wait3A_230 = tpu.memref_slice %arg4[%mul3A_4] : memref<327680xi32, #tpu.memory_space<hbm>> -> memref<128xi32, #tpu.memory_space<hbm>>
      tpu.wait_dma2 semaphore(%arg19 : memref<!tpu.dma_semaphore, #tpu.memory_space<semaphore_mem>>) src(%dma_wait3A_230 : memref<128xi32, #tpu.memory_space<hbm>>) dst(%arg12 : memref<128xi32, #tpu.memory_space<vmem>>)
      %dma_start3A_231 = arith.constant 0 : i32
      %dma_start3A_232 = arith.constant 0 : i32
      %dma_start3A_233 = tpu.memref_slice %arg2[%dma_start3A_231, %dma_start3A_232] : memref<10000x128xf32, #tpu.memory_space<hbm>> -> memref<10000x128xf32, #tpu.memory_space<hbm>>
      tpu.enqueue_indirect_dma source(%dma_start3A_233 : memref<10000x128xf32, #tpu.memory_space<hbm>>) target(%arg16 : memref<128x128xf32, #tpu.memory_space<vmem>>) offsets(%arg8 : memref<128xi32, #tpu.memory_space<vmem>>) semaphore(%arg23 : memref<!tpu.dma_semaphore, #tpu.memory_space<semaphore_mem>>)
      %add3A_234 = arith.constant 1 : i32
      %add3A_235 = arith.addi %add3A_205, %add3A_234 : i32
      %add3A_236 = arith.constant 4 : i32
      %add3A_237 = arith.addi %add3A_205, %add3A_236 : i32
      %dma_wait3A_238 = arith.constant 0 : i32
      %dma_wait3A_239 = arith.constant 0 : i32
      %dma_wait3A_240 = tpu.memref_slice %arg2[%dma_wait3A_238, %dma_wait3A_239] : memref<10000x128xf32, #tpu.memory_space<hbm>> -> memref<10000x128xf32, #tpu.memory_space<hbm>>
      tpu.wait_indirect_dma semaphore(%arg23 : memref<!tpu.dma_semaphore, #tpu.memory_space<semaphore_mem>>) src(%dma_wait3A_240 : memref<10000x128xf32, #tpu.memory_space<hbm>>) dst(%arg16 : memref<128x128xf32, #tpu.memory_space<vmem>>)
      %dma_start3A_241 = arith.constant 0 : i32
      %dma_start3A_242 = arith.constant 0 : i32
      %dma_start3A_243 = tpu.memref_slice %arg17[%dma_start3A_241, %dma_start3A_242] : memref<10240x128xf32, #tpu.memory_space<vmem_shared>> -> memref<10240x128xf32, #tpu.memory_space<vmem_shared>>
      tpu.enqueue_indirect_dma source(%arg16 : memref<128x128xf32, #tpu.memory_space<vmem>>) target(%dma_start3A_243 : memref<10240x128xf32, #tpu.memory_space<vmem_shared>>) offsets(%arg12 : memref<128xi32, #tpu.memory_space<vmem>>) semaphore(%arg25 : memref<!tpu.dma_semaphore, #tpu.memory_space<semaphore_mem>>) {add = true}
      %dma_wait3A_244 = arith.constant 0 : i32
      %dma_wait3A_245 = arith.constant 0 : i32
      %dma_wait3A_246 = tpu.memref_slice %arg17[%dma_wait3A_244, %dma_wait3A_245] : memref<10240x128xf32, #tpu.memory_space<vmem_shared>> -> memref<10240x128xf32, #tpu.memory_space<vmem_shared>>
      tpu.wait_indirect_dma semaphore(%arg24 : memref<!tpu.dma_semaphore, #tpu.memory_space<semaphore_mem>>) src(%arg15 : memref<128x128xf32, #tpu.memory_space<vmem>>) dst(%dma_wait3A_246 : memref<10240x128xf32, #tpu.memory_space<vmem_shared>>)
      %mul3A_247 = arith.constant 128 : i32
      %mul3A_248 = arith.muli %add3A_237, %mul3A_247 : i32
      %add3A_249 = arith.addi %mul3A_4, %mul3A_248 : i32
      %dma_start3A_250 = tpu.memref_slice %arg3[%add3A_249] : memref<327680xi32, #tpu.memory_space<hbm>> -> memref<128xi32, #tpu.memory_space<hbm>>
      %dma_start3A_251 = tpu.memref_slice %arg3[%add3A_249] : memref<327680xi32, #tpu.memory_space<hbm>> -> memref<128xi32, #tpu.memory_space<hbm>>
      tpu.enqueue_dma source(%dma_start3A_251 : memref<128xi32, #tpu.memory_space<hbm>>) target(%arg7 : memref<128xi32, #tpu.memory_space<vmem>>) target_semaphore(%arg18 : memref<!tpu.dma_semaphore, #tpu.memory_space<semaphore_mem>>)
      %mul3A_252 = arith.constant 128 : i32
      %mul3A_253 = arith.muli %add3A_237, %mul3A_252 : i32
      %add3A_254 = arith.addi %mul3A_4, %mul3A_253 : i32
      %dma_start3A_255 = tpu.memref_slice %arg4[%add3A_254] : memref<327680xi32, #tpu.memory_space<hbm>> -> memref<128xi32, #tpu.memory_space<hbm>>
      %dma_start3A_256 = tpu.memref_slice %arg4[%add3A_254] : memref<327680xi32, #tpu.memory_space<hbm>> -> memref<128xi32, #tpu.memory_space<hbm>>
      tpu.enqueue_dma source(%dma_start3A_256 : memref<128xi32, #tpu.memory_space<hbm>>) target(%arg11 : memref<128xi32, #tpu.memory_space<vmem>>) target_semaphore(%arg18 : memref<!tpu.dma_semaphore, #tpu.memory_space<semaphore_mem>>)
      %dma_wait3A_257 = tpu.memref_slice %arg3[%mul3A_4] : memref<327680xi32, #tpu.memory_space<hbm>> -> memref<128xi32, #tpu.memory_space<hbm>>
      %dma_wait3A_258 = tpu.memref_slice %arg3[%mul3A_4] : memref<327680xi32, #tpu.memory_space<hbm>> -> memref<128xi32, #tpu.memory_space<hbm>>
      tpu.wait_dma2 semaphore(%arg20 : memref<!tpu.dma_semaphore, #tpu.memory_space<semaphore_mem>>) src(%dma_wait3A_258 : memref<128xi32, #tpu.memory_space<hbm>>) dst(%arg9 : memref<128xi32, #tpu.memory_space<vmem>>)
      %dma_wait3A_259 = tpu.memref_slice %arg4[%mul3A_4] : memref<327680xi32, #tpu.memory_space<hbm>> -> memref<128xi32, #tpu.memory_space<hbm>>
      %dma_wait3A_260 = tpu.memref_slice %arg4[%mul3A_4] : memref<327680xi32, #tpu.memory_space<hbm>> -> memref<128xi32, #tpu.memory_space<hbm>>
      tpu.wait_dma2 semaphore(%arg20 : memref<!tpu.dma_semaphore, #tpu.memory_space<semaphore_mem>>) src(%dma_wait3A_260 : memref<128xi32, #tpu.memory_space<hbm>>) dst(%arg13 : memref<128xi32, #tpu.memory_space<vmem>>)
      %dma_start3A_261 = arith.constant 0 : i32
      %dma_start3A_262 = arith.constant 0 : i32
      %dma_start3A_263 = tpu.memref_slice %arg2[%dma_start3A_261, %dma_start3A_262] : memref<10000x128xf32, #tpu.memory_space<hbm>> -> memref<10000x128xf32, #tpu.memory_space<hbm>>
      tpu.enqueue_indirect_dma source(%dma_start3A_263 : memref<10000x128xf32, #tpu.memory_space<hbm>>) target(%arg15 : memref<128x128xf32, #tpu.memory_space<vmem>>) offsets(%arg9 : memref<128xi32, #tpu.memory_space<vmem>>) semaphore(%arg22 : memref<!tpu.dma_semaphore, #tpu.memory_space<semaphore_mem>>)
      %add3A_264 = arith.constant 2 : i32
      %add3A_265 = arith.addi %add3A_205, %add3A_264 : i32
      %add3A_266 = arith.constant 5 : i32
      %add3A_267 = arith.addi %add3A_205, %add3A_266 : i32
      %dma_wait3A_268 = arith.constant 0 : i32
      %dma_wait3A_269 = arith.constant 0 : i32
      %dma_wait3A_270 = tpu.memref_slice %arg2[%dma_wait3A_268, %dma_wait3A_269] : memref<10000x128xf32, #tpu.memory_space<hbm>> -> memref<10000x128xf32, #tpu.memory_space<hbm>>
      tpu.wait_indirect_dma semaphore(%arg22 : memref<!tpu.dma_semaphore, #tpu.memory_space<semaphore_mem>>) src(%dma_wait3A_270 : memref<10000x128xf32, #tpu.memory_space<hbm>>) dst(%arg15 : memref<128x128xf32, #tpu.memory_space<vmem>>)
      %dma_start3A_271 = arith.constant 0 : i32
      %dma_start3A_272 = arith.constant 0 : i32
      %dma_start3A_273 = tpu.memref_slice %arg17[%dma_start3A_271, %dma_start3A_272] : memref<10240x128xf32, #tpu.memory_space<vmem_shared>> -> memref<10240x128xf32, #tpu.memory_space<vmem_shared>>
      tpu.enqueue_indirect_dma source(%arg15 : memref<128x128xf32, #tpu.memory_space<vmem>>) target(%dma_start3A_273 : memref<10240x128xf32, #tpu.memory_space<vmem_shared>>) offsets(%arg13 : memref<128xi32, #tpu.memory_space<vmem>>) semaphore(%arg24 : memref<!tpu.dma_semaphore, #tpu.memory_space<semaphore_mem>>) {add = true}
      %dma_wait3A_274 = arith.constant 0 : i32
      %dma_wait3A_275 = arith.constant 0 : i32
      %dma_wait3A_276 = tpu.memref_slice %arg17[%dma_wait3A_274, %dma_wait3A_275] : memref<10240x128xf32, #tpu.memory_space<vmem_shared>> -> memref<10240x128xf32, #tpu.memory_space<vmem_shared>>
      tpu.wait_indirect_dma semaphore(%arg25 : memref<!tpu.dma_semaphore, #tpu.memory_space<semaphore_mem>>) src(%arg16 : memref<128x128xf32, #tpu.memory_space<vmem>>) dst(%dma_wait3A_276 : memref<10240x128xf32, #tpu.memory_space<vmem_shared>>)
      %mul3A_277 = arith.constant 128 : i32
      %mul3A_278 = arith.muli %add3A_267, %mul3A_277 : i32
      %add3A_279 = arith.addi %mul3A_4, %mul3A_278 : i32
      %dma_start3A_280 = tpu.memref_slice %arg3[%add3A_279] : memref<327680xi32, #tpu.memory_space<hbm>> -> memref<128xi32, #tpu.memory_space<hbm>>
      %dma_start3A_281 = tpu.memref_slice %arg3[%add3A_279] : memref<327680xi32, #tpu.memory_space<hbm>> -> memref<128xi32, #tpu.memory_space<hbm>>
      tpu.enqueue_dma source(%dma_start3A_281 : memref<128xi32, #tpu.memory_space<hbm>>) target(%arg8 : memref<128xi32, #tpu.memory_space<vmem>>) target_semaphore(%arg19 : memref<!tpu.dma_semaphore, #tpu.memory_space<semaphore_mem>>)
      %mul3A_282 = arith.constant 128 : i32
      %mul3A_283 = arith.muli %add3A_267, %mul3A_282 : i32
      %add3A_284 = arith.addi %mul3A_4, %mul3A_283 : i32
      %dma_start3A_285 = tpu.memref_slice %arg4[%add3A_284] : memref<327680xi32, #tpu.memory_space<hbm>> -> memref<128xi32, #tpu.memory_space<hbm>>
      %dma_start3A_286 = tpu.memref_slice %arg4[%add3A_284] : memref<327680xi32, #tpu.memory_space<hbm>> -> memref<128xi32, #tpu.memory_space<hbm>>
      tpu.enqueue_dma source(%dma_start3A_286 : memref<128xi32, #tpu.memory_space<hbm>>) target(%arg12 : memref<128xi32, #tpu.memory_space<vmem>>) target_semaphore(%arg19 : memref<!tpu.dma_semaphore, #tpu.memory_space<semaphore_mem>>)
      %dma_wait3A_287 = tpu.memref_slice %arg3[%mul3A_4] : memref<327680xi32, #tpu.memory_space<hbm>> -> memref<128xi32, #tpu.memory_space<hbm>>
      %dma_wait3A_288 = tpu.memref_slice %arg3[%mul3A_4] : memref<327680xi32, #tpu.memory_space<hbm>> -> memref<128xi32, #tpu.memory_space<hbm>>
      tpu.wait_dma2 semaphore(%arg21 : memref<!tpu.dma_semaphore, #tpu.memory_space<semaphore_mem>>) src(%dma_wait3A_288 : memref<128xi32, #tpu.memory_space<hbm>>) dst(%arg10 : memref<128xi32, #tpu.memory_space<vmem>>)
      %dma_wait3A_289 = tpu.memref_slice %arg4[%mul3A_4] : memref<327680xi32, #tpu.memory_space<hbm>> -> memref<128xi32, #tpu.memory_space<hbm>>
      %dma_wait3A_290 = tpu.memref_slice %arg4[%mul3A_4] : memref<327680xi32, #tpu.memory_space<hbm>> -> memref<128xi32, #tpu.memory_space<hbm>>
      tpu.wait_dma2 semaphore(%arg21 : memref<!tpu.dma_semaphore, #tpu.memory_space<semaphore_mem>>) src(%dma_wait3A_290 : memref<128xi32, #tpu.memory_space<hbm>>) dst(%arg14 : memref<128xi32, #tpu.memory_space<vmem>>)
      %dma_start3A_291 = arith.constant 0 : i32
      %dma_start3A_292 = arith.constant 0 : i32
      %dma_start3A_293 = tpu.memref_slice %arg2[%dma_start3A_291, %dma_start3A_292] : memref<10000x128xf32, #tpu.memory_space<hbm>> -> memref<10000x128xf32, #tpu.memory_space<hbm>>
      tpu.enqueue_indirect_dma source(%dma_start3A_293 : memref<10000x128xf32, #tpu.memory_space<hbm>>) target(%arg16 : memref<128x128xf32, #tpu.memory_space<vmem>>) offsets(%arg10 : memref<128xi32, #tpu.memory_space<vmem>>) semaphore(%arg23 : memref<!tpu.dma_semaphore, #tpu.memory_space<semaphore_mem>>)
      %add3A_294 = arith.constant 3 : i32
      %add3A_295 = arith.addi %add3A_205, %add3A_294 : i32
      %add3A_296 = arith.constant 6 : i32
      %add3A_297 = arith.addi %add3A_205, %add3A_296 : i32
      %dma_wait3A_298 = arith.constant 0 : i32
      %dma_wait3A_299 = arith.constant 0 : i32
      %dma_wait3A_300 = tpu.memref_slice %arg2[%dma_wait3A_298, %dma_wait3A_299] : memref<10000x128xf32, #tpu.memory_space<hbm>> -> memref<10000x128xf32, #tpu.memory_space<hbm>>
      tpu.wait_indirect_dma semaphore(%arg23 : memref<!tpu.dma_semaphore, #tpu.memory_space<semaphore_mem>>) src(%dma_wait3A_300 : memref<10000x128xf32, #tpu.memory_space<hbm>>) dst(%arg16 : memref<128x128xf32, #tpu.memory_space<vmem>>)
      %dma_start3A_301 = arith.constant 0 : i32
      %dma_start3A_302 = arith.constant 0 : i32
      %dma_start3A_303 = tpu.memref_slice %arg17[%dma_start3A_301, %dma_start3A_302] : memref<10240x128xf32, #tpu.memory_space<vmem_shared>> -> memref<10240x128xf32, #tpu.memory_space<vmem_shared>>
      tpu.enqueue_indirect_dma source(%arg16 : memref<128x128xf32, #tpu.memory_space<vmem>>) target(%dma_start3A_303 : memref<10240x128xf32, #tpu.memory_space<vmem_shared>>) offsets(%arg14 : memref<128xi32, #tpu.memory_space<vmem>>) semaphore(%arg25 : memref<!tpu.dma_semaphore, #tpu.memory_space<semaphore_mem>>) {add = true}
      %dma_wait3A_304 = arith.constant 0 : i32
      %dma_wait3A_305 = arith.constant 0 : i32
      %dma_wait3A_306 = tpu.memref_slice %arg17[%dma_wait3A_304, %dma_wait3A_305] : memref<10240x128xf32, #tpu.memory_space<vmem_shared>> -> memref<10240x128xf32, #tpu.memory_space<vmem_shared>>
      tpu.wait_indirect_dma semaphore(%arg24 : memref<!tpu.dma_semaphore, #tpu.memory_space<semaphore_mem>>) src(%arg15 : memref<128x128xf32, #tpu.memory_space<vmem>>) dst(%dma_wait3A_306 : memref<10240x128xf32, #tpu.memory_space<vmem_shared>>)
      %mul3A_307 = arith.constant 128 : i32
      %mul3A_308 = arith.muli %add3A_297, %mul3A_307 : i32
      %add3A_309 = arith.addi %mul3A_4, %mul3A_308 : i32
      %dma_start3A_310 = tpu.memref_slice %arg3[%add3A_309] : memref<327680xi32, #tpu.memory_space<hbm>> -> memref<128xi32, #tpu.memory_space<hbm>>
      %dma_start3A_311 = tpu.memref_slice %arg3[%add3A_309] : memref<327680xi32, #tpu.memory_space<hbm>> -> memref<128xi32, #tpu.memory_space<hbm>>
      tpu.enqueue_dma source(%dma_start3A_311 : memref<128xi32, #tpu.memory_space<hbm>>) target(%arg9 : memref<128xi32, #tpu.memory_space<vmem>>) target_semaphore(%arg20 : memref<!tpu.dma_semaphore, #tpu.memory_space<semaphore_mem>>)
      %mul3A_312 = arith.constant 128 : i32
      %mul3A_313 = arith.muli %add3A_297, %mul3A_312 : i32
      %add3A_314 = arith.addi %mul3A_4, %mul3A_313 : i32
      %dma_start3A_315 = tpu.memref_slice %arg4[%add3A_314] : memref<327680xi32, #tpu.memory_space<hbm>> -> memref<128xi32, #tpu.memory_space<hbm>>
      %dma_start3A_316 = tpu.memref_slice %arg4[%add3A_314] : memref<327680xi32, #tpu.memory_space<hbm>> -> memref<128xi32, #tpu.memory_space<hbm>>
      tpu.enqueue_dma source(%dma_start3A_316 : memref<128xi32, #tpu.memory_space<hbm>>) target(%arg13 : memref<128xi32, #tpu.memory_space<vmem>>) target_semaphore(%arg20 : memref<!tpu.dma_semaphore, #tpu.memory_space<semaphore_mem>>)
      %dma_wait3A_317 = tpu.memref_slice %arg3[%mul3A_4] : memref<327680xi32, #tpu.memory_space<hbm>> -> memref<128xi32, #tpu.memory_space<hbm>>
      %dma_wait3A_318 = tpu.memref_slice %arg3[%mul3A_4] : memref<327680xi32, #tpu.memory_space<hbm>> -> memref<128xi32, #tpu.memory_space<hbm>>
      tpu.wait_dma2 semaphore(%arg18 : memref<!tpu.dma_semaphore, #tpu.memory_space<semaphore_mem>>) src(%dma_wait3A_318 : memref<128xi32, #tpu.memory_space<hbm>>) dst(%arg7 : memref<128xi32, #tpu.memory_space<vmem>>)
      %dma_wait3A_319 = tpu.memref_slice %arg4[%mul3A_4] : memref<327680xi32, #tpu.memory_space<hbm>> -> memref<128xi32, #tpu.memory_space<hbm>>
      %dma_wait3A_320 = tpu.memref_slice %arg4[%mul3A_4] : memref<327680xi32, #tpu.memory_space<hbm>> -> memref<128xi32, #tpu.memory_space<hbm>>
      tpu.wait_dma2 semaphore(%arg18 : memref<!tpu.dma_semaphore, #tpu.memory_space<semaphore_mem>>) src(%dma_wait3A_320 : memref<128xi32, #tpu.memory_space<hbm>>) dst(%arg11 : memref<128xi32, #tpu.memory_space<vmem>>)
      %dma_start3A_321 = arith.constant 0 : i32
      %dma_start3A_322 = arith.constant 0 : i32
      %dma_start3A_323 = tpu.memref_slice %arg2[%dma_start3A_321, %dma_start3A_322] : memref<10000x128xf32, #tpu.memory_space<hbm>> -> memref<10000x128xf32, #tpu.memory_space<hbm>>
      tpu.enqueue_indirect_dma source(%dma_start3A_323 : memref<10000x128xf32, #tpu.memory_space<hbm>>) target(%arg15 : memref<128x128xf32, #tpu.memory_space<vmem>>) offsets(%arg7 : memref<128xi32, #tpu.memory_space<vmem>>) semaphore(%arg22 : memref<!tpu.dma_semaphore, #tpu.memory_space<semaphore_mem>>)
    }
    %scan3A_131 = arith.constant 18 : i32
    %dma_wait3A_132 = arith.constant 0 : i32
    %dma_wait3A_133 = arith.constant 0 : i32
    %dma_wait3A_134 = tpu.memref_slice %arg2[%dma_wait3A_132, %dma_wait3A_133] : memref<10000x128xf32, #tpu.memory_space<hbm>> -> memref<10000x128xf32, #tpu.memory_space<hbm>>
    tpu.wait_indirect_dma semaphore(%arg22 : memref<!tpu.dma_semaphore, #tpu.memory_space<semaphore_mem>>) src(%dma_wait3A_134 : memref<10000x128xf32, #tpu.memory_space<hbm>>) dst(%arg15 : memref<128x128xf32, #tpu.memory_space<vmem>>)
    %dma_start3A_135 = arith.constant 0 : i32
    %dma_start3A_136 = arith.constant 0 : i32
    %dma_start3A_137 = tpu.memref_slice %arg17[%dma_start3A_135, %dma_start3A_136] : memref<10240x128xf32, #tpu.memory_space<vmem_shared>> -> memref<10240x128xf32, #tpu.memory_space<vmem_shared>>
    tpu.enqueue_indirect_dma source(%arg15 : memref<128x128xf32, #tpu.memory_space<vmem>>) target(%dma_start3A_137 : memref<10240x128xf32, #tpu.memory_space<vmem_shared>>) offsets(%arg11 : memref<128xi32, #tpu.memory_space<vmem>>) semaphore(%arg24 : memref<!tpu.dma_semaphore, #tpu.memory_space<semaphore_mem>>) {add = true}
    %dma_wait3A_138 = arith.constant 0 : i32
    %dma_wait3A_139 = arith.constant 0 : i32
    %dma_wait3A_140 = tpu.memref_slice %arg17[%dma_wait3A_138, %dma_wait3A_139] : memref<10240x128xf32, #tpu.memory_space<vmem_shared>> -> memref<10240x128xf32, #tpu.memory_space<vmem_shared>>
    tpu.wait_indirect_dma semaphore(%arg25 : memref<!tpu.dma_semaphore, #tpu.memory_space<semaphore_mem>>) src(%arg16 : memref<128x128xf32, #tpu.memory_space<vmem>>) dst(%dma_wait3A_140 : memref<10240x128xf32, #tpu.memory_space<vmem_shared>>)
    %add3A_141 = arith.constant 10112 : i32
    %add3A_142 = arith.addi %mul3A_4, %add3A_141 : i32
    %dma_start3A_143 = tpu.memref_slice %arg3[%add3A_142] : memref<327680xi32, #tpu.memory_space<hbm>> -> memref<128xi32, #tpu.memory_space<hbm>>
    %dma_start3A_144 = tpu.memref_slice %arg3[%add3A_142] : memref<327680xi32, #tpu.memory_space<hbm>> -> memref<128xi32, #tpu.memory_space<hbm>>
    tpu.enqueue_dma source(%dma_start3A_144 : memref<128xi32, #tpu.memory_space<hbm>>) target(%arg10 : memref<128xi32, #tpu.memory_space<vmem>>) target_semaphore(%arg21 : memref<!tpu.dma_semaphore, #tpu.memory_space<semaphore_mem>>)
    %add3A_145 = arith.constant 10112 : i32
    %add3A_146 = arith.addi %mul3A_4, %add3A_145 : i32
    %dma_start3A_147 = tpu.memref_slice %arg4[%add3A_146] : memref<327680xi32, #tpu.memory_space<hbm>> -> memref<128xi32, #tpu.memory_space<hbm>>
    %dma_start3A_148 = tpu.memref_slice %arg4[%add3A_146] : memref<327680xi32, #tpu.memory_space<hbm>> -> memref<128xi32, #tpu.memory_space<hbm>>
    tpu.enqueue_dma source(%dma_start3A_148 : memref<128xi32, #tpu.memory_space<hbm>>) target(%arg14 : memref<128xi32, #tpu.memory_space<vmem>>) target_semaphore(%arg21 : memref<!tpu.dma_semaphore, #tpu.memory_space<semaphore_mem>>)
    %dma_wait3A_149 = tpu.memref_slice %arg3[%mul3A_4] : memref<327680xi32, #tpu.memory_space<hbm>> -> memref<128xi32, #tpu.memory_space<hbm>>
    %dma_wait3A_150 = tpu.memref_slice %arg3[%mul3A_4] : memref<327680xi32, #tpu.memory_space<hbm>> -> memref<128xi32, #tpu.memory_space<hbm>>
    tpu.wait_dma2 semaphore(%arg19 : memref<!tpu.dma_semaphore, #tpu.memory_space<semaphore_mem>>) src(%dma_wait3A_150 : memref<128xi32, #tpu.memory_space<hbm>>) dst(%arg8 : memref<128xi32, #tpu.memory_space<vmem>>)
    %dma_wait3A_151 = tpu.memref_slice %arg4[%mul3A_4] : memref<327680xi32, #tpu.memory_space<hbm>> -> memref<128xi32, #tpu.memory_space<hbm>>
    %dma_wait3A_152 = tpu.memref_slice %arg4[%mul3A_4] : memref<327680xi32, #tpu.memory_space<hbm>> -> memref<128xi32, #tpu.memory_space<hbm>>
    tpu.wait_dma2 semaphore(%arg19 : memref<!tpu.dma_semaphore, #tpu.memory_space<semaphore_mem>>) src(%dma_wait3A_152 : memref<128xi32, #tpu.memory_space<hbm>>) dst(%arg12 : memref<128xi32, #tpu.memory_space<vmem>>)
    %dma_start3A_153 = arith.constant 0 : i32
    %dma_start3A_154 = arith.constant 0 : i32
    %dma_start3A_155 = tpu.memref_slice %arg2[%dma_start3A_153, %dma_start3A_154] : memref<10000x128xf32, #tpu.memory_space<hbm>> -> memref<10000x128xf32, #tpu.memory_space<hbm>>
    tpu.enqueue_indirect_dma source(%dma_start3A_155 : memref<10000x128xf32, #tpu.memory_space<hbm>>) target(%arg16 : memref<128x128xf32, #tpu.memory_space<vmem>>) offsets(%arg8 : memref<128xi32, #tpu.memory_space<vmem>>) semaphore(%arg23 : memref<!tpu.dma_semaphore, #tpu.memory_space<semaphore_mem>>)
    %dma_wait3A_156 = arith.constant 0 : i32
    %dma_wait3A_157 = arith.constant 0 : i32
    %dma_wait3A_158 = tpu.memref_slice %arg2[%dma_wait3A_156, %dma_wait3A_157] : memref<10000x128xf32, #tpu.memory_space<hbm>> -> memref<10000x128xf32, #tpu.memory_space<hbm>>
    tpu.wait_indirect_dma semaphore(%arg23 : memref<!tpu.dma_semaphore, #tpu.memory_space<semaphore_mem>>) src(%dma_wait3A_158 : memref<10000x128xf32, #tpu.memory_space<hbm>>) dst(%arg16 : memref<128x128xf32, #tpu.memory_space<vmem>>)
    %dma_start3A_159 = arith.constant 0 : i32
    %dma_start3A_160 = arith.constant 0 : i32
    %dma_start3A_161 = tpu.memref_slice %arg17[%dma_start3A_159, %dma_start3A_160] : memref<10240x128xf32, #tpu.memory_space<vmem_shared>> -> memref<10240x128xf32, #tpu.memory_space<vmem_shared>>
    tpu.enqueue_indirect_dma source(%arg16 : memref<128x128xf32, #tpu.memory_space<vmem>>) target(%dma_start3A_161 : memref<10240x128xf32, #tpu.memory_space<vmem_shared>>) offsets(%arg12 : memref<128xi32, #tpu.memory_space<vmem>>) semaphore(%arg25 : memref<!tpu.dma_semaphore, #tpu.memory_space<semaphore_mem>>) {add = true}
    %dma_wait3A_162 = arith.constant 0 : i32
    %dma_wait3A_163 = arith.constant 0 : i32
    %dma_wait3A_164 = tpu.memref_slice %arg17[%dma_wait3A_162, %dma_wait3A_163] : memref<10240x128xf32, #tpu.memory_space<vmem_shared>> -> memref<10240x128xf32, #tpu.memory_space<vmem_shared>>
    tpu.wait_indirect_dma semaphore(%arg24 : memref<!tpu.dma_semaphore, #tpu.memory_space<semaphore_mem>>) src(%arg15 : memref<128x128xf32, #tpu.memory_space<vmem>>) dst(%dma_wait3A_164 : memref<10240x128xf32, #tpu.memory_space<vmem_shared>>)
    %dma_wait3A_165 = tpu.memref_slice %arg3[%mul3A_4] : memref<327680xi32, #tpu.memory_space<hbm>> -> memref<128xi32, #tpu.memory_space<hbm>>
    %dma_wait3A_166 = tpu.memref_slice %arg3[%mul3A_4] : memref<327680xi32, #tpu.memory_space<hbm>> -> memref<128xi32, #tpu.memory_space<hbm>>
    tpu.wait_dma2 semaphore(%arg20 : memref<!tpu.dma_semaphore, #tpu.memory_space<semaphore_mem>>) src(%dma_wait3A_166 : memref<128xi32, #tpu.memory_space<hbm>>) dst(%arg9 : memref<128xi32, #tpu.memory_space<vmem>>)
    %dma_wait3A_167 = tpu.memref_slice %arg4[%mul3A_4] : memref<327680xi32, #tpu.memory_space<hbm>> -> memref<128xi32, #tpu.memory_space<hbm>>
    %dma_wait3A_168 = tpu.memref_slice %arg4[%mul3A_4] : memref<327680xi32, #tpu.memory_space<hbm>> -> memref<128xi32, #tpu.memory_space<hbm>>
    tpu.wait_dma2 semaphore(%arg20 : memref<!tpu.dma_semaphore, #tpu.memory_space<semaphore_mem>>) src(%dma_wait3A_168 : memref<128xi32, #tpu.memory_space<hbm>>) dst(%arg13 : memref<128xi32, #tpu.memory_space<vmem>>)
    %dma_start3A_169 = arith.constant 0 : i32
    %dma_start3A_170 = arith.constant 0 : i32
    %dma_start3A_171 = tpu.memref_slice %arg2[%dma_start3A_169, %dma_start3A_170] : memref<10000x128xf32, #tpu.memory_space<hbm>> -> memref<10000x128xf32, #tpu.memory_space<hbm>>
    tpu.enqueue_indirect_dma source(%dma_start3A_171 : memref<10000x128xf32, #tpu.memory_space<hbm>>) target(%arg15 : memref<128x128xf32, #tpu.memory_space<vmem>>) offsets(%arg9 : memref<128xi32, #tpu.memory_space<vmem>>) semaphore(%arg22 : memref<!tpu.dma_semaphore, #tpu.memory_space<semaphore_mem>>)
    %dma_wait3A_172 = arith.constant 0 : i32
    %dma_wait3A_173 = arith.constant 0 : i32
    %dma_wait3A_174 = tpu.memref_slice %arg2[%dma_wait3A_172, %dma_wait3A_173] : memref<10000x128xf32, #tpu.memory_space<hbm>> -> memref<10000x128xf32, #tpu.memory_space<hbm>>
    tpu.wait_indirect_dma semaphore(%arg22 : memref<!tpu.dma_semaphore, #tpu.memory_space<semaphore_mem>>) src(%dma_wait3A_174 : memref<10000x128xf32, #tpu.memory_space<hbm>>) dst(%arg15 : memref<128x128xf32, #tpu.memory_space<vmem>>)
    %dma_start3A_175 = arith.constant 0 : i32
    %dma_start3A_176 = arith.constant 0 : i32
    %dma_start3A_177 = tpu.memref_slice %arg17[%dma_start3A_175, %dma_start3A_176] : memref<10240x128xf32, #tpu.memory_space<vmem_shared>> -> memref<10240x128xf32, #tpu.memory_space<vmem_shared>>
    tpu.enqueue_indirect_dma source(%arg15 : memref<128x128xf32, #tpu.memory_space<vmem>>) target(%dma_start3A_177 : memref<10240x128xf32, #tpu.memory_space<vmem_shared>>) offsets(%arg13 : memref<128xi32, #tpu.memory_space<vmem>>) semaphore(%arg24 : memref<!tpu.dma_semaphore, #tpu.memory_space<semaphore_mem>>) {add = true}
    %dma_wait3A_178 = arith.constant 0 : i32
    %dma_wait3A_179 = arith.constant 0 : i32
    %dma_wait3A_180 = tpu.memref_slice %arg17[%dma_wait3A_178, %dma_wait3A_179] : memref<10240x128xf32, #tpu.memory_space<vmem_shared>> -> memref<10240x128xf32, #tpu.memory_space<vmem_shared>>
    tpu.wait_indirect_dma semaphore(%arg25 : memref<!tpu.dma_semaphore, #tpu.memory_space<semaphore_mem>>) src(%arg16 : memref<128x128xf32, #tpu.memory_space<vmem>>) dst(%dma_wait3A_180 : memref<10240x128xf32, #tpu.memory_space<vmem_shared>>)
    %dma_wait3A_181 = tpu.memref_slice %arg3[%mul3A_4] : memref<327680xi32, #tpu.memory_space<hbm>> -> memref<128xi32, #tpu.memory_space<hbm>>
    %dma_wait3A_182 = tpu.memref_slice %arg3[%mul3A_4] : memref<327680xi32, #tpu.memory_space<hbm>> -> memref<128xi32, #tpu.memory_space<hbm>>
    tpu.wait_dma2 semaphore(%arg21 : memref<!tpu.dma_semaphore, #tpu.memory_space<semaphore_mem>>) src(%dma_wait3A_182 : memref<128xi32, #tpu.memory_space<hbm>>) dst(%arg10 : memref<128xi32, #tpu.memory_space<vmem>>)
    %dma_wait3A_183 = tpu.memref_slice %arg4[%mul3A_4] : memref<327680xi32, #tpu.memory_space<hbm>> -> memref<128xi32, #tpu.memory_space<hbm>>
    %dma_wait3A_184 = tpu.memref_slice %arg4[%mul3A_4] : memref<327680xi32, #tpu.memory_space<hbm>> -> memref<128xi32, #tpu.memory_space<hbm>>
    tpu.wait_dma2 semaphore(%arg21 : memref<!tpu.dma_semaphore, #tpu.memory_space<semaphore_mem>>) src(%dma_wait3A_184 : memref<128xi32, #tpu.memory_space<hbm>>) dst(%arg14 : memref<128xi32, #tpu.memory_space<vmem>>)
    %dma_start3A_185 = arith.constant 0 : i32
    %dma_start3A_186 = arith.constant 0 : i32
    %dma_start3A_187 = tpu.memref_slice %arg2[%dma_start3A_185, %dma_start3A_186] : memref<10000x128xf32, #tpu.memory_space<hbm>> -> memref<10000x128xf32, #tpu.memory_space<hbm>>
    tpu.enqueue_indirect_dma source(%dma_start3A_187 : memref<10000x128xf32, #tpu.memory_space<hbm>>) target(%arg16 : memref<128x128xf32, #tpu.memory_space<vmem>>) offsets(%arg10 : memref<128xi32, #tpu.memory_space<vmem>>) semaphore(%arg23 : memref<!tpu.dma_semaphore, #tpu.memory_space<semaphore_mem>>)
    %dma_wait3A_188 = arith.constant 0 : i32
    %dma_wait3A_189 = arith.constant 0 : i32
    %dma_wait3A_190 = tpu.memref_slice %arg2[%dma_wait3A_188, %dma_wait3A_189] : memref<10000x128xf32, #tpu.memory_space<hbm>> -> memref<10000x128xf32, #tpu.memory_space<hbm>>
    tpu.wait_indirect_dma semaphore(%arg23 : memref<!tpu.dma_semaphore, #tpu.memory_space<semaphore_mem>>) src(%dma_wait3A_190 : memref<10000x128xf32, #tpu.memory_space<hbm>>) dst(%arg16 : memref<128x128xf32, #tpu.memory_space<vmem>>)
    %dma_start3A_191 = arith.constant 0 : i32
    %dma_start3A_192 = arith.constant 0 : i32
    %dma_start3A_193 = tpu.memref_slice %arg17[%dma_start3A_191, %dma_start3A_192] : memref<10240x128xf32, #tpu.memory_space<vmem_shared>> -> memref<10240x128xf32, #tpu.memory_space<vmem_shared>>
    tpu.enqueue_indirect_dma source(%arg16 : memref<128x128xf32, #tpu.memory_space<vmem>>) target(%dma_start3A_193 : memref<10240x128xf32, #tpu.memory_space<vmem_shared>>) offsets(%arg14 : memref<128xi32, #tpu.memory_space<vmem>>) semaphore(%arg25 : memref<!tpu.dma_semaphore, #tpu.memory_space<semaphore_mem>>) {add = true}
    %dma_wait3A_194 = arith.constant 0 : i32
    %dma_wait3A_195 = arith.constant 0 : i32
    %dma_wait3A_196 = tpu.memref_slice %arg17[%dma_wait3A_194, %dma_wait3A_195] : memref<10240x128xf32, #tpu.memory_space<vmem_shared>> -> memref<10240x128xf32, #tpu.memory_space<vmem_shared>>
    tpu.wait_indirect_dma semaphore(%arg24 : memref<!tpu.dma_semaphore, #tpu.memory_space<semaphore_mem>>) src(%arg15 : memref<128x128xf32, #tpu.memory_space<vmem>>) dst(%dma_wait3A_196 : memref<10240x128xf32, #tpu.memory_space<vmem_shared>>)
    %dma_wait3A_197 = arith.constant 0 : i32
    %dma_wait3A_198 = arith.constant 0 : i32
    %dma_wait3A_199 = tpu.memref_slice %arg17[%dma_wait3A_197, %dma_wait3A_198] : memref<10240x128xf32, #tpu.memory_space<vmem_shared>> -> memref<10240x128xf32, #tpu.memory_space<vmem_shared>>
    tpu.wait_indirect_dma semaphore(%arg25 : memref<!tpu.dma_semaphore, #tpu.memory_space<semaphore_mem>>) src(%arg16 : memref<128x128xf32, #tpu.memory_space<vmem>>) dst(%dma_wait3A_199 : memref<10240x128xf32, #tpu.memory_space<vmem_shared>>)
    %barrier3A_200 = arith.constant 0 : index
    tpu.barrier barrier_id(%barrier3A_200)
    "tpu.region"() ({
      %run_scoped3A = tpu.sem_alloc : memref<!tpu.dma_semaphore, #tpu.memory_space<semaphore_mem>>
      %dma_start3A_201 = arith.constant 0 : i32
      %dma_start3A_202 = tpu.memref_slice %arg6[%arg0, %mul3A_2, %dma_start3A_201] : memref<2x10240x128xf32, #tpu.memory_space<hbm>> -> memref<1x640x128xf32, #tpu.memory_space<hbm>>
      %dma_start3A_203 = tpu.memref_squeeze %dma_start3A_202 : memref<1x640x128xf32, #tpu.memory_space<hbm>> -> memref<640x128xf32, #tpu.memory_space<hbm>>
      %dma_start3A_204 = arith.constant 0 : i32
      %dma_start3A_205 = tpu.memref_slice %arg17[%mul3A_2, %dma_start3A_204] : memref<10240x128xf32, #tpu.memory_space<vmem_shared>> -> memref<640x128xf32, #tpu.memory_space<vmem_shared>>
      tpu.enqueue_dma source(%dma_start3A_205 : memref<640x128xf32, #tpu.memory_space<vmem_shared>>) target(%dma_start3A_203 : memref<640x128xf32, #tpu.memory_space<hbm>>) target_semaphore(%run_scoped3A : memref<!tpu.dma_semaphore, #tpu.memory_space<semaphore_mem>>)
      %dma_wait3A_206 = arith.constant 0 : i32
      %dma_wait3A_207 = tpu.memref_slice %arg6[%arg0, %mul3A_2, %dma_wait3A_206] : memref<2x10240x128xf32, #tpu.memory_space<hbm>> -> memref<1x640x128xf32, #tpu.memory_space<hbm>>
      %dma_wait3A_208 = tpu.memref_squeeze %dma_wait3A_207 : memref<1x640x128xf32, #tpu.memory_space<hbm>> -> memref<640x128xf32, #tpu.memory_space<hbm>>
      %dma_wait3A_209 = arith.constant 0 : i32
      %dma_wait3A_210 = tpu.memref_slice %arg17[%mul3A_2, %dma_wait3A_209] : memref<10240x128xf32, #tpu.memory_space<vmem_shared>> -> memref<640x128xf32, #tpu.memory_space<vmem_shared>>
      tpu.wait_dma2 semaphore(%run_scoped3A : memref<!tpu.dma_semaphore, #tpu.memory_space<semaphore_mem>>) src(%dma_wait3A_210 : memref<640x128xf32, #tpu.memory_space<vmem_shared>>) dst(%dma_wait3A_208 : memref<640x128xf32, #tpu.memory_space<hbm>>)
      tpu.yield
    }) : () -> ()
    return
  }
}

module attributes {stable_mosaic.version = 14 : i64} {
  func.func @body(%arg0: memref<2x10240x16xf32, #tpu.memory_space<vmem>>, %arg1: memref<10000x128xf32, #tpu.memory_space<vmem>>, %arg2: memref<128x128xf32, #tpu.memory_space<vmem>>, %arg3: memref<10000x128xf32, #tpu.memory_space<vmem>>, %arg4: memref<10000x1xf32, #tpu.memory_space<vmem>>) attributes {dimension_semantics = [], scalar_prefetch = 0 : i64, scratch_operands = 0 : i64, tpu.core_type = #tpu.core_type<tc>} {
    %get3A = arith.constant 0 : index
    %get3A_0 = arith.constant 0 : index
    %get3A_1 = arith.constant 0 : index
    %get3A_2 = vector.load %arg0[%get3A, %get3A_0, %get3A_1] : memref<2x10240x16xf32, #tpu.memory_space<vmem>>, vector<1x10000x1xf32>
    %get3A_3 = vector.shape_cast %get3A_2 : vector<1x10000x1xf32> to vector<10000x1xf32>
    %get3A_4 = arith.constant 1 : index
    %get3A_5 = arith.constant 0 : index
    %get3A_6 = arith.constant 0 : index
    %get3A_7 = vector.load %arg0[%get3A_4, %get3A_5, %get3A_6] : memref<2x10240x16xf32, #tpu.memory_space<vmem>>, vector<1x10000x1xf32>
    %get3A_8 = vector.shape_cast %get3A_7 : vector<1x10000x1xf32> to vector<10000x1xf32>
    %add3A = arith.addf %get3A_3, %get3A_8 : vector<10000x1xf32>
    %add3A_9 = arith.constant 1.000000e+00 : f32
    %add3A_10 = vector.broadcast %add3A_9 : f32 to vector<10000x1xf32>
    %add3A_11 = arith.addf %add3A, %add3A_10 : vector<10000x1xf32>
    %rsqrt3A = math.rsqrt %add3A_11 : vector<10000x1xf32>
    %get3A_12 = arith.constant 0 : index
    %get3A_13 = arith.constant 0 : index
    %get3A_14 = vector.load %arg1[%get3A_12, %get3A_13] : memref<10000x128xf32, #tpu.memory_space<vmem>>, vector<10000x128xf32>
    %get3A_15 = arith.constant 0 : index
    %get3A_16 = arith.constant 0 : index
    %get3A_17 = vector.load %arg2[%get3A_15, %get3A_16] : memref<128x128xf32, #tpu.memory_space<vmem>>, vector<128x128xf32>
    %dot_general3A = arith.constant dense<0.000000e+00> : vector<10000x128xf32>
    %dot_general3A_18 = tpu.matmul %get3A_14, %get3A_17, %dot_general3A {dimension_numbers = #tpu.dot_dimension_numbers<[1], [0], [0], [1], [0, 0, 1, 1], [], []>, transpose_lhs_hint = false} : vector<10000x128xf32>, vector<128x128xf32>, vector<10000x128xf32> -> vector<10000x128xf32>
    %mul3A = vector.broadcast %rsqrt3A : vector<10000x1xf32> to vector<10000x128xf32>
    %mul3A_19 = arith.mulf %dot_general3A_18, %mul3A : vector<10000x128xf32>
    %swap3A = arith.constant 0 : index
    %swap3A_20 = arith.constant 0 : index
    %swap3A_21 = vector.load %arg3[%swap3A, %swap3A_20] : memref<10000x128xf32, #tpu.memory_space<vmem>>, vector<10000x128xf32>
    tpu.vector_store %arg3[%swap3A, %swap3A_20], %mul3A_19 {strides = array<i32>} : memref<10000x128xf32, #tpu.memory_space<vmem>>, vector<10000x128xf32>,
    %swap3A_22 = arith.constant 0 : index
    %swap3A_23 = arith.constant 0 : index
    %swap3A_24 = vector.load %arg4[%swap3A_22, %swap3A_23] : memref<10000x1xf32, #tpu.memory_space<vmem>>, vector<10000x1xf32>
    tpu.vector_store %arg4[%swap3A_22, %swap3A_23], %rsqrt3A {strides = array<i32>} : memref<10000x1xf32, #tpu.memory_space<vmem>>, vector<10000x1xf32>,
    return
  }
}

module attributes {stable_mosaic.version = 14 : i64} {
  func.func @body(%arg0: memref<2x10240x128xf32, #tpu.memory_space<vmem>>, %arg1: memref<10000x128xf32, #tpu.memory_space<vmem>>, %arg2: memref<10000x1xf32, #tpu.memory_space<vmem>>, %arg3: memref<128x64xf32, #tpu.memory_space<vmem>>, %arg4: memref<1x128xf32, #tpu.memory_space<vmem>>, %arg5: memref<10000x64xf32, #tpu.memory_space<vmem>>) attributes {dimension_semantics = [], scalar_prefetch = 0 : i64, scratch_operands = 0 : i64, tpu.core_type = #tpu.core_type<tc>} {
    %get3A = arith.constant 0 : index
    %get3A_0 = arith.constant 0 : index
    %get3A_1 = arith.constant 0 : index
    %get3A_2 = vector.load %arg0[%get3A, %get3A_0, %get3A_1] : memref<2x10240x128xf32, #tpu.memory_space<vmem>>, vector<1x10000x128xf32>
    %get3A_3 = vector.shape_cast %get3A_2 : vector<1x10000x128xf32> to vector<10000x128xf32>
    %get3A_4 = arith.constant 1 : index
    %get3A_5 = arith.constant 0 : index
    %get3A_6 = arith.constant 0 : index
    %get3A_7 = vector.load %arg0[%get3A_4, %get3A_5, %get3A_6] : memref<2x10240x128xf32, #tpu.memory_space<vmem>>, vector<1x10000x128xf32>
    %get3A_8 = vector.shape_cast %get3A_7 : vector<1x10000x128xf32> to vector<10000x128xf32>
    %add3A = arith.addf %get3A_3, %get3A_8 : vector<10000x128xf32>
    %get3A_9 = arith.constant 0 : index
    %get3A_10 = arith.constant 0 : index
    %get3A_11 = vector.load %arg1[%get3A_9, %get3A_10] : memref<10000x128xf32, #tpu.memory_space<vmem>>, vector<10000x128xf32>
    %add3A_12 = arith.addf %add3A, %get3A_11 : vector<10000x128xf32>
    %get3A_13 = arith.constant 0 : index
    %get3A_14 = arith.constant 0 : index
    %get3A_15 = vector.load %arg2[%get3A_13, %get3A_14] : memref<10000x1xf32, #tpu.memory_space<vmem>>, vector<10000x1xf32>
    %mul3A = vector.broadcast %get3A_15 : vector<10000x1xf32> to vector<10000x128xf32>
    %mul3A_16 = arith.mulf %add3A_12, %mul3A : vector<10000x128xf32>
    %get3A_17 = arith.constant 0 : index
    %get3A_18 = arith.constant 0 : index
    %get3A_19 = vector.load %arg4[%get3A_17, %get3A_18] : memref<1x128xf32, #tpu.memory_space<vmem>>, vector<1x128xf32>
    %add3A_20 = vector.broadcast %get3A_19 : vector<1x128xf32> to vector<10000x128xf32>
    %add3A_21 = arith.addf %mul3A_16, %add3A_20 : vector<10000x128xf32>
    %max3A = arith.constant 0.000000e+00 : f32
    %max3A_22 = vector.broadcast %max3A : f32 to vector<10000x128xf32>
    %max3A_23 = arith.maximumf %add3A_21, %max3A_22 : vector<10000x128xf32>
    %get3A_24 = arith.constant 0 : index
    %get3A_25 = arith.constant 0 : index
    %get3A_26 = vector.load %arg3[%get3A_24, %get3A_25] : memref<128x64xf32, #tpu.memory_space<vmem>>, vector<128x64xf32>
    %dot_general3A = arith.constant dense<0.000000e+00> : vector<10000x64xf32>
    %dot_general3A_27 = tpu.matmul %max3A_23, %get3A_26, %dot_general3A {dimension_numbers = #tpu.dot_dimension_numbers<[1], [0], [0], [1], [0, 0, 1, 1], [], []>, transpose_lhs_hint = false} : vector<10000x128xf32>, vector<128x64xf32>, vector<10000x64xf32> -> vector<10000x64xf32>
    %get3A_28 = arith.constant 0 : index
    %get3A_29 = arith.constant 0 : index
    %get3A_30 = vector.load %arg2[%get3A_28, %get3A_29] : memref<10000x1xf32, #tpu.memory_space<vmem>>, vector<10000x1xf32>
    %mul3A_31 = vector.broadcast %get3A_30 : vector<10000x1xf32> to vector<10000x64xf32>
    %mul3A_32 = arith.mulf %dot_general3A_27, %mul3A_31 : vector<10000x64xf32>
    %swap3A = arith.constant 0 : index
    %swap3A_33 = arith.constant 0 : index
    %swap3A_34 = vector.load %arg5[%swap3A, %swap3A_33] : memref<10000x64xf32, #tpu.memory_space<vmem>>, vector<10000x64xf32>
    tpu.vector_store %arg5[%swap3A, %swap3A_33], %mul3A_32 {strides = array<i32>} : memref<10000x64xf32, #tpu.memory_space<vmem>>, vector<10000x64xf32>,
    return
  }
}

module attributes {stable_mosaic.version = 14 : i64} {
  func.func @body(%arg0: memref<2x10240x64xf32, #tpu.memory_space<vmem>>, %arg1: memref<10000x64xf32, #tpu.memory_space<vmem>>, %arg2: memref<10000x1xf32, #tpu.memory_space<vmem>>, %arg3: memref<1x64xf32, #tpu.memory_space<vmem>>, %arg4: memref<10000x64xf32, #tpu.memory_space<vmem>>) attributes {dimension_semantics = [], scalar_prefetch = 0 : i64, scratch_operands = 0 : i64, tpu.core_type = #tpu.core_type<tc>} {
    %get3A = arith.constant 0 : index
    %get3A_0 = arith.constant 0 : index
    %get3A_1 = arith.constant 0 : index
    %get3A_2 = vector.load %arg0[%get3A, %get3A_0, %get3A_1] : memref<2x10240x64xf32, #tpu.memory_space<vmem>>, vector<1x10000x64xf32>
    %get3A_3 = vector.shape_cast %get3A_2 : vector<1x10000x64xf32> to vector<10000x64xf32>
    %get3A_4 = arith.constant 1 : index
    %get3A_5 = arith.constant 0 : index
    %get3A_6 = arith.constant 0 : index
    %get3A_7 = vector.load %arg0[%get3A_4, %get3A_5, %get3A_6] : memref<2x10240x64xf32, #tpu.memory_space<vmem>>, vector<1x10000x64xf32>
    %get3A_8 = vector.shape_cast %get3A_7 : vector<1x10000x64xf32> to vector<10000x64xf32>
    %add3A = arith.addf %get3A_3, %get3A_8 : vector<10000x64xf32>
    %get3A_9 = arith.constant 0 : index
    %get3A_10 = arith.constant 0 : index
    %get3A_11 = vector.load %arg1[%get3A_9, %get3A_10] : memref<10000x64xf32, #tpu.memory_space<vmem>>, vector<10000x64xf32>
    %add3A_12 = arith.addf %add3A, %get3A_11 : vector<10000x64xf32>
    %get3A_13 = arith.constant 0 : index
    %get3A_14 = arith.constant 0 : index
    %get3A_15 = vector.load %arg2[%get3A_13, %get3A_14] : memref<10000x1xf32, #tpu.memory_space<vmem>>, vector<10000x1xf32>
    %mul3A = vector.broadcast %get3A_15 : vector<10000x1xf32> to vector<10000x64xf32>
    %mul3A_16 = arith.mulf %add3A_12, %mul3A : vector<10000x64xf32>
    %get3A_17 = arith.constant 0 : index
    %get3A_18 = arith.constant 0 : index
    %get3A_19 = vector.load %arg3[%get3A_17, %get3A_18] : memref<1x64xf32, #tpu.memory_space<vmem>>, vector<1x64xf32>
    %add3A_20 = vector.broadcast %get3A_19 : vector<1x64xf32> to vector<10000x64xf32>
    %add3A_21 = arith.addf %mul3A_16, %add3A_20 : vector<10000x64xf32>
    %reduce_max3A = arith.constant dense<0xFF800000> : vector<10000xf32>
    %reduce_max3A_22 = vector.multi_reduction <maximumf>, %add3A_21, %reduce_max3A [1] : vector<10000x64xf32> to vector<10000xf32>
    %broadcast_in_dim3A = vector.shape_cast %reduce_max3A_22 : vector<10000xf32> to vector<10000x1xf32>
    %sub3A = vector.broadcast %broadcast_in_dim3A : vector<10000x1xf32> to vector<10000x64xf32>
    %sub3A_23 = arith.subf %add3A_21, %sub3A : vector<10000x64xf32>
    %exp3A = math.exp %sub3A_23 : vector<10000x64xf32>
    %reduce_sum3A = arith.constant dense<0.000000e+00> : vector<10000xf32>
    %reduce_sum3A_24 = vector.multi_reduction <add>, %exp3A, %reduce_sum3A [1] : vector<10000x64xf32> to vector<10000xf32>
    %broadcast_in_dim3A_25 = vector.shape_cast %reduce_sum3A_24 : vector<10000xf32> to vector<10000x1xf32>
    %log3A = math.log %broadcast_in_dim3A_25 : vector<10000x1xf32>
    %add3A_26 = arith.addf %log3A, %broadcast_in_dim3A : vector<10000x1xf32>
    %sub3A_27 = vector.broadcast %add3A_26 : vector<10000x1xf32> to vector<10000x64xf32>
    %sub3A_28 = arith.subf %add3A_21, %sub3A_27 : vector<10000x64xf32>
    %swap3A = arith.constant 0 : index
    %swap3A_29 = arith.constant 0 : index
    %swap3A_30 = vector.load %arg4[%swap3A, %swap3A_29] : memref<10000x64xf32, #tpu.memory_space<vmem>>, vector<10000x64xf32>
    tpu.vector_store %arg4[%swap3A, %swap3A_29], %sub3A_28 {strides = array<i32>} : memref<10000x64xf32, #tpu.memory_space<vmem>>, vector<10000x64xf32>,
    return
  }
}

</mosaic_0001>

<sc_bundles>
// kernel: kernel.11.cloned.1.call-start
scs
__scs_entry_jumppad:
0x0: {  	(pc) =	sbr.rel $0x88, $3  }
0x1: {  	(tag) =	ssettag $0x0;
	lr =	simm.s32 $0x1  }
0x2: {  	[smem:$0x3F9B] =	sst lr;
	_ =	strace $0xD0000000  }
0x3: {  	_ = 	snop  }
0x4: {  	_ = 	snop  }
0x5: {  	_ = 	snop  }
0x6: {  	_ = 	snop  }
0x7: {  	_ = 	snop  }
__scs_overlays_trampoline_lowered:
0x8: {  	[smem:$0x3FAA] =	sst s0  }
0x9: {  	[smem:$0x3FAB] =	sst s1  }
0xa: {  	[smem:$0x3FAC] =	sst s2  }
0xb: {  	[smem:$0x3FAD] =	sst s3  }
0xc: {  	[smem:$0x3FAE] =	sst s4  }
0xd: {  	[smem:$0x3FAF] =	sst s5  }
0xe: {  	[smem:$0x3FB0] =	sst s6  }
0xf: {  	[smem:$0x3FB1] =	sst s7  }
0x10: {  	[smem:$0x3FB2] =	sst s8  }
0x11: {  	[smem:$0x3FB3] =	sst s9;
	s0 =	simm.s32 @!p0 $0x0  }
0x12: {  	s1 =	sld [smem:$0x3F99];
	s0 =	simm.s32 @p0 $0x1  }
0x13: {  	[smem:$0x3FB4] =	sst s0;
	s0 =	simm.s32 @!p1 $0x0  }
0x14: {  	s2 =	sld [smem:$0x3F98];
	s0 =	simm.s32 @p1 $0x1  }
0x15: {  	[smem:$0x3FB5] =	sst s0;
	s0 =	simm.s32 @!p2 $0x0  }
0x16: {  	s3 =	sld [smem:$0x3FDB];
	s0 =	simm.s32 @p2 $0x1  }
0x17: {  	s4 =	simm.s32 $0x1BF5;
	[smem:$0x3FB7] =	sst s0  }
0x18: {  	s0 =	sld [smem:$0x3F9A];
	_ =	swait.ge [sflag:s4], $0x0  }
0x19: {  	s7 =	sld [smem:$0x3F9B]  }
0x1a: {  	s8 =	sadd.s32 $0xFFFFE003, lr  }
0x1b: {  	s9 =	sadd.s32 $0xFFFFFEF7, lr;
	s5 =	simm.s32 $0xFFFFFFFF;
	p2 =	slt.u32 s8, $0xFFFFF086  }
0x1c: {  	p1 =	slt.u32 s9, $0xF7A;
	s5 =	simm.s32 @!p2 $0x0  }
0x1d: {  	s5 =	simm.s32 @p1 $0x1;
	p0 =	seq.s32 s7, s2  }
0x1e: {  	s7 =	smul.u32 @!p0 $0xF7A, s2;
	p2 =	seq.s32 @!p0 s5, $0x0  }
0x1f: {  	s9 =	smul.u32 $0xF7A, s1;
	s8 =	simm.s32 @!p0 $0x1BF5;
	p2 =	por !p2, p0  }
0x20: {  	[sflag:s8] =	ssyncset.s32 @!p0 $0xFFFFF086;
	s6 =	sadd.s32 @!p0 s3, s7;
	s7 =	simm.s32 @!p0 $0x108  }
0x21: {  	s3 =	sadd.s32 s3, s9;
	s6 =	sadd.s32 @!p0 $0x88, s6;
	s7 =	simm.s32 @p2 $0x1082  }
0x22: {  	[simem:s7], [sflag:s8] =	dma.local @!p0 [hbm:s6], $0xF7A  }
0x23: {  	s9 =	sor.u32 $0xD0000000, s2;
	s6 =	simm.s32 $0x108;
	_ =	swait.ge @!p0 [sflag:s8], $0x0  }
0x24: {  	s3 =	sadd.s32 $0x88, s3;
	s6 =	simm.s32 @!p1 $0x1082;
	[sflag:s4] =	ssyncset.s32 $0xFFFFF086  }
0x25: {  	[simem:s6], [sflag:s4] =	dma.local [hbm:s3], $0xF7A  }
0x26: {  	[smem:$0x3F9B] =	sst s1;
	(tag) =	ssettag s2;
	_ =	strace s9  }
0x27: {  	s1 =	sld [smem:$0x3FAB]  }
0x28: {  	s2 =	sld [smem:$0x3FAC]  }
0x29: {  	s4 =	sld [smem:$0x3FAE]  }
0x2a: {  	p0 =	seq.s32 s5, $0x0;
	s5 =	sld [smem:$0x3FAF]  }
0x2b: {  	s6 =	sld [smem:$0x3FB0]  }
0x2c: {  	s7 =	sld [smem:$0x3FB1]  }
0x2d: {  	s3 =	simm.s32 $0x108;
	s8 =	sld [smem:$0x3FB2]  }
0x2e: {  	s3 =	simm.s32 @!p0 $0x1082;
	s9 =	sld [smem:$0x3FB3]  }
0x2f: {  	lr =	sadd.s32 s0, s3;
	s0 =	sld [smem:$0x3FAA]  }
0x30: {  	s3 =	sld [smem:$0x3FAD]  }
0x31: {  	[smem:$0x3FB6] =	sst s10  }
0x32: {  	s10 =	sld [smem:$0x3FB4];
	_ =	sdelay $0x3  }
0x33: {  	p0 =	seq.s32 s10, $0x1;
	s10 =	sld [smem:$0x3FB6];
	_ =	sdelay $0x3  }
0x34: {  	[smem:$0x3FB6] =	sst s10  }
0x35: {  	s10 =	sld [smem:$0x3FB5];
	_ =	sdelay $0x3  }
0x36: {  	p1 =	seq.s32 s10, $0x1;
	s10 =	sld [smem:$0x3FB6];
	_ =	sdelay $0x3  }
0x37: {  	[smem:$0x3FB6] =	sst s10  }
0x38: {  	s10 =	sld [smem:$0x3FB7]  }
0x39: {  	_ = 	snop;
	(pc) =	sbr.ind lr, $3  }
0x3a: {  	_ = 	snop  }
0x3b: {  	_ = 	snop  }
0x3c: {  	p2 =	seq.s32 s10, $0x1;
	s10 =	sld [smem:$0x3FB6]  }
0x3d: {  	_ =	shalt  }
0x3e: {  	_ =	shalt  }
0x3f: {  	_ =	shalt  }
0x40: {  	_ =	shalt  }
0x41: {  	_ =	shalt  }
0x42: {  	_ =	shalt  }
0x43: {  	_ =	shalt  }
0x44: {  	_ =	shalt  }
0x45: {  	_ =	shalt  }
0x46: {  	_ =	shalt  }
0x47: {  	_ =	shalt  }
0x48: {  	_ =	shalt  }
0x49: {  	_ =	shalt  }
0x4a: {  	_ =	shalt  }
0x4b: {  	_ =	shalt  }
0x4c: {  	_ =	shalt  }
0x4d: {  	_ =	shalt  }
0x4e: {  	_ =	shalt  }
0x4f: {  	_ =	shalt  }
0x50: {  	_ =	shalt  }
0x51: {  	_ =	shalt  }
0x52: {  	_ =	shalt  }
0x53: {  	_ =	shalt  }
0x54: {  	_ =	shalt  }
0x55: {  	_ =	shalt  }
0x56: {  	_ =	shalt  }
0x57: {  	_ =	shalt  }
0x58: {  	_ =	shalt  }
0x59: {  	_ =	shalt  }
0x5a: {  	_ =	shalt  }
0x5b: {  	_ =	shalt  }
0x5c: {  	_ =	shalt  }
0x5d: {  	_ =	shalt  }
0x5e: {  	_ =	shalt  }
0x5f: {  	_ =	shalt  }
0x60: {  	_ =	shalt  }
0x61: {  	_ =	shalt  }
0x62: {  	_ =	shalt  }
0x63: {  	_ =	shalt  }
0x64: {  	_ =	shalt  }
0x65: {  	_ =	shalt  }
0x66: {  	_ =	shalt  }
0x67: {  	_ =	shalt  }
0x68: {  	_ =	shalt  }
0x69: {  	_ =	shalt  }
0x6a: {  	_ =	shalt  }
0x6b: {  	_ =	shalt  }
0x6c: {  	_ =	shalt  }
0x6d: {  	_ =	shalt  }
0x6e: {  	_ =	shalt  }
0x6f: {  	_ =	shalt  }
0x70: {  	_ =	shalt  }
0x71: {  	_ =	shalt  }
0x72: {  	_ =	shalt  }
0x73: {  	_ =	shalt  }
0x74: {  	_ =	shalt  }
0x75: {  	_ =	shalt  }
0x76: {  	_ =	shalt  }
0x77: {  	_ =	shalt  }
0x78: {  	_ =	shalt  }
0x79: {  	_ =	shalt  }
0x7a: {  	_ =	shalt  }
0x7b: {  	_ =	shalt  }
0x7c: {  	_ =	shalt  }
0x7d: {  	_ =	shalt  }
0x7e: {  	_ =	shalt  }
0x7f: {  	_ =	shalt  }
0x80: {  	_ =	shalt  }
0x81: {  	_ =	shalt  }
0x82: {  	_ =	shalt  }
0x83: {  	_ =	shalt  }
0x84: {  	_ =	shalt  }
0x85: {  	_ =	shalt  }
0x86: {  	_ =	shalt  }
0x87: {  	_ =	shalt  }
.Lfunc_end0:
.L_simem_size_0:
called_computation.1_lowered:
.L_overlay_start_0:
0x88: {  	s2 =	sld [smem:$0x3FD9]  }
0x89: {  	s3 =	sld [smem:$0x3FFE];
	_ =	sdelay $0x1  }
0x8a: {  	s1 =	srdreg.scid  }
0x8b: {  	s0 =	sand.u32 $0x1, s1  }
0x8c: {  	s16 =	sshll.u32 s0, $0xA;
	s2 =	sadd.s32 s3, s2  }
0x8d: {  	s2 =	sadd.s32 s2, s16  }
0x8e: {  	[smem:$0x3FC2] =	sst s2  }
0x8f: {  	_ = 	snop  }
0x90: {  	(tm) =	ssettm $0x1  }
0x91: {  	s17 =	sld [smem:$0x3FFB];
	_ =	sdelay $0x3  }
0x92: {  	_ =	strace s17  }
0x93: {  	s2 =	sld [smem:$0x3FFC];
	_ =	sdelay $0x3  }
0x94: {  	_ =	strace s2  }
0x95: {  	s2 =	sld [smem:$0x3FFD];
	_ =	sdelay $0x3  }
0x96: {  	_ =	strace s2  }
0x97: {  	_ =	strace $0x8FFFFFFF  }
0x98: {  	s18 =	sld [smem:$0x3FDB];
	_ =	sdelay $0x1  }
0x99: {  	s19 =	simm.s32 $_scs_section_size  }
0x9a: {  	s4 =	simm.s32 $_size__tile_overlayer_lowered;
	s5 =	simm.s32 $_tile_overlayer_lowered  }
0x9b: {  	s22 =	simm.s32 $0x1BFF;
	s21 =	sshll.u32 s5, $0x1;
	s2 =	sadd.s32 s19, s18  }
0x9c: {  	s6 =	simm.s32 $0x0;
	s20 =	sshll.u32 s4, $0x1;
	s4 =	sadd.s32 s21, s2  }
0x9d: {  	[timem:s6], [sflag:s22] =	dma.local [hbm:s4], s20  }
0x9e: {  	_ =	swait.ge [sflag:s22], s20  }
0x9f: {  	s3 =	ssub.s32 $0x0, s20;
	[sflag:s22] =	ssyncset.done $0x0  }
0xa0: {  	[sflag:s22] =	ssyncadd.s32 s3;
	_ =	sdelay $0x1  }
0xa1: {  	s23 =	simm.s32 $0x1B8B  }
0xa2: {  	_ =	swait.ge [sflag:s23], $0x1  }
0xa3: {  	[sflag:s23] =	ssyncset.done $0x0  }
0xa4: {  	s25 =	simm.s32 $0x1B8E;
	s24 =	sld [smem:$0x3FFE];
	[sflag:s23] =	ssyncadd.s32 $0xFFFFFFFF  }
0xa5: {  	s26 =	simm.s32 $execute0_lowered;
	[smem:$0x3FD2] =	sst s25  }
0xa6: {  	s4 =	sshll.u32 s26, $0x1;
	_ =	strace $0x80000049;
	[dreg:$0x1] =	wrdreg $0xFFFFFFFF  }
0xa7: {  	s28 =	simm.s32 $_size_execute0_lowered;
	s2 =	sadd.s32 s2, s4;
	[dreg:$0x0] =	wrdreg $0x0  }
0xa8: {  	s4 =	sshll.u32 s28, $0x1;
	[dreg:$0x2] =	wrdreg s2  }
0xa9: {  	[dreg:$0x3] =	wrdreg s4  }
0xaa: {  	[dreg:$0x4] =	wrdreg $0xC0  }
0xab: {  	_ =	task [dreg:s6], $0x5FFFF  }
0xac: {  	[dreg:$0x1] =	wrdreg $0xFFFFFFFF  }
0xad: {  	[dreg:$0x0] =	wrdreg $0x60  }
0xae: {  	[dreg:$0x2] =	wrdreg s24  }
0xaf: {  	[dreg:$0x3] =	wrdreg $0x84000  }
0xb0: {  	[dreg:$0x4] =	wrdreg $0x9  }
0xb1: {  	_ =	task.clear_ibuf [dreg:s6], $0x5FFFF;
	_ =	strace $0x90000049  }
0xb2: {  	s29 =	simm.s32 $0x9;
	_ =	strace $0x8000004B  }
0xb3: {  	_ =	swait.ge [sflag:s29], $0x1  }
0xb4: {  	[sflag:s29] =	ssyncadd.s32 $0xFFFFFFFF  }
0xb5: {  	_ =	strace $0x9000004B  }
0xb6: {  	_ =	sfence  }
0xb7: {  	s30 =	sld [smem:$0x0];
	_ =	sdelay $0x2  }
0xb8: {  	s31 =	sshll.u32 s1, $0xD;
	s1 =	sshrl.u32 s1, $0x2  }
0xb9: {  	s3 =	sand.u32 $0x4000, s31;
	s1 =	sadd.s32 s1, s30  }
0xba: {  	s0 =	sor.u32 s3, s0;
	s1 =	sshll.u32 s1, $0x11  }
0xbb: {  	s0 =	sor.u32 s1, s0  }
0xbc: {  	s0 =	sadd.s32 $0x8F2B, s0  }
0xbd: {  	[sflag:s0] =	ssyncadd.remote.s32 $0x1  }
0xbe: {  	_ =	sfence.sel $0xFFFF  }
0xbf: {  	[dreg:$0x0] =	wrdreg $0xFFFFFFFF;
	(pc) =	sbr.abs _section_cstart, $3  }
0xc0: {  	[dreg:$0x1] =	wrdreg $0xFFFFFFFF  }
0xc1: {  	_ =	task.clear_ibuf [dreg:s6], $0x2FFFF;
	_ =	strace $0x9FFFFFFF  }
0xc2: {  	(tm) =	ssettm $0x7FFFFFFF  }
0xc3: {  	_ =	shalt  }
tec
execute0_lowered:
.L_overlay_start_1:
0x0: {  	(tag) =	ssettag $0x1  }
0x1: {  	s0 =	rddreg [dreg:$0x0]  }
0x2: {  	s1 =	rddreg [dreg:$0x1]  }
0x3: {  	s3 =	simm.s32 $0x0;
	s2 =	srdreg.scid;
	s13 =	stileid.u32  }
0x4: {  	s29 =	simm.s32 $0x200;
	s30 =	simm.s32 $0x80;
	s31 =	simm.s32 $0x280  }
0x5: {  	[smem:$0x7FF] =	sst s3;
	s2 =	sand.u32 $0x1, s2;
	s4 =	smul.u32 $0x14000, s13  }
0x6: {  	s6 =	sadd.s32 $0xBC00, s0;
	s8 =	sadd.s32 $0x1C00, s0;
	s12 =	smul.u32 $0x2800, s13  }
0x7: {  	_ =	strace $0x8000004A;
	s5 =	sshll.u32 s2, $0x4;
	s7 =	smul.u32 $0x140000, s2  }
0x8: {  	s9 =	ssub.s32 $0x2, s2;
	s2 =	smul.u32 $0x28000, s2;
	s5 =	sor.u32 s13, s5  }
0x9: {  	s10 =	sshrl.u32 s4, $0x3;
	s18 =	sshrl.u32 s9, $0x1;
	s5 =	smul.u32 $0x2800, s5  }
0xa: {  	s4 =	sadd.s32 s4, s7;
	s7 =	ssub.s32 s9, s18;
	s2 =	sadd.s32 s12, s2  }
0xb: {  	s4 =	sshrl.u32 s4, $0x3;
	s12 =	sor.u32 $0x500, s2;
	s17 =	sor.u32 $0x480, s2  }
0xc: {  	s28 =	smax.u32 s7, $0x1;
	s7 =	simm.s32 $0x5;
	s5 =	sshrl.u32 s5, $0x3  }
0xd: {  	s15 =	sshrl.u32 s12, $0x3;
	s18 =	sshrl.u32 s17, $0x3;
	s19 =	sadd.s32 s6, s5  }
0xe: {  	s4 =	sadd.s32 s4, s0;
	s20 =	sadd.s32 s8, s5;
	[dreg:$0x9] =	wrdreg s19  }
0xf: {  	s21 =	sor.u32 $0x10, s5;
	s16 =	sadd.s32 s15, s8;
	[dreg:$0xa] =	wrdreg s20  }
0x10: {  	s11 =	sor.u32 $0x20, s5;
	s14 =	sadd.s32 s6, s21;
	[dreg:$0x3] =	wrdreg s16  }
0x11: {  	s24 =	sor.u32 $0x30, s5;
	s9 =	sadd.s32 s8, s21;
	[dreg:$0xb] =	wrdreg s14  }
0x12: {  	s26 =	sor.u32 $0x40, s5;
	s22 =	sadd.s32 s6, s11;
	[dreg:$0xc] =	wrdreg s9  }
0x13: {  	s23 =	sadd.s32 s8, s11;
	s25 =	sadd.s32 s6, s24;
	[dreg:$0xd] =	wrdreg s22  }
0x14: {  	s11 =	sadd.s32 s8, s26;
	s19 =	sadd.s32 s18, s8;
	[dreg:$0xe] =	wrdreg s23  }
0x15: {  	s20 =	sor.u32 $0x400, s2;
	s21 =	sadd.s32 s18, s6;
	[dreg:$0xf] =	wrdreg s25  }
0x16: {  	s2 =	sor.u32 $0x380, s2;
	s18 =	smul.u32 $0x50000, s13;
	[dreg:$0x12] =	wrdreg s11  }
0x17: {  	s9 =	sadd.s32 s8, s24;
	s14 =	sadd.s32 s6, s26;
	[dreg:$0x5] =	wrdreg s19  }
0x18: {  	s22 =	sshrl.u32 s20, $0x3;
	s23 =	sor.u32 $0x50, s5;
	[dreg:$0x6] =	wrdreg s21  }
0x19: {  	s2 =	sshrl.u32 s2, $0x3;
	s19 =	sadd.s32 s10, s0;
	[dreg:$0x10] =	wrdreg s9  }
0x1a: {  	s10 =	simm.s32 $0x2;
	s11 =	simm.s32 $0x4400;
	[dreg:$0x11] =	wrdreg s14  }
0x1b: {  	s9 =	sadd.s32 s15, s6;
	s24 =	sadd.s32 s22, s8;
	s25 =	sadd.s32 s6, s23  }
0x1c: {  	s26 =	sadd.s32 s22, s6;
	s12 =	sadd.s32 s8, s23;
	[dreg:$0x4] =	wrdreg s9  }
0x1d: {  	s14 =	sor.u32 $0x60, s5;
	s5 =	sadd.s32 $0x4F0, s5;
	[dreg:$0x13] =	wrdreg s25  }
0x1e: {  	s20 =	sadd.s32 s2, s8;
	s21 =	sadd.s32 s2, s6;
	[dreg:$0x7] =	wrdreg s24  }
0x1f: {  	s22 =	sadd.s32 $0x15C00, s0;
	s23 =	sshrl.u32 s18, $0x2;
	[dreg:$0x14] =	wrdreg s12  }
0x20: {  	s2 =	simm.s32 $0x300;
	[dreg:$0x8] =	wrdreg s26;
	s15 =	sadd.s32 s6, s14  }
0x21: {  	s16 =	sadd.s32 s8, s14;
	s17 =	sadd.s32 s6, s5;
	s5 =	sadd.s32 s8, s5  }
0x22: {  	s24 =	sshll.u32 s13, $0x6;
	s0 =	sadd.s32 s23, s1;
	[dreg:$0x15] =	wrdreg s15  }
0x23: {  	s25 =	sadd.s32 $0x3CE00, s19;
	s26 =	sadd.s32 $0x64E00, s4;
	[dreg:$0x16] =	wrdreg s16  }
0x24: {  	s4 =	simm.s32 $0x9;
	s6 =	simm.s32 $0x400;
	[dreg:$0x17] =	wrdreg s17  }
0x25: {  	s8 =	simm.s32 $0x180;
	s9 =	simm.s32 $0x380;
	[dreg:$0x18] =	wrdreg s5  }
0x26: {  	s12 =	simm.s32 $0x6;
	s13 =	simm.s32 $0x7;
	[dreg:$0x19] =	wrdreg s0  }
0x27: {  	s14 =	simm.s32 $0x3;
	[dreg:$0x1a] =	wrdreg s25;
	s25 =	sor.u32 $0x1C09, s24  }
0x28: {  	[dreg:$0x1b] =	wrdreg s26;
	s0 =	simm.s32 $0x100;
	s5 =	simm.s32 $0x1  }
0x29: {  	s15 =	simm.s32 $0x8;
	s16 =	simm.s32 $0x4;
	s17 =	simm.s32 $0x0  }
.LBB2_1:
0x2a: {  	s18 =	rddreg [dreg:$0x9]  }
0x2b: {  	s26 =	rddreg [dreg:$0xa]  }
0x2c: {  	s19 =	rddreg [dreg:$0xb]  }
0x2d: {  	[tilespmem:s3], [sflag:$0x1] =	stream.linear.gather [hbm4b:s18+s3], $0x80, $0x38;
	[tilespmem:$0x1C400] =	vst v63  }
0x2e: {  	s23 =	rddreg [dreg:$0xc]  }
0x2f: {  	[tilespmem:s29], [sflag:$0x1] =	stream.linear.gather [hbm4b:s26+s3], $0x80, $0x38;
	[tilespmem:$0x1C400] =	vst v63  }
0x30: {  	s24 =	rddreg [dreg:$0xd]  }
0x31: {  	[tilespmem:s30], [sflag:$0x2] =	stream.linear.gather [hbm4b:s19+s3], $0x80, $0x38;
	[tilespmem:$0x1C400] =	vst v63  }
0x32: {  	s26 =	rddreg [dreg:$0xe]  }
0x33: {  	[tilespmem:s31], [sflag:$0x2] =	stream.linear.gather [hbm4b:s23+s3], $0x80, $0x38;
	[tilespmem:$0x1C400] =	vst v63  }
0x34: {  	s19 =	rddreg [dreg:$0x19]  }
0x35: {  	[tilespmem:s0], [sflag:$0x3] =	stream.linear.gather [hbm4b:s24+s3], $0x80, $0x38;
	[tilespmem:$0x1C400] =	vst v63  }
0x36: {  	s18 =	sshrl.u32 s19, $0x3;
	s19 =	rddreg [dreg:$0x1a]  }
0x37: {  	[tilespmem:s2], [sflag:$0x3] =	stream.linear.gather [hbm4b:s26+s3], $0x80, $0x38;
	[tilespmem:$0x1C400] =	vst v63  }
0x38: {  	[spmem:s18], [sflag:s25] =	dma.local [hbm:s19], $0x2800  }
0x39: {  	_ =	swait.ge [sflag:s4], $0x2800  }
0x3a: {  	[sflag:s4] =	ssyncset.done $0x0  }
0x3b: {  	[sflag:s4] =	ssyncadd.s32 $0xFFFFD800  }
0x3c: {  	[bflag:$0x0] =	sbarrier.arrive $0xFFFF  }
0x3d: {  	_ =	swait.ge [sflag:s5], $0x80  }
0x3e: {  	[sflag:s5] =	ssyncset.done $0x0  }
0x3f: {  	[sflag:s5] =	ssyncadd.s32 $0xFFFFFF80  }
0x40: {  	_ =	swait.ge [sflag:s5], $0x80  }
0x41: {  	[sflag:s5] =	ssyncset.done $0x0  }
0x42: {  	[sflag:s5] =	ssyncadd.s32 $0xFFFFFF80  }
0x43: {  	[tilespmem:s6], [sflag:$0x5] =	stream.indirect.gather [hbm4b:s22+s30], $0x80, s3, s30, $0xb8;
	[tilespmem:$0x1C400] =	vst v63  }
0x44: {  	_ =	swait.ge [sflag:s7], $0x4000  }
0x45: {  	[sflag:s7] =	ssyncset.done $0x0  }
0x46: {  	[sflag:s7] =	ssyncadd.s32 $0xFFFFC000  }
0x47: {  	[spmem:s1] =	stream.indirect.scatter.add.f32 [tilespmem:s6], [sflag:$0x7], $0x80, s29, s30, $0xb8;
	[tilespmem:$0x1C400] =	vst v63  }
0x48: {  	s23 =	rddreg [dreg:$0xf]  }
0x49: {  	[tilespmem:s8], [sflag:$0x4] =	stream.linear.gather [hbm4b:s23+s3], $0x80, $0x38;
	[tilespmem:$0x1C400] =	vst v63  }
0x4a: {  	s24 =	rddreg [dreg:$0x10]  }
0x4b: {  	[tilespmem:s9], [sflag:$0x4] =	stream.linear.gather [hbm4b:s24+s3], $0x80, $0x38;
	[tilespmem:$0x1C400] =	vst v63  }
0x4c: {  	_ =	swait.ge [sflag:s10], $0x80  }
0x4d: {  	[sflag:s10] =	ssyncset.done $0x0  }
0x4e: {  	[sflag:s10] =	ssyncadd.s32 $0xFFFFFF80  }
0x4f: {  	_ =	swait.ge [sflag:s10], $0x80  }
0x50: {  	[sflag:s10] =	ssyncset.done $0x0  }
0x51: {  	[sflag:s10] =	ssyncadd.s32 $0xFFFFFF80  }
0x52: {  	[tilespmem:s11], [sflag:$0x6] =	stream.indirect.gather [hbm4b:s22+s30], $0x80, s30, s30, $0xb8;
	[tilespmem:$0x1C400] =	vst v63  }
0x53: {  	_ =	swait.ge [sflag:s12], $0x4000  }
0x54: {  	[sflag:s12] =	ssyncset.done $0x0  }
0x55: {  	[sflag:s12] =	ssyncadd.s32 $0xFFFFC000  }
0x56: {  	[spmem:s1] =	stream.indirect.scatter.add.f32 [tilespmem:s11], [sflag:$0x8], $0x80, s31, s30, $0xb8;
	[tilespmem:$0x1C400] =	vst v63  }
0x57: {  	_ =	swait.ge [sflag:s13], $0x4000  }
0x58: {  	[sflag:s13] =	ssyncset.done $0x0  }
0x59: {  	s26 =	rddreg [dreg:$0x11];
	[sflag:s13] =	ssyncadd.s32 $0xFFFFC000  }
0x5a: {  	[tilespmem:s3], [sflag:$0x1] =	stream.linear.gather [hbm4b:s26+s3], $0x80, $0x38;
	[tilespmem:$0x1C400] =	vst v63  }
0x5b: {  	s23 =	rddreg [dreg:$0x12]  }
0x5c: {  	[tilespmem:s29], [sflag:$0x1] =	stream.linear.gather [hbm4b:s23+s3], $0x80, $0x38;
	[tilespmem:$0x1C400] =	vst v63  }
0x5d: {  	_ =	swait.ge [sflag:s14], $0x80  }
0x5e: {  	[sflag:s14] =	ssyncset.done $0x0  }
0x5f: {  	[sflag:s14] =	ssyncadd.s32 $0xFFFFFF80  }
0x60: {  	_ =	swait.ge [sflag:s14], $0x80  }
0x61: {  	[sflag:s14] =	ssyncset.done $0x0  }
0x62: {  	[sflag:s14] =	ssyncadd.s32 $0xFFFFFF80  }
0x63: {  	[tilespmem:s6], [sflag:$0x5] =	stream.indirect.gather [hbm4b:s22+s30], $0x80, s0, s30, $0xb8;
	[tilespmem:$0x1C400] =	vst v63  }
0x64: {  	_ =	swait.ge [sflag:s7], $0x4000  }
0x65: {  	[sflag:s7] =	ssyncset.done $0x0  }
0x66: {  	[sflag:s7] =	ssyncadd.s32 $0xFFFFC000  }
0x67: {  	[spmem:s1] =	stream.indirect.scatter.add.f32 [tilespmem:s6], [sflag:$0x7], $0x80, s2, s30, $0xb8;
	[tilespmem:$0x1C400] =	vst v63  }
0x68: {  	_ =	swait.ge [sflag:s15], $0x4000  }
0x69: {  	[sflag:s15] =	ssyncset.done $0x0  }
0x6a: {  	s24 =	rddreg [dreg:$0x13];
	[sflag:s15] =	ssyncadd.s32 $0xFFFFC000  }
0x6b: {  	[tilespmem:s30], [sflag:$0x2] =	stream.linear.gather [hbm4b:s24+s3], $0x80, $0x38;
	[tilespmem:$0x1C400] =	vst v63  }
0x6c: {  	s26 =	rddreg [dreg:$0x14]  }
0x6d: {  	[tilespmem:s31], [sflag:$0x2] =	stream.linear.gather [hbm4b:s26+s3], $0x80, $0x38;
	[tilespmem:$0x1C400] =	vst v63  }
0x6e: {  	_ =	swait.ge [sflag:s16], $0x80  }
0x6f: {  	[sflag:s16] =	ssyncset.done $0x0  }
0x70: {  	[sflag:s16] =	ssyncadd.s32 $0xFFFFFF80  }
0x71: {  	_ =	swait.ge [sflag:s16], $0x80  }
0x72: {  	[sflag:s16] =	ssyncset.done $0x0  }
0x73: {  	[sflag:s16] =	ssyncadd.s32 $0xFFFFFF80  }
0x74: {  	[tilespmem:s11], [sflag:$0x6] =	stream.indirect.gather [hbm4b:s22+s30], $0x80, s8, s30, $0xb8;
	[tilespmem:$0x1C400] =	vst v63  }
0x75: {  	_ =	swait.ge [sflag:s12], $0x4000  }
0x76: {  	[sflag:s12] =	ssyncset.done $0x0  }
0x77: {  	[sflag:s12] =	ssyncadd.s32 $0xFFFFC000  }
0x78: {  	[spmem:s1] =	stream.indirect.scatter.add.f32 [tilespmem:s11], [sflag:$0x8], $0x80, s9, s30, $0xb8;
	[tilespmem:$0x1C400] =	vst v63  }
0x79: {  	_ =	swait.ge [sflag:s13], $0x4000  }
0x7a: {  	[sflag:s13] =	ssyncset.done $0x0  }
0x7b: {  	s23 =	rddreg [dreg:$0x15];
	[sflag:s13] =	ssyncadd.s32 $0xFFFFC000  }
0x7c: {  	[tilespmem:s0], [sflag:$0x3] =	stream.linear.gather [hbm4b:s23+s3], $0x80, $0x38;
	[tilespmem:$0x1C400] =	vst v63  }
0x7d: {  	s24 =	rddreg [dreg:$0x16]  }
0x7e: {  	[tilespmem:s2], [sflag:$0x3] =	stream.linear.gather [hbm4b:s24+s3], $0x80, $0x38;
	[tilespmem:$0x1C400] =	vst v63  }
0x7f: {  	_ =	swait.ge [sflag:s5], $0x80  }
0x80: {  	[sflag:s5] =	ssyncset.done $0x0  }
0x81: {  	[sflag:s5] =	ssyncadd.s32 $0xFFFFFF80  }
0x82: {  	_ =	swait.ge [sflag:s5], $0x80  }
0x83: {  	[sflag:s5] =	ssyncset.done $0x0  }
0x84: {  	[sflag:s5] =	ssyncadd.s32 $0xFFFFFF80  }
0x85: {  	[tilespmem:s6], [sflag:$0x5] =	stream.indirect.gather [hbm4b:s22+s30], $0x80, s3, s30, $0xb8;
	[tilespmem:$0x1C400] =	vst v63  }
0x86: {  	_ =	swait.ge [sflag:s7], $0x4000  }
0x87: {  	[sflag:s7] =	ssyncset.done $0x0  }
0x88: {  	[sflag:s7] =	ssyncadd.s32 $0xFFFFC000  }
0x89: {  	[spmem:s1] =	stream.indirect.scatter.add.f32 [tilespmem:s6], [sflag:$0x7], $0x80, s29, s30, $0xb8;
	[tilespmem:$0x1C400] =	vst v63  }
0x8a: {  	_ =	swait.ge [sflag:s15], $0x4000  }
0x8b: {  	[sflag:s15] =	ssyncset.done $0x0  }
0x8c: {  	s26 =	sadd.s32 $0x0, s21;
	[sflag:s15] =	ssyncadd.s32 $0xFFFFC000  }
0x8d: {  	[tilespmem:s8], [sflag:$0x4] =	stream.linear.gather [hbm4b:s26+s3], $0x80, $0x38;
	[tilespmem:$0x1C400] =	vst v63  }
0x8e: {  	s23 =	sadd.s32 $0x0, s20  }
0x8f: {  	[tilespmem:s9], [sflag:$0x4] =	stream.linear.gather [hbm4b:s23+s3], $0x80, $0x38;
	[tilespmem:$0x1C400] =	vst v63  }
0x90: {  	_ =	swait.ge [sflag:s10], $0x80  }
0x91: {  	[sflag:s10] =	ssyncset.done $0x0  }
0x92: {  	[sflag:s10] =	ssyncadd.s32 $0xFFFFFF80  }
0x93: {  	_ =	swait.ge [sflag:s10], $0x80  }
0x94: {  	[sflag:s10] =	ssyncset.done $0x0  }
0x95: {  	[sflag:s10] =	ssyncadd.s32 $0xFFFFFF80  }
0x96: {  	[tilespmem:s11], [sflag:$0x6] =	stream.indirect.gather [hbm4b:s22+s30], $0x80, s30, s30, $0xb8;
	[tilespmem:$0x1C400] =	vst v63  }
0x97: {  	_ =	swait.ge [sflag:s12], $0x4000  }
0x98: {  	[sflag:s12] =	ssyncset.done $0x0  }
0x99: {  	[sflag:s12] =	ssyncadd.s32 $0xFFFFC000  }
0x9a: {  	[spmem:s1] =	stream.indirect.scatter.add.f32 [tilespmem:s11], [sflag:$0x8], $0x80, s31, s30, $0xb8;
	[tilespmem:$0x1C400] =	vst v63  }
0x9b: {  	_ =	swait.ge [sflag:s13], $0x4000  }
0x9c: {  	s24 =	rddreg [dreg:$0x8];
	[sflag:s13] =	ssyncset.done $0x0  }
0x9d: {  	s23 =	rddreg [dreg:$0x7];
	[sflag:s13] =	ssyncadd.s32 $0xFFFFC000;
	s19 =	sadd.s32 $0x0, s24  }
0x9e: {  	[tilespmem:s3], [sflag:$0x1] =	stream.linear.gather [hbm4b:s19+s3], $0x80, $0x38;
	[tilespmem:$0x1C400] =	vst v63  }
0x9f: {  	s26 =	sadd.s32 $0x0, s23  }
0xa0: {  	[tilespmem:s29], [sflag:$0x1] =	stream.linear.gather [hbm4b:s26+s3], $0x80, $0x38;
	[tilespmem:$0x1C400] =	vst v63  }
0xa1: {  	_ =	swait.ge [sflag:s14], $0x80  }
0xa2: {  	[sflag:s14] =	ssyncset.done $0x0  }
0xa3: {  	[sflag:s14] =	ssyncadd.s32 $0xFFFFFF80  }
0xa4: {  	_ =	swait.ge [sflag:s14], $0x80  }
0xa5: {  	[sflag:s14] =	ssyncset.done $0x0  }
0xa6: {  	[sflag:s14] =	ssyncadd.s32 $0xFFFFFF80  }
0xa7: {  	[tilespmem:s6], [sflag:$0x5] =	stream.indirect.gather [hbm4b:s22+s30], $0x80, s0, s30, $0xb8;
	[tilespmem:$0x1C400] =	vst v63  }
0xa8: {  	_ =	swait.ge [sflag:s7], $0x4000  }
0xa9: {  	[sflag:s7] =	ssyncset.done $0x0  }
0xaa: {  	[sflag:s7] =	ssyncadd.s32 $0xFFFFC000  }
0xab: {  	[spmem:s1] =	stream.indirect.scatter.add.f32 [tilespmem:s6], [sflag:$0x7], $0x80, s2, s30, $0xb8;
	[tilespmem:$0x1C400] =	vst v63  }
0xac: {  	_ =	swait.ge [sflag:s15], $0x4000  }
0xad: {  	s23 =	rddreg [dreg:$0x6];
	[sflag:s15] =	ssyncset.done $0x0  }
0xae: {  	s24 =	rddreg [dreg:$0x5];
	[sflag:s15] =	ssyncadd.s32 $0xFFFFC000;
	s19 =	sadd.s32 $0x0, s23  }
0xaf: {  	[tilespmem:s30], [sflag:$0x2] =	stream.linear.gather [hbm4b:s19+s3], $0x80, $0x38;
	[tilespmem:$0x1C400] =	vst v63  }
0xb0: {  	s26 =	sadd.s32 $0x0, s24  }
0xb1: {  	[tilespmem:s31], [sflag:$0x2] =	stream.linear.gather [hbm4b:s26+s3], $0x80, $0x38;
	[tilespmem:$0x1C400] =	vst v63  }
0xb2: {  	_ =	swait.ge [sflag:s16], $0x80  }
0xb3: {  	[sflag:s16] =	ssyncset.done $0x0  }
0xb4: {  	[sflag:s16] =	ssyncadd.s32 $0xFFFFFF80  }
0xb5: {  	_ =	swait.ge [sflag:s16], $0x80  }
0xb6: {  	[sflag:s16] =	ssyncset.done $0x0  }
0xb7: {  	[sflag:s16] =	ssyncadd.s32 $0xFFFFFF80  }
0xb8: {  	[tilespmem:s11], [sflag:$0x6] =	stream.indirect.gather [hbm4b:s22+s30], $0x80, s8, s30, $0xb8;
	[tilespmem:$0x1C400] =	vst v63  }
0xb9: {  	_ =	swait.ge [sflag:s12], $0x4000  }
0xba: {  	[sflag:s12] =	ssyncset.done $0x0  }
0xbb: {  	[sflag:s12] =	ssyncadd.s32 $0xFFFFC000  }
0xbc: {  	[spmem:s1] =	stream.indirect.scatter.add.f32 [tilespmem:s11], [sflag:$0x8], $0x80, s9, s30, $0xb8;
	[tilespmem:$0x1C400] =	vst v63  }
0xbd: {  	_ =	swait.ge [sflag:s13], $0x4000  }
0xbe: {  	s23 =	rddreg [dreg:$0x4];
	[sflag:s13] =	ssyncset.done $0x0  }
0xbf: {  	s24 =	rddreg [dreg:$0x3];
	[sflag:s13] =	ssyncadd.s32 $0xFFFFC000;
	s19 =	sadd.s32 $0x0, s23  }
0xc0: {  	[tilespmem:s0], [sflag:$0x3] =	stream.linear.gather [hbm4b:s19+s3], $0x80, $0x38;
	[tilespmem:$0x1C400] =	vst v63  }
0xc1: {  	s26 =	sadd.s32 $0x0, s24  }
0xc2: {  	[tilespmem:s2], [sflag:$0x3] =	stream.linear.gather [hbm4b:s26+s3], $0x80, $0x38;
	[tilespmem:$0x1C400] =	vst v63  }
0xc3: {  	_ =	swait.ge [sflag:s5], $0x80  }
0xc4: {  	[sflag:s5] =	ssyncset.done $0x0  }
0xc5: {  	[sflag:s5] =	ssyncadd.s32 $0xFFFFFF80  }
0xc6: {  	_ =	swait.ge [sflag:s5], $0x80  }
0xc7: {  	[sflag:s5] =	ssyncset.done $0x0  }
0xc8: {  	s19 =	simm.s32 $0x40;
	[sflag:s5] =	ssyncadd.s32 $0xFFFFFF80  }
.LBB2_2:
0xc9: {  	[tilespmem:s6], [sflag:$0x5] =	stream.indirect.gather [hbm4b:s22+s30], $0x80, s3, s30, $0xb8;
	[tilespmem:$0x1C400] =	vst v63  }
0xca: {  	_ =	swait.ge [sflag:s7], $0x4000  }
0xcb: {  	[sflag:s7] =	ssyncset.done $0x0  }
0xcc: {  	[sflag:s7] =	ssyncadd.s32 $0xFFFFC000  }
0xcd: {  	[spmem:s1] =	stream.indirect.scatter.add.f32 [tilespmem:s6], [sflag:$0x7], $0x80, s29, s30, $0xb8;
	[tilespmem:$0x1C400] =	vst v63  }
0xce: {  	_ =	swait.ge [sflag:s15], $0x4000  }
0xcf: {  	s23 =	smov.u32 s19;
	[sflag:s15] =	ssyncset.done $0x0  }
0xd0: {  	s24 =	sadd.s32 s23, s21;
	[sflag:s15] =	ssyncadd.s32 $0xFFFFC000  }
0xd1: {  	[tilespmem:s8], [sflag:$0x4] =	stream.linear.gather [hbm4b:s24+s3], $0x80, $0x38;
	[tilespmem:$0x1C400] =	vst v63  }
0xd2: {  	s26 =	sadd.s32 s23, s20  }
0xd3: {  	[tilespmem:s9], [sflag:$0x4] =	stream.linear.gather [hbm4b:s26+s3], $0x80, $0x38;
	[tilespmem:$0x1C400] =	vst v63  }
0xd4: {  	_ =	swait.ge [sflag:s10], $0x80  }
0xd5: {  	[sflag:s10] =	ssyncset.done $0x0  }
0xd6: {  	[sflag:s10] =	ssyncadd.s32 $0xFFFFFF80  }
0xd7: {  	_ =	swait.ge [sflag:s10], $0x80  }
0xd8: {  	[sflag:s10] =	ssyncset.done $0x0  }
0xd9: {  	[sflag:s10] =	ssyncadd.s32 $0xFFFFFF80  }
0xda: {  	[tilespmem:s11], [sflag:$0x6] =	stream.indirect.gather [hbm4b:s22+s30], $0x80, s30, s30, $0xb8;
	[tilespmem:$0x1C400] =	vst v63  }
0xdb: {  	_ =	swait.ge [sflag:s12], $0x4000  }
0xdc: {  	[sflag:s12] =	ssyncset.done $0x0  }
0xdd: {  	[sflag:s12] =	ssyncadd.s32 $0xFFFFC000  }
0xde: {  	[spmem:s1] =	stream.indirect.scatter.add.f32 [tilespmem:s11], [sflag:$0x8], $0x80, s31, s30, $0xb8;
	[tilespmem:$0x1C400] =	vst v63  }
0xdf: {  	_ =	swait.ge [sflag:s13], $0x4000  }
0xe0: {  	s24 =	rddreg [dreg:$0x8];
	[sflag:s13] =	ssyncset.done $0x0  }
0xe1: {  	s26 =	rddreg [dreg:$0x7];
	[sflag:s13] =	ssyncadd.s32 $0xFFFFC000;
	s24 =	sadd.s32 s23, s24  }
0xe2: {  	[tilespmem:s3], [sflag:$0x1] =	stream.linear.gather [hbm4b:s24+s3], $0x80, $0x38;
	[tilespmem:$0x1C400] =	vst v63  }
0xe3: {  	s26 =	sadd.s32 s23, s26  }
0xe4: {  	[tilespmem:s29], [sflag:$0x1] =	stream.linear.gather [hbm4b:s26+s3], $0x80, $0x38;
	[tilespmem:$0x1C400] =	vst v63  }
0xe5: {  	_ =	swait.ge [sflag:s14], $0x80  }
0xe6: {  	[sflag:s14] =	ssyncset.done $0x0  }
0xe7: {  	[sflag:s14] =	ssyncadd.s32 $0xFFFFFF80  }
0xe8: {  	_ =	swait.ge [sflag:s14], $0x80  }
0xe9: {  	[sflag:s14] =	ssyncset.done $0x0  }
0xea: {  	[sflag:s14] =	ssyncadd.s32 $0xFFFFFF80  }
0xeb: {  	[tilespmem:s6], [sflag:$0x5] =	stream.indirect.gather [hbm4b:s22+s30], $0x80, s0, s30, $0xb8;
	[tilespmem:$0x1C400] =	vst v63  }
0xec: {  	_ =	swait.ge [sflag:s7], $0x4000  }
0xed: {  	[sflag:s7] =	ssyncset.done $0x0  }
0xee: {  	[sflag:s7] =	ssyncadd.s32 $0xFFFFC000  }
0xef: {  	[spmem:s1] =	stream.indirect.scatter.add.f32 [tilespmem:s6], [sflag:$0x7], $0x80, s2, s30, $0xb8;
	[tilespmem:$0x1C400] =	vst v63  }
0xf0: {  	_ =	swait.ge [sflag:s15], $0x4000  }
0xf1: {  	s24 =	rddreg [dreg:$0x6];
	[sflag:s15] =	ssyncset.done $0x0  }
0xf2: {  	s26 =	rddreg [dreg:$0x5];
	[sflag:s15] =	ssyncadd.s32 $0xFFFFC000;
	s24 =	sadd.s32 s23, s24  }
0xf3: {  	[tilespmem:s30], [sflag:$0x2] =	stream.linear.gather [hbm4b:s24+s3], $0x80, $0x38;
	[tilespmem:$0x1C400] =	vst v63  }
0xf4: {  	s26 =	sadd.s32 s23, s26  }
0xf5: {  	[tilespmem:s31], [sflag:$0x2] =	stream.linear.gather [hbm4b:s26+s3], $0x80, $0x38;
	[tilespmem:$0x1C400] =	vst v63  }
0xf6: {  	_ =	swait.ge [sflag:s16], $0x80  }
0xf7: {  	[sflag:s16] =	ssyncset.done $0x0  }
0xf8: {  	[sflag:s16] =	ssyncadd.s32 $0xFFFFFF80  }
0xf9: {  	_ =	swait.ge [sflag:s16], $0x80  }
0xfa: {  	[sflag:s16] =	ssyncset.done $0x0  }
0xfb: {  	[sflag:s16] =	ssyncadd.s32 $0xFFFFFF80  }
0xfc: {  	[tilespmem:s11], [sflag:$0x6] =	stream.indirect.gather [hbm4b:s22+s30], $0x80, s8, s30, $0xb8;
	[tilespmem:$0x1C400] =	vst v63  }
0xfd: {  	_ =	swait.ge [sflag:s12], $0x4000  }
0xfe: {  	[sflag:s12] =	ssyncset.done $0x0  }
0xff: {  	[sflag:s12] =	ssyncadd.s32 $0xFFFFC000  }
0x100: {  	[spmem:s1] =	stream.indirect.scatter.add.f32 [tilespmem:s11], [sflag:$0x8], $0x80, s9, s30, $0xb8;
	[tilespmem:$0x1C400] =	vst v63  }
0x101: {  	_ =	swait.ge [sflag:s13], $0x4000  }
0x102: {  	s24 =	rddreg [dreg:$0x4];
	[sflag:s13] =	ssyncset.done $0x0  }
0x103: {  	s26 =	rddreg [dreg:$0x3];
	[sflag:s13] =	ssyncadd.s32 $0xFFFFC000;
	s24 =	sadd.s32 s23, s24  }
0x104: {  	[tilespmem:s0], [sflag:$0x3] =	stream.linear.gather [hbm4b:s24+s3], $0x80, $0x38;
	[tilespmem:$0x1C400] =	vst v63  }
0x105: {  	s23 =	sadd.s32 s23, s26  }
0x106: {  	[tilespmem:s2], [sflag:$0x3] =	stream.linear.gather [hbm4b:s23+s3], $0x80, $0x38;
	[tilespmem:$0x1C400] =	vst v63  }
0x107: {  	p0 =	sne.s32 s19, $0x440;
	_ =	swait.ge [sflag:s5], $0x80  }
.Ltmp0:
0x108: {  	[sflag:s5] =	ssyncset.done $0x0;
	(pc) =	sbr.rel @p0 .LBB2_2-.Ltmp0, $4  }
0x109: {  	[sflag:s5] =	ssyncadd.s32 $0xFFFFFF80  }
0x10a: {  	_ =	swait.ge [sflag:s5], $0x80  }
0x10b: {  	[sflag:s5] =	ssyncset.done $0x0  }
0x10c: {  	s19 =	sadd.s32 $0x40, s19;
	[sflag:s5] =	ssyncadd.s32 $0xFFFFFF80  }
0x10d: {  	[tilespmem:s6], [sflag:$0x5] =	stream.indirect.gather [hbm4b:s22+s30], $0x80, s3, s30, $0xb8;
	[tilespmem:$0x1C400] =	vst v63  }
0x10e: {  	_ =	swait.ge [sflag:s7], $0x4000  }
0x10f: {  	[sflag:s7] =	ssyncset.done $0x0  }
0x110: {  	[sflag:s7] =	ssyncadd.s32 $0xFFFFC000  }
0x111: {  	[spmem:s1] =	stream.indirect.scatter.add.f32 [tilespmem:s6], [sflag:$0x7], $0x80, s29, s30, $0xb8;
	[tilespmem:$0x1C400] =	vst v63  }
0x112: {  	_ =	swait.ge [sflag:s15], $0x4000  }
0x113: {  	[sflag:s15] =	ssyncset.done $0x0  }
0x114: {  	s19 =	rddreg [dreg:$0x17];
	[sflag:s15] =	ssyncadd.s32 $0xFFFFC000  }
0x115: {  	[tilespmem:s8], [sflag:$0x4] =	stream.linear.gather [hbm4b:s19+s3], $0x80, $0x38;
	[tilespmem:$0x1C400] =	vst v63  }
0x116: {  	s24 =	rddreg [dreg:$0x18]  }
0x117: {  	[tilespmem:s9], [sflag:$0x4] =	stream.linear.gather [hbm4b:s24+s3], $0x80, $0x38;
	[tilespmem:$0x1C400] =	vst v63  }
0x118: {  	_ =	swait.ge [sflag:s10], $0x80  }
0x119: {  	[sflag:s10] =	ssyncset.done $0x0  }
0x11a: {  	[sflag:s10] =	ssyncadd.s32 $0xFFFFFF80  }
0x11b: {  	_ =	swait.ge [sflag:s10], $0x80  }
0x11c: {  	[sflag:s10] =	ssyncset.done $0x0  }
0x11d: {  	[sflag:s10] =	ssyncadd.s32 $0xFFFFFF80  }
0x11e: {  	[tilespmem:s11], [sflag:$0x6] =	stream.indirect.gather [hbm4b:s22+s30], $0x80, s30, s30, $0xb8;
	[tilespmem:$0x1C400] =	vst v63  }
0x11f: {  	_ =	swait.ge [sflag:s12], $0x4000  }
0x120: {  	[sflag:s12] =	ssyncset.done $0x0  }
0x121: {  	[sflag:s12] =	ssyncadd.s32 $0xFFFFC000  }
0x122: {  	[spmem:s1] =	stream.indirect.scatter.add.f32 [tilespmem:s11], [sflag:$0x8], $0x80, s31, s30, $0xb8;
	[tilespmem:$0x1C400] =	vst v63  }
0x123: {  	_ =	swait.ge [sflag:s13], $0x4000  }
0x124: {  	[sflag:s13] =	ssyncset.done $0x0  }
0x125: {  	[sflag:s13] =	ssyncadd.s32 $0xFFFFC000  }
0x126: {  	_ =	swait.ge [sflag:s14], $0x80  }
0x127: {  	[sflag:s14] =	ssyncset.done $0x0  }
0x128: {  	[sflag:s14] =	ssyncadd.s32 $0xFFFFFF80  }
0x129: {  	_ =	swait.ge [sflag:s14], $0x80  }
0x12a: {  	[sflag:s14] =	ssyncset.done $0x0  }
0x12b: {  	[sflag:s14] =	ssyncadd.s32 $0xFFFFFF80  }
0x12c: {  	[tilespmem:s6], [sflag:$0x5] =	stream.indirect.gather [hbm4b:s22+s30], $0x80, s0, s30, $0xb8;
	[tilespmem:$0x1C400] =	vst v63  }
0x12d: {  	_ =	swait.ge [sflag:s7], $0x4000  }
0x12e: {  	[sflag:s7] =	ssyncset.done $0x0  }
0x12f: {  	[sflag:s7] =	ssyncadd.s32 $0xFFFFC000  }
0x130: {  	[spmem:s1] =	stream.indirect.scatter.add.f32 [tilespmem:s6], [sflag:$0x7], $0x80, s2, s30, $0xb8;
	[tilespmem:$0x1C400] =	vst v63  }
0x131: {  	_ =	swait.ge [sflag:s15], $0x4000  }
0x132: {  	[sflag:s15] =	ssyncset.done $0x0  }
0x133: {  	[sflag:s15] =	ssyncadd.s32 $0xFFFFC000  }
0x134: {  	_ =	swait.ge [sflag:s16], $0x80  }
0x135: {  	[sflag:s16] =	ssyncset.done $0x0  }
0x136: {  	[sflag:s16] =	ssyncadd.s32 $0xFFFFFF80  }
0x137: {  	_ =	swait.ge [sflag:s16], $0x80  }
0x138: {  	[sflag:s16] =	ssyncset.done $0x0  }
0x139: {  	[sflag:s16] =	ssyncadd.s32 $0xFFFFFF80  }
0x13a: {  	[tilespmem:s11], [sflag:$0x6] =	stream.indirect.gather [hbm4b:s22+s30], $0x80, s8, s30, $0xb8;
	[tilespmem:$0x1C400] =	vst v63  }
0x13b: {  	_ =	swait.ge [sflag:s12], $0x4000  }
0x13c: {  	[sflag:s12] =	ssyncset.done $0x0  }
0x13d: {  	[sflag:s12] =	ssyncadd.s32 $0xFFFFC000  }
0x13e: {  	[spmem:s1] =	stream.indirect.scatter.add.f32 [tilespmem:s11], [sflag:$0x8], $0x80, s9, s30, $0xb8;
	[tilespmem:$0x1C400] =	vst v63  }
0x13f: {  	_ =	swait.ge [sflag:s13], $0x4000  }
0x140: {  	[sflag:s13] =	ssyncset.done $0x0  }
0x141: {  	[sflag:s13] =	ssyncadd.s32 $0xFFFFC000  }
0x142: {  	_ =	swait.ge [sflag:s15], $0x4000  }
0x143: {  	[sflag:s15] =	ssyncset.done $0x0  }
0x144: {  	s17 =	sadd.s32 $0x1, s17;
	[sflag:s15] =	ssyncadd.s32 $0xFFFFC000  }
0x145: {  	p0 =	sne.s32 s17, s28;
	[bflag:$0x0] =	sbarrier.arrive $0xFFFF  }
.Ltmp1:
0x146: {  	s26 =	rddreg [dreg:$0x1b];
	(pc) =	sbr.rel @p0 .LBB2_1-.Ltmp1, $4  }
0x147: {  	[hbm:s26], [sflag:s25] =	dma.local [spmem:s18], $0x2800  }
0x148: {  	_ =	swait.ge [sflag:s4], $0x2800  }
0x149: {  	[sflag:s4] =	ssyncset.done $0x0  }
0x14a: {  	[sflag:s4] =	ssyncadd.s32 $0xFFFFD800  }
0x14b: {  	_ =	sfence.sel $0x180000  }
0x14c: {  	[bflag:$0x0] =	sbarrier.arrive $0xFFFF  }
0x14d: {  	_ =	strace $0x9000004A  }
0x14e: {  	s0 =	stileid.u32;
	[bflag:$0x2] =	sbarrier.arrive $0xFFFF  }
0x14f: {  	p0 =	sne.s32 s0, $0x0;
	s0 =	rddreg [dreg:$0x2]  }
0x150: {  	s0 =	sadd.s32 @!p0 $0x100000, s0  }
0x151: {  	[sflag:s0] =	ssyncadd.tile.s32 @!p0 $0x1;
	_ =	shalt  }
.Lfunc_end2:
_tile_overlayer_lowered:
.L_overlay_start_2:
0x152: {  	(tag) =	ssettag $0x2  }
0x153: {  	s0 =	rddreg [dreg:$0x0];
	s2 =	stileid.u32  }
0x154: {  	s1 =	rddreg [dreg:$0x1];
	p0 =	sne.s32 s2, $0x0  }
0x155: {  	s3 =	rddreg [dreg:$0x2];
	[bflag:$0x3] =	sbarrier.arrive $0xFFFF;
	s2 =	simm.s32 @!p0 $0x1C09  }
0x156: {  	[timem:s3], [sflag:s2] =	dma.local @!p0 [hbm:s0], s1  }
0x157: {  	s0 =	simm.s32 @!p0 $0x9  }
0x158: {  	_ =	swait.ge @!p0 [sflag:s0], s1  }
0x159: {  	s1 =	ssub.s32 @!p0 $0x0, s1;
	[sflag:s0] =	ssyncset.done @!p0 $0x0  }
0x15a: {  	[sflag:s0] =	ssyncadd.s32 @!p0 s1  }
0x15b: {  	[bflag:$0x3] =	sbarrier.arrive $0xFFFF  }
0x15c: {  	_ =	shalt  }

// kernel: kernel.14.cloned.1.call-start
scs
__scs_entry_jumppad:
0x0: {  	(pc) =	sbr.rel $0x88, $3  }
0x1: {  	(tag) =	ssettag $0x0;
	lr =	simm.s32 $0x1  }
0x2: {  	[smem:$0x3F9B] =	sst lr;
	_ =	strace $0xD0000000  }
0x3: {  	_ = 	snop  }
0x4: {  	_ = 	snop  }
0x5: {  	_ = 	snop  }
0x6: {  	_ = 	snop  }
0x7: {  	_ = 	snop  }
__scs_overlays_trampoline_lowered:
0x8: {  	[smem:$0x3FAA] =	sst s0  }
0x9: {  	[smem:$0x3FAB] =	sst s1  }
0xa: {  	[smem:$0x3FAC] =	sst s2  }
0xb: {  	[smem:$0x3FAD] =	sst s3  }
0xc: {  	[smem:$0x3FAE] =	sst s4  }
0xd: {  	[smem:$0x3FAF] =	sst s5  }
0xe: {  	[smem:$0x3FB0] =	sst s6  }
0xf: {  	[smem:$0x3FB1] =	sst s7  }
0x10: {  	[smem:$0x3FB2] =	sst s8  }
0x11: {  	[smem:$0x3FB3] =	sst s9;
	s0 =	simm.s32 @!p0 $0x0  }
0x12: {  	s1 =	sld [smem:$0x3F99];
	s0 =	simm.s32 @p0 $0x1  }
0x13: {  	[smem:$0x3FB4] =	sst s0;
	s0 =	simm.s32 @!p1 $0x0  }
0x14: {  	s2 =	sld [smem:$0x3F98];
	s0 =	simm.s32 @p1 $0x1  }
0x15: {  	[smem:$0x3FB5] =	sst s0;
	s0 =	simm.s32 @!p2 $0x0  }
0x16: {  	s3 =	sld [smem:$0x3FDB];
	s0 =	simm.s32 @p2 $0x1  }
0x17: {  	s4 =	simm.s32 $0x1BF5;
	[smem:$0x3FB7] =	sst s0  }
0x18: {  	s0 =	sld [smem:$0x3F9A];
	_ =	swait.ge [sflag:s4], $0x0  }
0x19: {  	s7 =	sld [smem:$0x3F9B]  }
0x1a: {  	s8 =	sadd.s32 $0xFFFFE003, lr  }
0x1b: {  	s9 =	sadd.s32 $0xFFFFFEF7, lr;
	s5 =	simm.s32 $0xFFFFFFFF;
	p2 =	slt.u32 s8, $0xFFFFF086  }
0x1c: {  	p1 =	slt.u32 s9, $0xF7A;
	s5 =	simm.s32 @!p2 $0x0  }
0x1d: {  	s5 =	simm.s32 @p1 $0x1;
	p0 =	seq.s32 s7, s2  }
0x1e: {  	s7 =	smul.u32 @!p0 $0xF7A, s2;
	p2 =	seq.s32 @!p0 s5, $0x0  }
0x1f: {  	s9 =	smul.u32 $0xF7A, s1;
	s8 =	simm.s32 @!p0 $0x1BF5;
	p2 =	por !p2, p0  }
0x20: {  	[sflag:s8] =	ssyncset.s32 @!p0 $0xFFFFF086;
	s6 =	sadd.s32 @!p0 s3, s7;
	s7 =	simm.s32 @!p0 $0x108  }
0x21: {  	s3 =	sadd.s32 s3, s9;
	s6 =	sadd.s32 @!p0 $0x88, s6;
	s7 =	simm.s32 @p2 $0x1082  }
0x22: {  	[simem:s7], [sflag:s8] =	dma.local @!p0 [hbm:s6], $0xF7A  }
0x23: {  	s9 =	sor.u32 $0xD0000000, s2;
	s6 =	simm.s32 $0x108;
	_ =	swait.ge @!p0 [sflag:s8], $0x0  }
0x24: {  	s3 =	sadd.s32 $0x88, s3;
	s6 =	simm.s32 @!p1 $0x1082;
	[sflag:s4] =	ssyncset.s32 $0xFFFFF086  }
0x25: {  	[simem:s6], [sflag:s4] =	dma.local [hbm:s3], $0xF7A  }
0x26: {  	[smem:$0x3F9B] =	sst s1;
	(tag) =	ssettag s2;
	_ =	strace s9  }
0x27: {  	s1 =	sld [smem:$0x3FAB]  }
0x28: {  	s2 =	sld [smem:$0x3FAC]  }
0x29: {  	s4 =	sld [smem:$0x3FAE]  }
0x2a: {  	p0 =	seq.s32 s5, $0x0;
	s5 =	sld [smem:$0x3FAF]  }
0x2b: {  	s6 =	sld [smem:$0x3FB0]  }
0x2c: {  	s7 =	sld [smem:$0x3FB1]  }
0x2d: {  	s3 =	simm.s32 $0x108;
	s8 =	sld [smem:$0x3FB2]  }
0x2e: {  	s3 =	simm.s32 @!p0 $0x1082;
	s9 =	sld [smem:$0x3FB3]  }
0x2f: {  	lr =	sadd.s32 s0, s3;
	s0 =	sld [smem:$0x3FAA]  }
0x30: {  	s3 =	sld [smem:$0x3FAD]  }
0x31: {  	[smem:$0x3FB6] =	sst s10  }
0x32: {  	s10 =	sld [smem:$0x3FB4];
	_ =	sdelay $0x3  }
0x33: {  	p0 =	seq.s32 s10, $0x1;
	s10 =	sld [smem:$0x3FB6];
	_ =	sdelay $0x3  }
0x34: {  	[smem:$0x3FB6] =	sst s10  }
0x35: {  	s10 =	sld [smem:$0x3FB5];
	_ =	sdelay $0x3  }
0x36: {  	p1 =	seq.s32 s10, $0x1;
	s10 =	sld [smem:$0x3FB6];
	_ =	sdelay $0x3  }
0x37: {  	[smem:$0x3FB6] =	sst s10  }
0x38: {  	s10 =	sld [smem:$0x3FB7]  }
0x39: {  	_ = 	snop;
	(pc) =	sbr.ind lr, $3  }
0x3a: {  	_ = 	snop  }
0x3b: {  	_ = 	snop  }
0x3c: {  	p2 =	seq.s32 s10, $0x1;
	s10 =	sld [smem:$0x3FB6]  }
0x3d: {  	_ =	shalt  }
0x3e: {  	_ =	shalt  }
0x3f: {  	_ =	shalt  }
0x40: {  	_ =	shalt  }
0x41: {  	_ =	shalt  }
0x42: {  	_ =	shalt  }
0x43: {  	_ =	shalt  }
0x44: {  	_ =	shalt  }
0x45: {  	_ =	shalt  }
0x46: {  	_ =	shalt  }
0x47: {  	_ =	shalt  }
0x48: {  	_ =	shalt  }
0x49: {  	_ =	shalt  }
0x4a: {  	_ =	shalt  }
0x4b: {  	_ =	shalt  }
0x4c: {  	_ =	shalt  }
0x4d: {  	_ =	shalt  }
0x4e: {  	_ =	shalt  }
0x4f: {  	_ =	shalt  }
0x50: {  	_ =	shalt  }
0x51: {  	_ =	shalt  }
0x52: {  	_ =	shalt  }
0x53: {  	_ =	shalt  }
0x54: {  	_ =	shalt  }
0x55: {  	_ =	shalt  }
0x56: {  	_ =	shalt  }
0x57: {  	_ =	shalt  }
0x58: {  	_ =	shalt  }
0x59: {  	_ =	shalt  }
0x5a: {  	_ =	shalt  }
0x5b: {  	_ =	shalt  }
0x5c: {  	_ =	shalt  }
0x5d: {  	_ =	shalt  }
0x5e: {  	_ =	shalt  }
0x5f: {  	_ =	shalt  }
0x60: {  	_ =	shalt  }
0x61: {  	_ =	shalt  }
0x62: {  	_ =	shalt  }
0x63: {  	_ =	shalt  }
0x64: {  	_ =	shalt  }
0x65: {  	_ =	shalt  }
0x66: {  	_ =	shalt  }
0x67: {  	_ =	shalt  }
0x68: {  	_ =	shalt  }
0x69: {  	_ =	shalt  }
0x6a: {  	_ =	shalt  }
0x6b: {  	_ =	shalt  }
0x6c: {  	_ =	shalt  }
0x6d: {  	_ =	shalt  }
0x6e: {  	_ =	shalt  }
0x6f: {  	_ =	shalt  }
0x70: {  	_ =	shalt  }
0x71: {  	_ =	shalt  }
0x72: {  	_ =	shalt  }
0x73: {  	_ =	shalt  }
0x74: {  	_ =	shalt  }
0x75: {  	_ =	shalt  }
0x76: {  	_ =	shalt  }
0x77: {  	_ =	shalt  }
0x78: {  	_ =	shalt  }
0x79: {  	_ =	shalt  }
0x7a: {  	_ =	shalt  }
0x7b: {  	_ =	shalt  }
0x7c: {  	_ =	shalt  }
0x7d: {  	_ =	shalt  }
0x7e: {  	_ =	shalt  }
0x7f: {  	_ =	shalt  }
0x80: {  	_ =	shalt  }
0x81: {  	_ =	shalt  }
0x82: {  	_ =	shalt  }
0x83: {  	_ =	shalt  }
0x84: {  	_ =	shalt  }
0x85: {  	_ =	shalt  }
0x86: {  	_ =	shalt  }
0x87: {  	_ =	shalt  }
.Lfunc_end0:
.L_simem_size_0:
called_computation.2_lowered:
.L_overlay_start_0:
0x88: {  	s2 =	sld [smem:$0x3FD9]  }
0x89: {  	s3 =	sld [smem:$0x3FFE];
	_ =	sdelay $0x1  }
0x8a: {  	s1 =	srdreg.scid  }
0x8b: {  	s0 =	sand.u32 $0x1, s1  }
0x8c: {  	s17 =	sshll.u32 s0, $0xA;
	s2 =	sadd.s32 s3, s2  }
0x8d: {  	s2 =	sadd.s32 s2, s17  }
0x8e: {  	[smem:$0x3FC2] =	sst s2  }
0x8f: {  	_ = 	snop  }
0x90: {  	s2 =	sld [smem:$0x3FD0];
	(tm) =	ssettm $0x1  }
0x91: {  	s18 =	sld [smem:$0x3FFB];
	_ =	sdelay $0x3  }
0x92: {  	_ =	strace s18  }
0x93: {  	s3 =	sld [smem:$0x3FFC];
	_ =	sdelay $0x3  }
0x94: {  	_ =	strace s3  }
0x95: {  	s3 =	sld [smem:$0x3FFD];
	_ =	sdelay $0x3  }
0x96: {  	_ =	strace s3  }
0x97: {  	_ =	strace $0x8FFFFFFF  }
0x98: {  	s19 =	sld [smem:$0x3FDB];
	_ =	sdelay $0x1  }
0x99: {  	s4 =	simm.s32 $_scs_section_size  }
0x9a: {  	s5 =	simm.s32 $_size__tile_overlayer_lowered;
	s6 =	simm.s32 $_tile_overlayer_lowered  }
0x9b: {  	s22 =	simm.s32 $0x1BFF;
	s21 =	sshll.u32 s6, $0x1;
	s3 =	sadd.s32 s4, s19  }
0x9c: {  	s7 =	simm.s32 $0x0;
	s20 =	sshll.u32 s5, $0x1;
	s5 =	sadd.s32 s21, s3  }
0x9d: {  	[timem:s7], [sflag:s22] =	dma.local [hbm:s5], s20  }
0x9e: {  	_ =	swait.ge [sflag:s22], s20  }
0x9f: {  	s4 =	ssub.s32 $0x0, s20;
	[sflag:s22] =	ssyncset.done $0x0  }
0xa0: {  	[sflag:s22] =	ssyncadd.s32 s4;
	_ =	sdelay $0x1  }
0xa1: {  	s23 =	simm.s32 $0x1B8B  }
0xa2: {  	_ =	swait.ge [sflag:s23], $0x1  }
0xa3: {  	[sflag:s23] =	ssyncset.done $0x0  }
0xa4: {  	s25 =	simm.s32 $0x1B8E;
	s24 =	sld [smem:$0x3FFE];
	[sflag:s23] =	ssyncadd.s32 $0xFFFFFFFF  }
0xa5: {  	s26 =	simm.s32 $execute0_lowered;
	[smem:$0x3FD2] =	sst s25  }
0xa6: {  	s5 =	sshll.u32 s26, $0x1;
	_ =	strace $0x8000004C;
	[dreg:$0x1] =	wrdreg $0xFFFFFFFF  }
0xa7: {  	s28 =	simm.s32 $_size_execute0_lowered;
	s3 =	sadd.s32 s3, s5;
	[dreg:$0x0] =	wrdreg $0x0  }
0xa8: {  	s5 =	sshll.u32 s28, $0x1;
	[dreg:$0x2] =	wrdreg s3  }
0xa9: {  	[dreg:$0x3] =	wrdreg s5  }
0xaa: {  	[dreg:$0x4] =	wrdreg $0xC0  }
0xab: {  	_ =	task [dreg:s7], $0x5FFFF  }
0xac: {  	[dreg:$0x1] =	wrdreg $0xFFFFFFFF  }
0xad: {  	[dreg:$0x0] =	wrdreg $0x60  }
0xae: {  	[dreg:$0x2] =	wrdreg s2  }
0xaf: {  	[dreg:$0x3] =	wrdreg s24  }
0xb0: {  	[dreg:$0x4] =	wrdreg $0x44000  }
0xb1: {  	[dreg:$0x5] =	wrdreg $0x9  }
0xb2: {  	_ =	task.clear_ibuf [dreg:s7], $0x6FFFF;
	_ =	strace $0x9000004C  }
0xb3: {  	s29 =	simm.s32 $0x9;
	_ =	strace $0x8000004E  }
0xb4: {  	_ =	swait.ge [sflag:s29], $0x1  }
0xb5: {  	[sflag:s29] =	ssyncadd.s32 $0xFFFFFFFF  }
0xb6: {  	_ =	strace $0x9000004E  }
0xb7: {  	_ =	sfence  }
0xb8: {  	s30 =	sld [smem:$0x0];
	_ =	sdelay $0x2  }
0xb9: {  	s31 =	sshll.u32 s1, $0xD;
	s1 =	sshrl.u32 s1, $0x2  }
0xba: {  	s3 =	sand.u32 $0x4000, s31;
	s1 =	sadd.s32 s1, s30  }
0xbb: {  	s0 =	sor.u32 s3, s0;
	s1 =	sshll.u32 s1, $0x11  }
0xbc: {  	s0 =	sor.u32 s1, s0  }
0xbd: {  	s0 =	sadd.s32 $0x8F2B, s0  }
0xbe: {  	[sflag:s0] =	ssyncadd.remote.s32 $0x1  }
0xbf: {  	_ =	sfence.sel $0xFFFF  }
0xc0: {  	[dreg:$0x0] =	wrdreg $0xFFFFFFFF;
	(pc) =	sbr.abs _section_cstart, $3  }
0xc1: {  	[dreg:$0x1] =	wrdreg $0xFFFFFFFF  }
0xc2: {  	_ =	task.clear_ibuf [dreg:s7], $0x2FFFF;
	_ =	strace $0x9FFFFFFF  }
0xc3: {  	(tm) =	ssettm $0x7FFFFFFF  }
tec
execute0_lowered:
.L_overlay_start_1:
0x0: {  	(tag) =	ssettag $0x1  }
0x1: {  	s1 =	rddreg [dreg:$0x0]  }
0x2: {  	s2 =	rddreg [dreg:$0x1]  }
0x3: {  	s3 =	rddreg [dreg:$0x2]  }
0x4: {  	s4 =	simm.s32 $0x0;
	s15 =	stileid.u32;
	s5 =	srdreg.scid  }
0x5: {  	s29 =	simm.s32 $0x200;
	s30 =	simm.s32 $0x80;
	s31 =	simm.s32 $0x280  }
0x6: {  	[smem:$0x7FF] =	sst s4;
	s0 =	smul.u32 $0xA000, s15;
	s5 =	sand.u32 $0x1, s5  }
0x7: {  	s7 =	sadd.s32 $0xBC00, s2;
	s8 =	sadd.s32 $0x1C00, s2;
	s12 =	smul.u32 $0x2800, s15  }
0x8: {  	_ =	strace $0x8000004D;
	s6 =	smul.u32 $0xA0000, s5;
	s9 =	sshll.u32 s5, $0x4  }
0x9: {  	s11 =	ssub.s32 $0x2, s5;
	s5 =	smul.u32 $0x28000, s5;
	s10 =	sshrl.u32 s0, $0x3  }
0xa: {  	s9 =	sor.u32 s15, s9;
	s24 =	sshrl.u32 s11, $0x1;
	s6 =	sadd.s32 s0, s6  }
0xb: {  	s9 =	smul.u32 $0x2800, s9;
	s10 =	sadd.s32 s10, s2;
	s5 =	sadd.s32 s12, s5  }
0xc: {  	s0 =	sadd.s32 s0, s3;
	s6 =	sshrl.u32 s6, $0x3;
	s19 =	sor.u32 $0x500, s5  }
0xd: {  	[dreg:$0x1a] =	wrdreg s0;
	s0 =	simm.s32 $0x100;
	s9 =	sshrl.u32 s9, $0x3  }
0xe: {  	s2 =	sadd.s32 s6, s2;
	s25 =	sadd.s32 s7, s9;
	s26 =	sor.u32 $0x10, s9  }
0xf: {  	s6 =	ssub.s32 s11, s24;
	[dreg:$0xa] =	wrdreg s25;
	s13 =	sadd.s32 s7, s26  }
0x10: {  	s14 =	sor.u32 $0x20, s9;
	s11 =	sadd.s32 s8, s26;
	[dreg:$0xb] =	wrdreg s13  }
0x11: {  	s17 =	sor.u32 $0x30, s9;
	s16 =	sadd.s32 s7, s14;
	[dreg:$0xc] =	wrdreg s11  }
0x12: {  	s21 =	sor.u32 $0x40, s9;
	s18 =	sadd.s32 s7, s17;
	[dreg:$0xd] =	wrdreg s16  }
0x13: {  	s28 =	smax.u32 s6, $0x1;
	s20 =	sadd.s32 s8, s17;
	[dreg:$0xf] =	wrdreg s18  }
0x14: {  	s6 =	simm.s32 $0x1;
	s22 =	sadd.s32 s7, s21;
	[dreg:$0x10] =	wrdreg s20  }
0x15: {  	s12 =	sadd.s32 s8, s21;
	s26 =	sor.u32 $0x50, s9;
	[dreg:$0x11] =	wrdreg s22  }
0x16: {  	s11 =	sadd.s32 s8, s14;
	s14 =	sor.u32 $0x480, s5;
	[dreg:$0x12] =	wrdreg s12  }
0x17: {  	s16 =	sor.u32 $0x400, s5;
	s17 =	sadd.s32 s7, s26;
	s12 =	sadd.s32 s8, s26  }
0x18: {  	s22 =	sadd.s32 s8, s9;
	s5 =	sor.u32 $0x380, s5;
	[dreg:$0xe] =	wrdreg s11  }
0x19: {  	s26 =	sadd.s32 $0x29C00, s2;
	s2 =	simm.s32 $0x300;
	[dreg:$0x13] =	wrdreg s17  }
0x1a: {  	s11 =	sshrl.u32 s19, $0x3;
	s24 =	sshrl.u32 s14, $0x3;
	[dreg:$0x14] =	wrdreg s12  }
0x1b: {  	s19 =	sor.u32 $0x60, s9;
	[dreg:$0x17] =	wrdreg s22;
	s9 =	sadd.s32 $0x4F0, s9  }
0x1c: {  	s5 =	sshrl.u32 s5, $0x3;
	[dreg:$0x1c] =	wrdreg s26;
	s23 =	sadd.s32 s11, s8  }
0x1d: {  	s12 =	simm.s32 $0x2400;
	s11 =	sadd.s32 s11, s7;
	[dreg:$0x4] =	wrdreg s23  }
0x1e: {  	s14 =	simm.s32 $0x7;
	s25 =	sadd.s32 s24, s8;
	[dreg:$0x5] =	wrdreg s11  }
0x1f: {  	s17 =	simm.s32 $0x4;
	s13 =	sadd.s32 s24, s7;
	[dreg:$0x6] =	wrdreg s25  }
0x20: {  	s20 =	sadd.s32 s7, s19;
	s21 =	sadd.s32 s8, s19;
	[dreg:$0x7] =	wrdreg s13  }
0x21: {  	s22 =	sadd.s32 s5, s7;
	s24 =	sshll.u32 s15, $0x6;
	[dreg:$0x15] =	wrdreg s20  }
0x22: {  	s15 =	simm.s32 $0x3;
	s11 =	sshrl.u32 s16, $0x3;
	[dreg:$0x16] =	wrdreg s21  }
0x23: {  	s23 =	sadd.s32 s7, s9;
	s9 =	sadd.s32 s8, s9;
	s21 =	sadd.s32 s5, s8  }
0x24: {  	s25 =	sadd.s32 $0x15C00, s10;
	s5 =	simm.s32 $0x9;
	s10 =	simm.s32 $0x380  }
0x25: {  	s13 =	simm.s32 $0x6;
	s16 =	simm.s32 $0x8;
	[dreg:$0x18] =	wrdreg s23  }
0x26: {  	s18 =	sadd.s32 s11, s8;
	s11 =	sadd.s32 s11, s7;
	[dreg:$0x19] =	wrdreg s9  }
0x27: {  	[dreg:$0x1b] =	wrdreg s25;
	s25 =	sor.u32 $0x1C09, s24;
	s7 =	simm.s32 $0x400  }
0x28: {  	s8 =	simm.s32 $0x5;
	s9 =	simm.s32 $0x180;
	[dreg:$0x8] =	wrdreg s18  }
0x29: {  	[dreg:$0x9] =	wrdreg s11;
	s11 =	simm.s32 $0x2;
	s18 =	simm.s32 $0x0  }
.LBB2_1:
0x2a: {  	s19 =	rddreg [dreg:$0xa]  }
0x2b: {  	s26 =	rddreg [dreg:$0x17]  }
0x2c: {  	s20 =	rddreg [dreg:$0xb]  }
0x2d: {  	[tilespmem:s4], [sflag:$0x1] =	stream.linear.gather [hbm4b:s19+s4], $0x80, $0x38;
	[tilespmem:$0xE400] =	vst v63  }
0x2e: {  	s23 =	rddreg [dreg:$0xc]  }
0x2f: {  	[tilespmem:s29], [sflag:$0x1] =	stream.linear.gather [hbm4b:s26+s4], $0x80, $0x38;
	[tilespmem:$0xE400] =	vst v63  }
0x30: {  	s24 =	rddreg [dreg:$0xd]  }
0x31: {  	[tilespmem:s30], [sflag:$0x2] =	stream.linear.gather [hbm4b:s20+s4], $0x80, $0x38;
	[tilespmem:$0xE400] =	vst v63  }
0x32: {  	s26 =	rddreg [dreg:$0xe]  }
0x33: {  	[tilespmem:s31], [sflag:$0x2] =	stream.linear.gather [hbm4b:s23+s4], $0x80, $0x38;
	[tilespmem:$0xE400] =	vst v63  }
0x34: {  	s20 =	rddreg [dreg:$0x1a]  }
0x35: {  	[tilespmem:s0], [sflag:$0x3] =	stream.linear.gather [hbm4b:s24+s4], $0x80, $0x38;
	[tilespmem:$0xE400] =	vst v63  }
0x36: {  	s19 =	sshrl.u32 s20, $0x3;
	s20 =	rddreg [dreg:$0x1b]  }
0x37: {  	[tilespmem:s2], [sflag:$0x3] =	stream.linear.gather [hbm4b:s26+s4], $0x80, $0x38;
	[tilespmem:$0xE400] =	vst v63  }
0x38: {  	[spmem:s19], [sflag:s25] =	dma.local [hbm:s20], $0x1400  }
0x39: {  	_ =	swait.ge [sflag:s5], $0x1400  }
0x3a: {  	[sflag:s5] =	ssyncset.done $0x0  }
0x3b: {  	[sflag:s5] =	ssyncadd.s32 $0xFFFFEC00  }
0x3c: {  	[bflag:$0x0] =	sbarrier.arrive $0xFFFF  }
0x3d: {  	_ =	swait.ge [sflag:s6], $0x80  }
0x3e: {  	[sflag:s6] =	ssyncset.done $0x0  }
0x3f: {  	[sflag:s6] =	ssyncadd.s32 $0xFFFFFF80  }
0x40: {  	_ =	swait.ge [sflag:s6], $0x80  }
0x41: {  	[sflag:s6] =	ssyncset.done $0x0  }
0x42: {  	[sflag:s6] =	ssyncadd.s32 $0xFFFFFF80  }
0x43: {  	[tilespmem:s7], [sflag:$0x5] =	stream.indirect.gather [hbm4b:s1+s30], $0x40, s4, s30, $0xb8;
	[tilespmem:$0xE400] =	vst v63  }
0x44: {  	_ =	swait.ge [sflag:s8], $0x2000  }
0x45: {  	[sflag:s8] =	ssyncset.done $0x0  }
0x46: {  	[sflag:s8] =	ssyncadd.s32 $0xFFFFE000  }
0x47: {  	[spmem:s3] =	stream.indirect.scatter.add.f32 [tilespmem:s7], [sflag:$0x7], $0x40, s29, s30, $0xb8;
	[tilespmem:$0xE400] =	vst v63  }
0x48: {  	s23 =	rddreg [dreg:$0xf]  }
0x49: {  	[tilespmem:s9], [sflag:$0x4] =	stream.linear.gather [hbm4b:s23+s4], $0x80, $0x38;
	[tilespmem:$0xE400] =	vst v63  }
0x4a: {  	s24 =	rddreg [dreg:$0x10]  }
0x4b: {  	[tilespmem:s10], [sflag:$0x4] =	stream.linear.gather [hbm4b:s24+s4], $0x80, $0x38;
	[tilespmem:$0xE400] =	vst v63  }
0x4c: {  	_ =	swait.ge [sflag:s11], $0x80  }
0x4d: {  	[sflag:s11] =	ssyncset.done $0x0  }
0x4e: {  	[sflag:s11] =	ssyncadd.s32 $0xFFFFFF80  }
0x4f: {  	_ =	swait.ge [sflag:s11], $0x80  }
0x50: {  	[sflag:s11] =	ssyncset.done $0x0  }
0x51: {  	[sflag:s11] =	ssyncadd.s32 $0xFFFFFF80  }
0x52: {  	[tilespmem:s12], [sflag:$0x6] =	stream.indirect.gather [hbm4b:s1+s30], $0x40, s30, s30, $0xb8;
	[tilespmem:$0xE400] =	vst v63  }
0x53: {  	_ =	swait.ge [sflag:s13], $0x2000  }
0x54: {  	[sflag:s13] =	ssyncset.done $0x0  }
0x55: {  	[sflag:s13] =	ssyncadd.s32 $0xFFFFE000  }
0x56: {  	[spmem:s3] =	stream.indirect.scatter.add.f32 [tilespmem:s12], [sflag:$0x8], $0x40, s31, s30, $0xb8;
	[tilespmem:$0xE400] =	vst v63  }
0x57: {  	_ =	swait.ge [sflag:s14], $0x2000  }
0x58: {  	[sflag:s14] =	ssyncset.done $0x0  }
0x59: {  	s26 =	rddreg [dreg:$0x11];
	[sflag:s14] =	ssyncadd.s32 $0xFFFFE000  }
0x5a: {  	[tilespmem:s4], [sflag:$0x1] =	stream.linear.gather [hbm4b:s26+s4], $0x80, $0x38;
	[tilespmem:$0xE400] =	vst v63  }
0x5b: {  	s23 =	rddreg [dreg:$0x12]  }
0x5c: {  	[tilespmem:s29], [sflag:$0x1] =	stream.linear.gather [hbm4b:s23+s4], $0x80, $0x38;
	[tilespmem:$0xE400] =	vst v63  }
0x5d: {  	_ =	swait.ge [sflag:s15], $0x80  }
0x5e: {  	[sflag:s15] =	ssyncset.done $0x0  }
0x5f: {  	[sflag:s15] =	ssyncadd.s32 $0xFFFFFF80  }
0x60: {  	_ =	swait.ge [sflag:s15], $0x80  }
0x61: {  	[sflag:s15] =	ssyncset.done $0x0  }
0x62: {  	[sflag:s15] =	ssyncadd.s32 $0xFFFFFF80  }
0x63: {  	[tilespmem:s7], [sflag:$0x5] =	stream.indirect.gather [hbm4b:s1+s30], $0x40, s0, s30, $0xb8;
	[tilespmem:$0xE400] =	vst v63  }
0x64: {  	_ =	swait.ge [sflag:s8], $0x2000  }
0x65: {  	[sflag:s8] =	ssyncset.done $0x0  }
0x66: {  	[sflag:s8] =	ssyncadd.s32 $0xFFFFE000  }
0x67: {  	[spmem:s3] =	stream.indirect.scatter.add.f32 [tilespmem:s7], [sflag:$0x7], $0x40, s2, s30, $0xb8;
	[tilespmem:$0xE400] =	vst v63  }
0x68: {  	_ =	swait.ge [sflag:s16], $0x2000  }
0x69: {  	[sflag:s16] =	ssyncset.done $0x0  }
0x6a: {  	s24 =	rddreg [dreg:$0x13];
	[sflag:s16] =	ssyncadd.s32 $0xFFFFE000  }
0x6b: {  	[tilespmem:s30], [sflag:$0x2] =	stream.linear.gather [hbm4b:s24+s4], $0x80, $0x38;
	[tilespmem:$0xE400] =	vst v63  }
0x6c: {  	s26 =	rddreg [dreg:$0x14]  }
0x6d: {  	[tilespmem:s31], [sflag:$0x2] =	stream.linear.gather [hbm4b:s26+s4], $0x80, $0x38;
	[tilespmem:$0xE400] =	vst v63  }
0x6e: {  	_ =	swait.ge [sflag:s17], $0x80  }
0x6f: {  	[sflag:s17] =	ssyncset.done $0x0  }
0x70: {  	[sflag:s17] =	ssyncadd.s32 $0xFFFFFF80  }
0x71: {  	_ =	swait.ge [sflag:s17], $0x80  }
0x72: {  	[sflag:s17] =	ssyncset.done $0x0  }
0x73: {  	[sflag:s17] =	ssyncadd.s32 $0xFFFFFF80  }
0x74: {  	[tilespmem:s12], [sflag:$0x6] =	stream.indirect.gather [hbm4b:s1+s30], $0x40, s9, s30, $0xb8;
	[tilespmem:$0xE400] =	vst v63  }
0x75: {  	_ =	swait.ge [sflag:s13], $0x2000  }
0x76: {  	[sflag:s13] =	ssyncset.done $0x0  }
0x77: {  	[sflag:s13] =	ssyncadd.s32 $0xFFFFE000  }
0x78: {  	[spmem:s3] =	stream.indirect.scatter.add.f32 [tilespmem:s12], [sflag:$0x8], $0x40, s10, s30, $0xb8;
	[tilespmem:$0xE400] =	vst v63  }
0x79: {  	_ =	swait.ge [sflag:s14], $0x2000  }
0x7a: {  	[sflag:s14] =	ssyncset.done $0x0  }
0x7b: {  	s23 =	rddreg [dreg:$0x15];
	[sflag:s14] =	ssyncadd.s32 $0xFFFFE000  }
0x7c: {  	[tilespmem:s0], [sflag:$0x3] =	stream.linear.gather [hbm4b:s23+s4], $0x80, $0x38;
	[tilespmem:$0xE400] =	vst v63  }
0x7d: {  	s24 =	rddreg [dreg:$0x16]  }
0x7e: {  	[tilespmem:s2], [sflag:$0x3] =	stream.linear.gather [hbm4b:s24+s4], $0x80, $0x38;
	[tilespmem:$0xE400] =	vst v63  }
0x7f: {  	_ =	swait.ge [sflag:s6], $0x80  }
0x80: {  	[sflag:s6] =	ssyncset.done $0x0  }
0x81: {  	[sflag:s6] =	ssyncadd.s32 $0xFFFFFF80  }
0x82: {  	_ =	swait.ge [sflag:s6], $0x80  }
0x83: {  	[sflag:s6] =	ssyncset.done $0x0  }
0x84: {  	[sflag:s6] =	ssyncadd.s32 $0xFFFFFF80  }
0x85: {  	[tilespmem:s7], [sflag:$0x5] =	stream.indirect.gather [hbm4b:s1+s30], $0x40, s4, s30, $0xb8;
	[tilespmem:$0xE400] =	vst v63  }
0x86: {  	_ =	swait.ge [sflag:s8], $0x2000  }
0x87: {  	[sflag:s8] =	ssyncset.done $0x0  }
0x88: {  	[sflag:s8] =	ssyncadd.s32 $0xFFFFE000  }
0x89: {  	[spmem:s3] =	stream.indirect.scatter.add.f32 [tilespmem:s7], [sflag:$0x7], $0x40, s29, s30, $0xb8;
	[tilespmem:$0xE400] =	vst v63  }
0x8a: {  	_ =	swait.ge [sflag:s16], $0x2000  }
0x8b: {  	[sflag:s16] =	ssyncset.done $0x0  }
0x8c: {  	s26 =	sadd.s32 $0x0, s22;
	[sflag:s16] =	ssyncadd.s32 $0xFFFFE000  }
0x8d: {  	[tilespmem:s9], [sflag:$0x4] =	stream.linear.gather [hbm4b:s26+s4], $0x80, $0x38;
	[tilespmem:$0xE400] =	vst v63  }
0x8e: {  	s23 =	sadd.s32 $0x0, s21  }
0x8f: {  	[tilespmem:s10], [sflag:$0x4] =	stream.linear.gather [hbm4b:s23+s4], $0x80, $0x38;
	[tilespmem:$0xE400] =	vst v63  }
0x90: {  	_ =	swait.ge [sflag:s11], $0x80  }
0x91: {  	[sflag:s11] =	ssyncset.done $0x0  }
0x92: {  	[sflag:s11] =	ssyncadd.s32 $0xFFFFFF80  }
0x93: {  	_ =	swait.ge [sflag:s11], $0x80  }
0x94: {  	[sflag:s11] =	ssyncset.done $0x0  }
0x95: {  	[sflag:s11] =	ssyncadd.s32 $0xFFFFFF80  }
0x96: {  	[tilespmem:s12], [sflag:$0x6] =	stream.indirect.gather [hbm4b:s1+s30], $0x40, s30, s30, $0xb8;
	[tilespmem:$0xE400] =	vst v63  }
0x97: {  	_ =	swait.ge [sflag:s13], $0x2000  }
0x98: {  	[sflag:s13] =	ssyncset.done $0x0  }
0x99: {  	[sflag:s13] =	ssyncadd.s32 $0xFFFFE000  }
0x9a: {  	[spmem:s3] =	stream.indirect.scatter.add.f32 [tilespmem:s12], [sflag:$0x8], $0x40, s31, s30, $0xb8;
	[tilespmem:$0xE400] =	vst v63  }
0x9b: {  	_ =	swait.ge [sflag:s14], $0x2000  }
0x9c: {  	s24 =	rddreg [dreg:$0x9];
	[sflag:s14] =	ssyncset.done $0x0  }
0x9d: {  	s23 =	rddreg [dreg:$0x8];
	[sflag:s14] =	ssyncadd.s32 $0xFFFFE000;
	s20 =	sadd.s32 $0x0, s24  }
0x9e: {  	[tilespmem:s4], [sflag:$0x1] =	stream.linear.gather [hbm4b:s20+s4], $0x80, $0x38;
	[tilespmem:$0xE400] =	vst v63  }
0x9f: {  	s26 =	sadd.s32 $0x0, s23  }
0xa0: {  	[tilespmem:s29], [sflag:$0x1] =	stream.linear.gather [hbm4b:s26+s4], $0x80, $0x38;
	[tilespmem:$0xE400] =	vst v63  }
0xa1: {  	_ =	swait.ge [sflag:s15], $0x80  }
0xa2: {  	[sflag:s15] =	ssyncset.done $0x0  }
0xa3: {  	[sflag:s15] =	ssyncadd.s32 $0xFFFFFF80  }
0xa4: {  	_ =	swait.ge [sflag:s15], $0x80  }
0xa5: {  	[sflag:s15] =	ssyncset.done $0x0  }
0xa6: {  	[sflag:s15] =	ssyncadd.s32 $0xFFFFFF80  }
0xa7: {  	[tilespmem:s7], [sflag:$0x5] =	stream.indirect.gather [hbm4b:s1+s30], $0x40, s0, s30, $0xb8;
	[tilespmem:$0xE400] =	vst v63  }
0xa8: {  	_ =	swait.ge [sflag:s8], $0x2000  }
0xa9: {  	[sflag:s8] =	ssyncset.done $0x0  }
0xaa: {  	[sflag:s8] =	ssyncadd.s32 $0xFFFFE000  }
0xab: {  	[spmem:s3] =	stream.indirect.scatter.add.f32 [tilespmem:s7], [sflag:$0x7], $0x40, s2, s30, $0xb8;
	[tilespmem:$0xE400] =	vst v63  }
0xac: {  	_ =	swait.ge [sflag:s16], $0x2000  }
0xad: {  	s23 =	rddreg [dreg:$0x7];
	[sflag:s16] =	ssyncset.done $0x0  }
0xae: {  	s24 =	rddreg [dreg:$0x6];
	[sflag:s16] =	ssyncadd.s32 $0xFFFFE000;
	s20 =	sadd.s32 $0x0, s23  }
0xaf: {  	[tilespmem:s30], [sflag:$0x2] =	stream.linear.gather [hbm4b:s20+s4], $0x80, $0x38;
	[tilespmem:$0xE400] =	vst v63  }
0xb0: {  	s26 =	sadd.s32 $0x0, s24  }
0xb1: {  	[tilespmem:s31], [sflag:$0x2] =	stream.linear.gather [hbm4b:s26+s4], $0x80, $0x38;
	[tilespmem:$0xE400] =	vst v63  }
0xb2: {  	_ =	swait.ge [sflag:s17], $0x80  }
0xb3: {  	[sflag:s17] =	ssyncset.done $0x0  }
0xb4: {  	[sflag:s17] =	ssyncadd.s32 $0xFFFFFF80  }
0xb5: {  	_ =	swait.ge [sflag:s17], $0x80  }
0xb6: {  	[sflag:s17] =	ssyncset.done $0x0  }
0xb7: {  	[sflag:s17] =	ssyncadd.s32 $0xFFFFFF80  }
0xb8: {  	[tilespmem:s12], [sflag:$0x6] =	stream.indirect.gather [hbm4b:s1+s30], $0x40, s9, s30, $0xb8;
	[tilespmem:$0xE400] =	vst v63  }
0xb9: {  	_ =	swait.ge [sflag:s13], $0x2000  }
0xba: {  	[sflag:s13] =	ssyncset.done $0x0  }
0xbb: {  	[sflag:s13] =	ssyncadd.s32 $0xFFFFE000  }
0xbc: {  	[spmem:s3] =	stream.indirect.scatter.add.f32 [tilespmem:s12], [sflag:$0x8], $0x40, s10, s30, $0xb8;
	[tilespmem:$0xE400] =	vst v63  }
0xbd: {  	_ =	swait.ge [sflag:s14], $0x2000  }
0xbe: {  	s23 =	rddreg [dreg:$0x5];
	[sflag:s14] =	ssyncset.done $0x0  }
0xbf: {  	s24 =	rddreg [dreg:$0x4];
	[sflag:s14] =	ssyncadd.s32 $0xFFFFE000;
	s20 =	sadd.s32 $0x0, s23  }
0xc0: {  	[tilespmem:s0], [sflag:$0x3] =	stream.linear.gather [hbm4b:s20+s4], $0x80, $0x38;
	[tilespmem:$0xE400] =	vst v63  }
0xc1: {  	s26 =	sadd.s32 $0x0, s24  }
0xc2: {  	[tilespmem:s2], [sflag:$0x3] =	stream.linear.gather [hbm4b:s26+s4], $0x80, $0x38;
	[tilespmem:$0xE400] =	vst v63  }
0xc3: {  	_ =	swait.ge [sflag:s6], $0x80  }
0xc4: {  	[sflag:s6] =	ssyncset.done $0x0  }
0xc5: {  	[sflag:s6] =	ssyncadd.s32 $0xFFFFFF80  }
0xc6: {  	_ =	swait.ge [sflag:s6], $0x80  }
0xc7: {  	[sflag:s6] =	ssyncset.done $0x0  }
0xc8: {  	s20 =	simm.s32 $0x40;
	[sflag:s6] =	ssyncadd.s32 $0xFFFFFF80  }
.LBB2_2:
0xc9: {  	[tilespmem:s7], [sflag:$0x5] =	stream.indirect.gather [hbm4b:s1+s30], $0x40, s4, s30, $0xb8;
	[tilespmem:$0xE400] =	vst v63  }
0xca: {  	_ =	swait.ge [sflag:s8], $0x2000  }
0xcb: {  	[sflag:s8] =	ssyncset.done $0x0  }
0xcc: {  	[sflag:s8] =	ssyncadd.s32 $0xFFFFE000  }
0xcd: {  	[spmem:s3] =	stream.indirect.scatter.add.f32 [tilespmem:s7], [sflag:$0x7], $0x40, s29, s30, $0xb8;
	[tilespmem:$0xE400] =	vst v63  }
0xce: {  	_ =	swait.ge [sflag:s16], $0x2000  }
0xcf: {  	s23 =	smov.u32 s20;
	[sflag:s16] =	ssyncset.done $0x0  }
0xd0: {  	s24 =	sadd.s32 s23, s22;
	[sflag:s16] =	ssyncadd.s32 $0xFFFFE000  }
0xd1: {  	[tilespmem:s9], [sflag:$0x4] =	stream.linear.gather [hbm4b:s24+s4], $0x80, $0x38;
	[tilespmem:$0xE400] =	vst v63  }
0xd2: {  	s26 =	sadd.s32 s23, s21  }
0xd3: {  	[tilespmem:s10], [sflag:$0x4] =	stream.linear.gather [hbm4b:s26+s4], $0x80, $0x38;
	[tilespmem:$0xE400] =	vst v63  }
0xd4: {  	_ =	swait.ge [sflag:s11], $0x80  }
0xd5: {  	[sflag:s11] =	ssyncset.done $0x0  }
0xd6: {  	[sflag:s11] =	ssyncadd.s32 $0xFFFFFF80  }
0xd7: {  	_ =	swait.ge [sflag:s11], $0x80  }
0xd8: {  	[sflag:s11] =	ssyncset.done $0x0  }
0xd9: {  	[sflag:s11] =	ssyncadd.s32 $0xFFFFFF80  }
0xda: {  	[tilespmem:s12], [sflag:$0x6] =	stream.indirect.gather [hbm4b:s1+s30], $0x40, s30, s30, $0xb8;
	[tilespmem:$0xE400] =	vst v63  }
0xdb: {  	_ =	swait.ge [sflag:s13], $0x2000  }
0xdc: {  	[sflag:s13] =	ssyncset.done $0x0  }
0xdd: {  	[sflag:s13] =	ssyncadd.s32 $0xFFFFE000  }
0xde: {  	[spmem:s3] =	stream.indirect.scatter.add.f32 [tilespmem:s12], [sflag:$0x8], $0x40, s31, s30, $0xb8;
	[tilespmem:$0xE400] =	vst v63  }
0xdf: {  	_ =	swait.ge [sflag:s14], $0x2000  }
0xe0: {  	s24 =	rddreg [dreg:$0x9];
	[sflag:s14] =	ssyncset.done $0x0  }
0xe1: {  	s26 =	rddreg [dreg:$0x8];
	[sflag:s14] =	ssyncadd.s32 $0xFFFFE000;
	s24 =	sadd.s32 s23, s24  }
0xe2: {  	[tilespmem:s4], [sflag:$0x1] =	stream.linear.gather [hbm4b:s24+s4], $0x80, $0x38;
	[tilespmem:$0xE400] =	vst v63  }
0xe3: {  	s26 =	sadd.s32 s23, s26  }
0xe4: {  	[tilespmem:s29], [sflag:$0x1] =	stream.linear.gather [hbm4b:s26+s4], $0x80, $0x38;
	[tilespmem:$0xE400] =	vst v63  }
0xe5: {  	_ =	swait.ge [sflag:s15], $0x80  }
0xe6: {  	[sflag:s15] =	ssyncset.done $0x0  }
0xe7: {  	[sflag:s15] =	ssyncadd.s32 $0xFFFFFF80  }
0xe8: {  	_ =	swait.ge [sflag:s15], $0x80  }
0xe9: {  	[sflag:s15] =	ssyncset.done $0x0  }
0xea: {  	[sflag:s15] =	ssyncadd.s32 $0xFFFFFF80  }
0xeb: {  	[tilespmem:s7], [sflag:$0x5] =	stream.indirect.gather [hbm4b:s1+s30], $0x40, s0, s30, $0xb8;
	[tilespmem:$0xE400] =	vst v63  }
0xec: {  	_ =	swait.ge [sflag:s8], $0x2000  }
0xed: {  	[sflag:s8] =	ssyncset.done $0x0  }
0xee: {  	[sflag:s8] =	ssyncadd.s32 $0xFFFFE000  }
0xef: {  	[spmem:s3] =	stream.indirect.scatter.add.f32 [tilespmem:s7], [sflag:$0x7], $0x40, s2, s30, $0xb8;
	[tilespmem:$0xE400] =	vst v63  }
0xf0: {  	_ =	swait.ge [sflag:s16], $0x2000  }
0xf1: {  	s24 =	rddreg [dreg:$0x7];
	[sflag:s16] =	ssyncset.done $0x0  }
0xf2: {  	s26 =	rddreg [dreg:$0x6];
	[sflag:s16] =	ssyncadd.s32 $0xFFFFE000;
	s24 =	sadd.s32 s23, s24  }
0xf3: {  	[tilespmem:s30], [sflag:$0x2] =	stream.linear.gather [hbm4b:s24+s4], $0x80, $0x38;
	[tilespmem:$0xE400] =	vst v63  }
0xf4: {  	s26 =	sadd.s32 s23, s26  }
0xf5: {  	[tilespmem:s31], [sflag:$0x2] =	stream.linear.gather [hbm4b:s26+s4], $0x80, $0x38;
	[tilespmem:$0xE400] =	vst v63  }
0xf6: {  	_ =	swait.ge [sflag:s17], $0x80  }
0xf7: {  	[sflag:s17] =	ssyncset.done $0x0  }
0xf8: {  	[sflag:s17] =	ssyncadd.s32 $0xFFFFFF80  }
0xf9: {  	_ =	swait.ge [sflag:s17], $0x80  }
0xfa: {  	[sflag:s17] =	ssyncset.done $0x0  }
0xfb: {  	[sflag:s17] =	ssyncadd.s32 $0xFFFFFF80  }
0xfc: {  	[tilespmem:s12], [sflag:$0x6] =	stream.indirect.gather [hbm4b:s1+s30], $0x40, s9, s30, $0xb8;
	[tilespmem:$0xE400] =	vst v63  }
0xfd: {  	_ =	swait.ge [sflag:s13], $0x2000  }
0xfe: {  	[sflag:s13] =	ssyncset.done $0x0  }
0xff: {  	[sflag:s13] =	ssyncadd.s32 $0xFFFFE000  }
0x100: {  	[spmem:s3] =	stream.indirect.scatter.add.f32 [tilespmem:s12], [sflag:$0x8], $0x40, s10, s30, $0xb8;
	[tilespmem:$0xE400] =	vst v63  }
0x101: {  	_ =	swait.ge [sflag:s14], $0x2000  }
0x102: {  	s24 =	rddreg [dreg:$0x5];
	[sflag:s14] =	ssyncset.done $0x0  }
0x103: {  	s26 =	rddreg [dreg:$0x4];
	[sflag:s14] =	ssyncadd.s32 $0xFFFFE000;
	s24 =	sadd.s32 s23, s24  }
0x104: {  	[tilespmem:s0], [sflag:$0x3] =	stream.linear.gather [hbm4b:s24+s4], $0x80, $0x38;
	[tilespmem:$0xE400] =	vst v63  }
0x105: {  	s23 =	sadd.s32 s23, s26  }
0x106: {  	[tilespmem:s2], [sflag:$0x3] =	stream.linear.gather [hbm4b:s23+s4], $0x80, $0x38;
	[tilespmem:$0xE400] =	vst v63  }
0x107: {  	p0 =	sne.s32 s20, $0x440;
	_ =	swait.ge [sflag:s6], $0x80  }
.Ltmp0:
0x108: {  	[sflag:s6] =	ssyncset.done $0x0;
	(pc) =	sbr.rel @p0 .LBB2_2-.Ltmp0, $4  }
0x109: {  	[sflag:s6] =	ssyncadd.s32 $0xFFFFFF80  }
0x10a: {  	_ =	swait.ge [sflag:s6], $0x80  }
0x10b: {  	[sflag:s6] =	ssyncset.done $0x0  }
0x10c: {  	s20 =	sadd.s32 $0x40, s20;
	[sflag:s6] =	ssyncadd.s32 $0xFFFFFF80  }
0x10d: {  	[tilespmem:s7], [sflag:$0x5] =	stream.indirect.gather [hbm4b:s1+s30], $0x40, s4, s30, $0xb8;
	[tilespmem:$0xE400] =	vst v63  }
0x10e: {  	_ =	swait.ge [sflag:s8], $0x2000  }
0x10f: {  	[sflag:s8] =	ssyncset.done $0x0  }
0x110: {  	[sflag:s8] =	ssyncadd.s32 $0xFFFFE000  }
0x111: {  	[spmem:s3] =	stream.indirect.scatter.add.f32 [tilespmem:s7], [sflag:$0x7], $0x40, s29, s30, $0xb8;
	[tilespmem:$0xE400] =	vst v63  }
0x112: {  	_ =	swait.ge [sflag:s16], $0x2000  }
0x113: {  	[sflag:s16] =	ssyncset.done $0x0  }
0x114: {  	s20 =	rddreg [dreg:$0x18];
	[sflag:s16] =	ssyncadd.s32 $0xFFFFE000  }
0x115: {  	[tilespmem:s9], [sflag:$0x4] =	stream.linear.gather [hbm4b:s20+s4], $0x80, $0x38;
	[tilespmem:$0xE400] =	vst v63  }
0x116: {  	s24 =	rddreg [dreg:$0x19]  }
0x117: {  	[tilespmem:s10], [sflag:$0x4] =	stream.linear.gather [hbm4b:s24+s4], $0x80, $0x38;
	[tilespmem:$0xE400] =	vst v63  }
0x118: {  	_ =	swait.ge [sflag:s11], $0x80  }
0x119: {  	[sflag:s11] =	ssyncset.done $0x0  }
0x11a: {  	[sflag:s11] =	ssyncadd.s32 $0xFFFFFF80  }
0x11b: {  	_ =	swait.ge [sflag:s11], $0x80  }
0x11c: {  	[sflag:s11] =	ssyncset.done $0x0  }
0x11d: {  	[sflag:s11] =	ssyncadd.s32 $0xFFFFFF80  }
0x11e: {  	[tilespmem:s12], [sflag:$0x6] =	stream.indirect.gather [hbm4b:s1+s30], $0x40, s30, s30, $0xb8;
	[tilespmem:$0xE400] =	vst v63  }
0x11f: {  	_ =	swait.ge [sflag:s13], $0x2000  }
0x120: {  	[sflag:s13] =	ssyncset.done $0x0  }
0x121: {  	[sflag:s13] =	ssyncadd.s32 $0xFFFFE000  }
0x122: {  	[spmem:s3] =	stream.indirect.scatter.add.f32 [tilespmem:s12], [sflag:$0x8], $0x40, s31, s30, $0xb8;
	[tilespmem:$0xE400] =	vst v63  }
0x123: {  	_ =	swait.ge [sflag:s14], $0x2000  }
0x124: {  	[sflag:s14] =	ssyncset.done $0x0  }
0x125: {  	[sflag:s14] =	ssyncadd.s32 $0xFFFFE000  }
0x126: {  	_ =	swait.ge [sflag:s15], $0x80  }
0x127: {  	[sflag:s15] =	ssyncset.done $0x0  }
0x128: {  	[sflag:s15] =	ssyncadd.s32 $0xFFFFFF80  }
0x129: {  	_ =	swait.ge [sflag:s15], $0x80  }
0x12a: {  	[sflag:s15] =	ssyncset.done $0x0  }
0x12b: {  	[sflag:s15] =	ssyncadd.s32 $0xFFFFFF80  }
0x12c: {  	[tilespmem:s7], [sflag:$0x5] =	stream.indirect.gather [hbm4b:s1+s30], $0x40, s0, s30, $0xb8;
	[tilespmem:$0xE400] =	vst v63  }
0x12d: {  	_ =	swait.ge [sflag:s8], $0x2000  }
0x12e: {  	[sflag:s8] =	ssyncset.done $0x0  }
0x12f: {  	[sflag:s8] =	ssyncadd.s32 $0xFFFFE000  }
0x130: {  	[spmem:s3] =	stream.indirect.scatter.add.f32 [tilespmem:s7], [sflag:$0x7], $0x40, s2, s30, $0xb8;
	[tilespmem:$0xE400] =	vst v63  }
0x131: {  	_ =	swait.ge [sflag:s16], $0x2000  }
0x132: {  	[sflag:s16] =	ssyncset.done $0x0  }
0x133: {  	[sflag:s16] =	ssyncadd.s32 $0xFFFFE000  }
0x134: {  	_ =	swait.ge [sflag:s17], $0x80  }
0x135: {  	[sflag:s17] =	ssyncset.done $0x0  }
0x136: {  	[sflag:s17] =	ssyncadd.s32 $0xFFFFFF80  }
0x137: {  	_ =	swait.ge [sflag:s17], $0x80  }
0x138: {  	[sflag:s17] =	ssyncset.done $0x0  }
0x139: {  	[sflag:s17] =	ssyncadd.s32 $0xFFFFFF80  }
0x13a: {  	[tilespmem:s12], [sflag:$0x6] =	stream.indirect.gather [hbm4b:s1+s30], $0x40, s9, s30, $0xb8;
	[tilespmem:$0xE400] =	vst v63  }
0x13b: {  	_ =	swait.ge [sflag:s13], $0x2000  }
0x13c: {  	[sflag:s13] =	ssyncset.done $0x0  }
0x13d: {  	[sflag:s13] =	ssyncadd.s32 $0xFFFFE000  }
0x13e: {  	[spmem:s3] =	stream.indirect.scatter.add.f32 [tilespmem:s12], [sflag:$0x8], $0x40, s10, s30, $0xb8;
	[tilespmem:$0xE400] =	vst v63  }
0x13f: {  	_ =	swait.ge [sflag:s14], $0x2000  }
0x140: {  	[sflag:s14] =	ssyncset.done $0x0  }
0x141: {  	[sflag:s14] =	ssyncadd.s32 $0xFFFFE000  }
0x142: {  	_ =	swait.ge [sflag:s16], $0x2000  }
0x143: {  	[sflag:s16] =	ssyncset.done $0x0  }
0x144: {  	s18 =	sadd.s32 $0x1, s18;
	[sflag:s16] =	ssyncadd.s32 $0xFFFFE000  }
0x145: {  	p0 =	sne.s32 s18, s28;
	[bflag:$0x0] =	sbarrier.arrive $0xFFFF  }
.Ltmp1:
0x146: {  	s26 =	rddreg [dreg:$0x1c];
	(pc) =	sbr.rel @p0 .LBB2_1-.Ltmp1, $4  }
0x147: {  	[hbm:s26], [sflag:s25] =	dma.local [spmem:s19], $0x1400  }
0x148: {  	_ =	swait.ge [sflag:s5], $0x1400  }
0x149: {  	[sflag:s5] =	ssyncset.done $0x0  }
0x14a: {  	[sflag:s5] =	ssyncadd.s32 $0xFFFFEC00  }
0x14b: {  	_ =	sfence.sel $0x180000  }
0x14c: {  	[bflag:$0x0] =	sbarrier.arrive $0xFFFF  }
0x14d: {  	_ =	strace $0x9000004D  }
0x14e: {  	s0 =	stileid.u32;
	[bflag:$0x2] =	sbarrier.arrive $0xFFFF  }
0x14f: {  	p0 =	sne.s32 s0, $0x0;
	s0 =	rddreg [dreg:$0x3]  }
0x150: {  	s0 =	sadd.s32 @!p0 $0x100000, s0  }
0x151: {  	[sflag:s0] =	ssyncadd.tile.s32 @!p0 $0x1;
	_ =	shalt  }
.Lfunc_end2:
_tile_overlayer_lowered:
.L_overlay_start_2:
0x152: {  	(tag) =	ssettag $0x2  }
0x153: {  	s0 =	rddreg [dreg:$0x0];
	s2 =	stileid.u32  }
0x154: {  	s1 =	rddreg [dreg:$0x1];
	p0 =	sne.s32 s2, $0x0  }
0x155: {  	s3 =	rddreg [dreg:$0x2];
	[bflag:$0x3] =	sbarrier.arrive $0xFFFF;
	s2 =	simm.s32 @!p0 $0x1C09  }
0x156: {  	[timem:s3], [sflag:s2] =	dma.local @!p0 [hbm:s0], s1  }
0x157: {  	s0 =	simm.s32 @!p0 $0x9  }
0x158: {  	_ =	swait.ge @!p0 [sflag:s0], s1  }
0x159: {  	s1 =	ssub.s32 @!p0 $0x0, s1;
	[sflag:s0] =	ssyncset.done @!p0 $0x0  }
0x15a: {  	[sflag:s0] =	ssyncadd.s32 @!p0 s1  }
0x15b: {  	[bflag:$0x3] =	sbarrier.arrive $0xFFFF  }
0x15c: {  	_ =	shalt  }

// kernel: kernel.8.cloned.1.call-start
scs
__scs_entry_jumppad:
0x0: {  	(pc) =	sbr.rel $0x88, $3  }
0x1: {  	(tag) =	ssettag $0x0;
	lr =	simm.s32 $0x1  }
0x2: {  	[smem:$0x3F9B] =	sst lr;
	_ =	strace $0xD0000000  }
0x3: {  	_ = 	snop  }
0x4: {  	_ = 	snop  }
0x5: {  	_ = 	snop  }
0x6: {  	_ = 	snop  }
0x7: {  	_ = 	snop  }
__scs_overlays_trampoline_lowered:
0x8: {  	[smem:$0x3FAA] =	sst s0  }
0x9: {  	[smem:$0x3FAB] =	sst s1  }
0xa: {  	[smem:$0x3FAC] =	sst s2  }
0xb: {  	[smem:$0x3FAD] =	sst s3  }
0xc: {  	[smem:$0x3FAE] =	sst s4  }
0xd: {  	[smem:$0x3FAF] =	sst s5  }
0xe: {  	[smem:$0x3FB0] =	sst s6  }
0xf: {  	[smem:$0x3FB1] =	sst s7  }
0x10: {  	[smem:$0x3FB2] =	sst s8  }
0x11: {  	[smem:$0x3FB3] =	sst s9;
	s0 =	simm.s32 @!p0 $0x0  }
0x12: {  	s1 =	sld [smem:$0x3F99];
	s0 =	simm.s32 @p0 $0x1  }
0x13: {  	[smem:$0x3FB4] =	sst s0;
	s0 =	simm.s32 @!p1 $0x0  }
0x14: {  	s2 =	sld [smem:$0x3F98];
	s0 =	simm.s32 @p1 $0x1  }
0x15: {  	[smem:$0x3FB5] =	sst s0;
	s0 =	simm.s32 @!p2 $0x0  }
0x16: {  	s3 =	sld [smem:$0x3FDB];
	s0 =	simm.s32 @p2 $0x1  }
0x17: {  	s4 =	simm.s32 $0x1BF5;
	[smem:$0x3FB7] =	sst s0  }
0x18: {  	s0 =	sld [smem:$0x3F9A];
	_ =	swait.ge [sflag:s4], $0x0  }
0x19: {  	s7 =	sld [smem:$0x3F9B]  }
0x1a: {  	s8 =	sadd.s32 $0xFFFFE003, lr  }
0x1b: {  	s9 =	sadd.s32 $0xFFFFFEF7, lr;
	s5 =	simm.s32 $0xFFFFFFFF;
	p2 =	slt.u32 s8, $0xFFFFF086  }
0x1c: {  	p1 =	slt.u32 s9, $0xF7A;
	s5 =	simm.s32 @!p2 $0x0  }
0x1d: {  	s5 =	simm.s32 @p1 $0x1;
	p0 =	seq.s32 s7, s2  }
0x1e: {  	s7 =	smul.u32 @!p0 $0xF7A, s2;
	p2 =	seq.s32 @!p0 s5, $0x0  }
0x1f: {  	s9 =	smul.u32 $0xF7A, s1;
	s8 =	simm.s32 @!p0 $0x1BF5;
	p2 =	por !p2, p0  }
0x20: {  	[sflag:s8] =	ssyncset.s32 @!p0 $0xFFFFF086;
	s6 =	sadd.s32 @!p0 s3, s7;
	s7 =	simm.s32 @!p0 $0x108  }
0x21: {  	s3 =	sadd.s32 s3, s9;
	s6 =	sadd.s32 @!p0 $0x88, s6;
	s7 =	simm.s32 @p2 $0x1082  }
0x22: {  	[simem:s7], [sflag:s8] =	dma.local @!p0 [hbm:s6], $0xF7A  }
0x23: {  	s9 =	sor.u32 $0xD0000000, s2;
	s6 =	simm.s32 $0x108;
	_ =	swait.ge @!p0 [sflag:s8], $0x0  }
0x24: {  	s3 =	sadd.s32 $0x88, s3;
	s6 =	simm.s32 @!p1 $0x1082;
	[sflag:s4] =	ssyncset.s32 $0xFFFFF086  }
0x25: {  	[simem:s6], [sflag:s4] =	dma.local [hbm:s3], $0xF7A  }
0x26: {  	[smem:$0x3F9B] =	sst s1;
	(tag) =	ssettag s2;
	_ =	strace s9  }
0x27: {  	s1 =	sld [smem:$0x3FAB]  }
0x28: {  	s2 =	sld [smem:$0x3FAC]  }
0x29: {  	s4 =	sld [smem:$0x3FAE]  }
0x2a: {  	p0 =	seq.s32 s5, $0x0;
	s5 =	sld [smem:$0x3FAF]  }
0x2b: {  	s6 =	sld [smem:$0x3FB0]  }
0x2c: {  	s7 =	sld [smem:$0x3FB1]  }
0x2d: {  	s3 =	simm.s32 $0x108;
	s8 =	sld [smem:$0x3FB2]  }
0x2e: {  	s3 =	simm.s32 @!p0 $0x1082;
	s9 =	sld [smem:$0x3FB3]  }
0x2f: {  	lr =	sadd.s32 s0, s3;
	s0 =	sld [smem:$0x3FAA]  }
0x30: {  	s3 =	sld [smem:$0x3FAD]  }
0x31: {  	[smem:$0x3FB6] =	sst s10  }
0x32: {  	s10 =	sld [smem:$0x3FB4];
	_ =	sdelay $0x3  }
0x33: {  	p0 =	seq.s32 s10, $0x1;
	s10 =	sld [smem:$0x3FB6];
	_ =	sdelay $0x3  }
0x34: {  	[smem:$0x3FB6] =	sst s10  }
0x35: {  	s10 =	sld [smem:$0x3FB5];
	_ =	sdelay $0x3  }
0x36: {  	p1 =	seq.s32 s10, $0x1;
	s10 =	sld [smem:$0x3FB6];
	_ =	sdelay $0x3  }
0x37: {  	[smem:$0x3FB6] =	sst s10  }
0x38: {  	s10 =	sld [smem:$0x3FB7]  }
0x39: {  	_ = 	snop;
	(pc) =	sbr.ind lr, $3  }
0x3a: {  	_ = 	snop  }
0x3b: {  	_ = 	snop  }
0x3c: {  	p2 =	seq.s32 s10, $0x1;
	s10 =	sld [smem:$0x3FB6]  }
0x3d: {  	_ =	shalt  }
0x3e: {  	_ =	shalt  }
0x3f: {  	_ =	shalt  }
0x40: {  	_ =	shalt  }
0x41: {  	_ =	shalt  }
0x42: {  	_ =	shalt  }
0x43: {  	_ =	shalt  }
0x44: {  	_ =	shalt  }
0x45: {  	_ =	shalt  }
0x46: {  	_ =	shalt  }
0x47: {  	_ =	shalt  }
0x48: {  	_ =	shalt  }
0x49: {  	_ =	shalt  }
0x4a: {  	_ =	shalt  }
0x4b: {  	_ =	shalt  }
0x4c: {  	_ =	shalt  }
0x4d: {  	_ =	shalt  }
0x4e: {  	_ =	shalt  }
0x4f: {  	_ =	shalt  }
0x50: {  	_ =	shalt  }
0x51: {  	_ =	shalt  }
0x52: {  	_ =	shalt  }
0x53: {  	_ =	shalt  }
0x54: {  	_ =	shalt  }
0x55: {  	_ =	shalt  }
0x56: {  	_ =	shalt  }
0x57: {  	_ =	shalt  }
0x58: {  	_ =	shalt  }
0x59: {  	_ =	shalt  }
0x5a: {  	_ =	shalt  }
0x5b: {  	_ =	shalt  }
0x5c: {  	_ =	shalt  }
0x5d: {  	_ =	shalt  }
0x5e: {  	_ =	shalt  }
0x5f: {  	_ =	shalt  }
0x60: {  	_ =	shalt  }
0x61: {  	_ =	shalt  }
0x62: {  	_ =	shalt  }
0x63: {  	_ =	shalt  }
0x64: {  	_ =	shalt  }
0x65: {  	_ =	shalt  }
0x66: {  	_ =	shalt  }
0x67: {  	_ =	shalt  }
0x68: {  	_ =	shalt  }
0x69: {  	_ =	shalt  }
0x6a: {  	_ =	shalt  }
0x6b: {  	_ =	shalt  }
0x6c: {  	_ =	shalt  }
0x6d: {  	_ =	shalt  }
0x6e: {  	_ =	shalt  }
0x6f: {  	_ =	shalt  }
0x70: {  	_ =	shalt  }
0x71: {  	_ =	shalt  }
0x72: {  	_ =	shalt  }
0x73: {  	_ =	shalt  }
0x74: {  	_ =	shalt  }
0x75: {  	_ =	shalt  }
0x76: {  	_ =	shalt  }
0x77: {  	_ =	shalt  }
0x78: {  	_ =	shalt  }
0x79: {  	_ =	shalt  }
0x7a: {  	_ =	shalt  }
0x7b: {  	_ =	shalt  }
0x7c: {  	_ =	shalt  }
0x7d: {  	_ =	shalt  }
0x7e: {  	_ =	shalt  }
0x7f: {  	_ =	shalt  }
0x80: {  	_ =	shalt  }
0x81: {  	_ =	shalt  }
0x82: {  	_ =	shalt  }
0x83: {  	_ =	shalt  }
0x84: {  	_ =	shalt  }
0x85: {  	_ =	shalt  }
0x86: {  	_ =	shalt  }
0x87: {  	_ =	shalt  }
.Lfunc_end0:
.L_simem_size_0:
called_computation_lowered:
.L_overlay_start_0:
0x88: {  	s2 =	sld [smem:$0x3FD9]  }
0x89: {  	s3 =	sld [smem:$0x3FFE];
	_ =	sdelay $0x1  }
0x8a: {  	s1 =	srdreg.scid  }
0x8b: {  	s0 =	sand.u32 $0x1, s1  }
0x8c: {  	s17 =	sshll.u32 s0, $0xA;
	s2 =	sadd.s32 s3, s2  }
0x8d: {  	s2 =	sadd.s32 s2, s17  }
0x8e: {  	[smem:$0x3FC2] =	sst s2  }
0x8f: {  	_ = 	snop  }
0x90: {  	s2 =	sld [smem:$0x3FD0];
	(tm) =	ssettm $0x1  }
0x91: {  	s18 =	sld [smem:$0x3FFB];
	_ =	sdelay $0x3  }
0x92: {  	_ =	strace s18  }
0x93: {  	s3 =	sld [smem:$0x3FFC];
	_ =	sdelay $0x3  }
0x94: {  	_ =	strace s3  }
0x95: {  	s3 =	sld [smem:$0x3FFD];
	_ =	sdelay $0x3  }
0x96: {  	_ =	strace s3  }
0x97: {  	_ =	strace $0x8FFFFFFF  }
0x98: {  	s19 =	sld [smem:$0x3FDB];
	_ =	sdelay $0x1  }
0x99: {  	s4 =	simm.s32 $_scs_section_size  }
0x9a: {  	s5 =	simm.s32 $_size__tile_overlayer_lowered;
	s6 =	simm.s32 $_tile_overlayer_lowered  }
0x9b: {  	s22 =	simm.s32 $0x1BFF;
	s21 =	sshll.u32 s6, $0x1;
	s3 =	sadd.s32 s4, s19  }
0x9c: {  	s7 =	simm.s32 $0x0;
	s20 =	sshll.u32 s5, $0x1;
	s5 =	sadd.s32 s21, s3  }
0x9d: {  	[timem:s7], [sflag:s22] =	dma.local [hbm:s5], s20  }
0x9e: {  	_ =	swait.ge [sflag:s22], s20  }
0x9f: {  	s4 =	ssub.s32 $0x0, s20;
	[sflag:s22] =	ssyncset.done $0x0  }
0xa0: {  	[sflag:s22] =	ssyncadd.s32 s4;
	_ =	sdelay $0x1  }
0xa1: {  	s23 =	simm.s32 $0x1B8B  }
0xa2: {  	_ =	swait.ge [sflag:s23], $0x1  }
0xa3: {  	[sflag:s23] =	ssyncset.done $0x0  }
0xa4: {  	s25 =	simm.s32 $0x1B8E;
	s24 =	sld [smem:$0x3FFE];
	[sflag:s23] =	ssyncadd.s32 $0xFFFFFFFF  }
0xa5: {  	s26 =	simm.s32 $execute0_lowered;
	[smem:$0x3FD2] =	sst s25  }
0xa6: {  	s5 =	sshll.u32 s26, $0x1;
	_ =	strace $0x80000046;
	[dreg:$0x1] =	wrdreg $0xFFFFFFFF  }
0xa7: {  	s28 =	simm.s32 $_size_execute0_lowered;
	s3 =	sadd.s32 s3, s5;
	[dreg:$0x0] =	wrdreg $0x0  }
0xa8: {  	s5 =	sshll.u32 s28, $0x1;
	[dreg:$0x2] =	wrdreg s3  }
0xa9: {  	[dreg:$0x3] =	wrdreg s5  }
0xaa: {  	[dreg:$0x4] =	wrdreg $0xC0  }
0xab: {  	_ =	task [dreg:s7], $0x5FFFF  }
0xac: {  	[dreg:$0x1] =	wrdreg $0xFFFFFFFF  }
0xad: {  	[dreg:$0x0] =	wrdreg $0x60  }
0xae: {  	[dreg:$0x2] =	wrdreg s24  }
0xaf: {  	[dreg:$0x3] =	wrdreg s2  }
0xb0: {  	[dreg:$0x4] =	wrdreg $0x31000  }
0xb1: {  	[dreg:$0x5] =	wrdreg $0x9  }
0xb2: {  	_ =	task.clear_ibuf [dreg:s7], $0x6FFFF;
	_ =	strace $0x90000046  }
0xb3: {  	s29 =	simm.s32 $0x9;
	_ =	strace $0x80000048  }
0xb4: {  	_ =	swait.ge [sflag:s29], $0x1  }
0xb5: {  	[sflag:s29] =	ssyncadd.s32 $0xFFFFFFFF  }
0xb6: {  	_ =	strace $0x90000048  }
0xb7: {  	_ =	sfence  }
0xb8: {  	s30 =	sld [smem:$0x0];
	_ =	sdelay $0x2  }
0xb9: {  	s31 =	sshll.u32 s1, $0xD;
	s1 =	sshrl.u32 s1, $0x2  }
0xba: {  	s3 =	sand.u32 $0x4000, s31;
	s1 =	sadd.s32 s1, s30  }
0xbb: {  	s0 =	sor.u32 s3, s0;
	s1 =	sshll.u32 s1, $0x11  }
0xbc: {  	s0 =	sor.u32 s1, s0  }
0xbd: {  	s0 =	sadd.s32 $0x8F2B, s0  }
0xbe: {  	[sflag:s0] =	ssyncadd.remote.s32 $0x1  }
0xbf: {  	_ =	sfence.sel $0xFFFF  }
0xc0: {  	[dreg:$0x0] =	wrdreg $0xFFFFFFFF;
	(pc) =	sbr.abs _section_cstart, $3  }
0xc1: {  	[dreg:$0x1] =	wrdreg $0xFFFFFFFF  }
0xc2: {  	_ =	task.clear_ibuf [dreg:s7], $0x2FFFF;
	_ =	strace $0x9FFFFFFF  }
0xc3: {  	(tm) =	ssettm $0x7FFFFFFF  }
tec
execute0_lowered:
.L_overlay_start_1:
0x0: {  	(tag) =	ssettag $0x1  }
0x1: {  	s4 =	rddreg [dreg:$0x0]  }
0x2: {  	s0 =	srdreg.scid;
	s6 =	rddreg [dreg:$0x1]  }
0x3: {  	s2 =	rddreg [dreg:$0x2];
	s3 =	simm.s32 $0x0;
	s13 =	simm.s32 $0x2900  }
0x4: {  	s14 =	simm.s32 $0x2880;
	s15 =	simm.s32 $0x1;
	s16 =	simm.s32 $0x2  }
0x5: {  	s17 =	simm.s32 $0x0;
	s5 =	sand.u32 $0x1, s0;
	s0 =	stileid.u32  }
0x6: {  	[smem:$0x7FF] =	sst s3;
	s1 =	sshll.u32 s5, $0x4;
	s8 =	smul.u32 $0x2800, s0  }
0x7: {  	s9 =	smul.u32 $0x28000, s5;
	s5 =	ssub.s32 $0x2, s5;
	s31 =	sshll.u32 s0, $0x6  }
0x8: {  	s7 =	sor.u32 s0, s1;
	s1 =	rddreg [dreg:$0x3];
	_ =	strace $0x80000047  }
0x9: {  	s29 =	sshrl.u32 s5, $0x1;
	s7 =	smul.u32 $0x500, s7;
	s10 =	sshrl.u32 s8, $0x3  }
0xa: {  	s9 =	sadd.s32 s8, s9;
	s11 =	ssub.s32 s5, s29;
	s12 =	sadd.s32 s8, s2  }
0xb: {  	s8 =	simm.s32 $0x3;
	s10 =	sadd.s32 s10, s4;
	s30 =	sshrl.u32 s9, $0x3  }
0xc: {  	s9 =	sor.u32 $0x1C03, s31;
	s7 =	sadd.s32 s7, s4;
	s5 =	sadd.s32 $0x15C00, s10  }
0xd: {  	s6 =	sadd.s32 s6, s30;
	s10 =	sshrl.u32 s12, $0x3;
	s12 =	simm.s32 $0x2800  }
0xe: {  	v0 =	vimm.f32 $1.000000000e+00;
	s4 =	sadd.s32 $0x1C00, s7;
	s7 =	smax.u32 s11, $0x1;
	s11 =	simm.s32 $0x80  }
.LBB2_1:
0xf: {  	s18 =	simm.s32 $0x40;
	s19 =	simm.s32 $0x0  }
.LBB2_2:
0x10: {  	p0 =	sne.s32 s18, $0x1FC0;
	[tilespmem:s19+$0x2900] =	vst v0;
	s19 =	smov.u32 s18;
	s18 =	sadd.s32 $0x40, s18  }
.Ltmp0:
0x11: {  	(pc) =	sbr.rel @p0 .LBB2_2-.Ltmp0, $2  }
0x12: {  	_ =	sdelay $0x2  }
0x13: {  	s19 =	sshra.s32 s19, $0x2  }
0x14: {  	[tilespmem:s19+$0x2900] =	vst v0  }
0x15: {  	[tilespmem:s3], [sflag:$0x3] =	stream.linear.gather [hbm4b:s4+s3], $0x2800, $0x38;
	[tilespmem:$0x5900] =	vst v63  }
0x16: {  	_ =	swait.ge [sflag:s8], $0x2800  }
0x17: {  	[sflag:s8] =	ssyncset.done $0x0  }
0x18: {  	[sflag:s8] =	ssyncadd.s32 $0xFFFFD800  }
0x19: {  	[spmem:s10], [sflag:s9] =	dma.local [hbm:s5], $0x500  }
0x1a: {  	_ =	swait.ge [sflag:s8], $0x500  }
0x1b: {  	[sflag:s8] =	ssyncset.done $0x0  }
0x1c: {  	[sflag:s8] =	ssyncadd.s32 $0xFFFFFB00  }
0x1d: {  	[bflag:$0x0] =	sbarrier.arrive $0xFFFF  }
0x1e: {  	v1 =	vld [tilespmem:$0x0]  }
0x1f: {  	v2 =	vld [tilespmem:$0x10]  }
0x20: {  	v3 =	vld [tilespmem:$0x20]  }
0x21: {  	v4 =	vld [tilespmem:$0x30]  }
0x22: {  	v5 =	vld [tilespmem:$0x40]  }
0x23: {  	[tilespmem:$0x2800] =	vst v1;
	v1 =	vld [tilespmem:$0x50]  }
0x24: {  	[tilespmem:$0x2810] =	vst v2;
	v2 =	vld [tilespmem:$0x60]  }
0x25: {  	[tilespmem:$0x2820] =	vst v3;
	v3 =	vld [tilespmem:$0x70]  }
0x26: {  	[tilespmem:$0x2830] =	vst v4  }
0x27: {  	[tilespmem:$0x2840] =	vst v5  }
0x28: {  	[tilespmem:$0x2850] =	vst v1  }
0x29: {  	[tilespmem:$0x2860] =	vst v2  }
0x2a: {  	[tilespmem:$0x2870] =	vst v3  }
0x2b: {  	[spmem:s2] =	stream.indirect.scatter.add.f32 [tilespmem:s13], [sflag:$0x1], $0x10, s12, s11, $0xb8;
	[tilespmem:$0x5900] =	vst v63  }
0x2c: {  	v1 =	vld [tilespmem:$0x80]  }
0x2d: {  	v2 =	vld [tilespmem:$0x90]  }
0x2e: {  	v3 =	vld [tilespmem:$0xA0]  }
0x2f: {  	v62 =	vld [tilespmem:$0xB0]  }
0x30: {  	v63 =	vld [tilespmem:$0xC0]  }
0x31: {  	[tilespmem:$0x2880] =	vst v1;
	v1 =	vld [tilespmem:$0xD0]  }
0x32: {  	[tilespmem:$0x2890] =	vst v2;
	v2 =	vld [tilespmem:$0xE0]  }
0x33: {  	[tilespmem:$0x28A0] =	vst v3;
	v3 =	vld [tilespmem:$0xF0]  }
0x34: {  	[tilespmem:$0x28B0] =	vst v62  }
0x35: {  	[tilespmem:$0x28C0] =	vst v63  }
0x36: {  	[tilespmem:$0x28D0] =	vst v1  }
0x37: {  	[tilespmem:$0x28E0] =	vst v2  }
0x38: {  	[tilespmem:$0x28F0] =	vst v3  }
0x39: {  	[spmem:s2] =	stream.indirect.scatter.add.f32 [tilespmem:s13], [sflag:$0x2], $0x10, s14, s11, $0xb8;
	[tilespmem:$0x5900] =	vst v63  }
0x3a: {  	_ =	swait.ge [sflag:s15], $0x800  }
0x3b: {  	[sflag:s15] =	ssyncset.done $0x0  }
0x3c: {  	s18 =	simm.s32 $0x1F0;
	[sflag:s15] =	ssyncadd.s32 $0xFFFFF800  }
0x3d: {  	v1 =	vld [tilespmem:s18+$0xFFFFFF10];
	_ =	sdelay $0x4  }
0x3e: {  	[tilespmem:$0x2800] =	vst v1  }
0x3f: {  	v1 =	vld [tilespmem:s18+$0xFFFFFF20];
	_ =	sdelay $0x4  }
0x40: {  	[tilespmem:$0x2810] =	vst v1  }
0x41: {  	v1 =	vld [tilespmem:s18+$0xFFFFFF30];
	_ =	sdelay $0x4  }
0x42: {  	[tilespmem:$0x2820] =	vst v1  }
0x43: {  	v1 =	vld [tilespmem:s18+$0xFFFFFF40];
	_ =	sdelay $0x4  }
0x44: {  	[tilespmem:$0x2830] =	vst v1  }
0x45: {  	v1 =	vld [tilespmem:s18+$0xFFFFFF50];
	_ =	sdelay $0x4  }
0x46: {  	[tilespmem:$0x2840] =	vst v1  }
0x47: {  	v1 =	vld [tilespmem:s18+$0xFFFFFF60];
	_ =	sdelay $0x4  }
0x48: {  	[tilespmem:$0x2850] =	vst v1  }
0x49: {  	v1 =	vld [tilespmem:s18+$0xFFFFFF70];
	_ =	sdelay $0x4  }
0x4a: {  	[tilespmem:$0x2860] =	vst v1  }
0x4b: {  	v1 =	vld [tilespmem:s18+$0xFFFFFF80];
	_ =	sdelay $0x4  }
0x4c: {  	[tilespmem:$0x2870] =	vst v1  }
0x4d: {  	[spmem:s2] =	stream.indirect.scatter.add.f32 [tilespmem:s13], [sflag:$0x1], $0x10, s12, s11, $0xb8;
	[tilespmem:$0x5900] =	vst v63  }
0x4e: {  	_ =	swait.ge [sflag:s16], $0x800  }
0x4f: {  	[sflag:s16] =	ssyncset.done $0x0  }
0x50: {  	[sflag:s16] =	ssyncadd.s32 $0xFFFFF800  }
0x51: {  	v1 =	vld [tilespmem:s18+$0xFFFFFF90];
	_ =	sdelay $0x4  }
0x52: {  	[tilespmem:$0x2880] =	vst v1  }
0x53: {  	v1 =	vld [tilespmem:s18+$0xFFFFFFA0];
	_ =	sdelay $0x4  }
0x54: {  	[tilespmem:$0x2890] =	vst v1  }
0x55: {  	v1 =	vld [tilespmem:s18+$0xFFFFFFB0];
	_ =	sdelay $0x4  }
0x56: {  	[tilespmem:$0x28A0] =	vst v1  }
0x57: {  	v1 =	vld [tilespmem:s18+$0xFFFFFFC0];
	_ =	sdelay $0x4  }
0x58: {  	[tilespmem:$0x28B0] =	vst v1  }
0x59: {  	v1 =	vld [tilespmem:s18+$0xFFFFFFD0];
	_ =	sdelay $0x4  }
0x5a: {  	[tilespmem:$0x28C0] =	vst v1  }
0x5b: {  	v1 =	vld [tilespmem:s18+$0xFFFFFFE0];
	_ =	sdelay $0x4  }
0x5c: {  	[tilespmem:$0x28D0] =	vst v1  }
0x5d: {  	v1 =	vld [tilespmem:s18+$0xFFFFFFF0];
	_ =	sdelay $0x4  }
0x5e: {  	[tilespmem:$0x28E0] =	vst v1  }
0x5f: {  	v1 =	vld [tilespmem:s18+$0x0];
	_ =	sdelay $0x4  }
0x60: {  	s18 =	simm.s32 $0xBC0;
	[tilespmem:$0x28F0] =	vst v1  }
.LBB2_4:
0x61: {  	[spmem:s2] =	stream.indirect.scatter.add.f32 [tilespmem:s13], [sflag:$0x2], $0x10, s14, s11, $0xb8;
	[tilespmem:$0x5900] =	vst v63  }
0x62: {  	s19 =	smov.u32 s18  }
0x63: {  	p0 =	sne.s32 s18, $0x9FC0;
	s18 =	sadd.s32 $0x400, s18;
	_ =	swait.ge [sflag:s15], $0x800  }
0x64: {  	[sflag:s15] =	ssyncset.done $0x0  }
0x65: {  	s19 =	sshra.s32 s19, $0x2;
	[sflag:s15] =	ssyncadd.s32 $0xFFFFF800  }
0x66: {  	v1 =	vld [tilespmem:s19+$0xFFFFFF10];
	_ =	sdelay $0x4  }
0x67: {  	[tilespmem:$0x2800] =	vst v1  }
0x68: {  	v1 =	vld [tilespmem:s19+$0xFFFFFF20];
	_ =	sdelay $0x4  }
0x69: {  	[tilespmem:$0x2810] =	vst v1  }
0x6a: {  	v1 =	vld [tilespmem:s19+$0xFFFFFF30];
	_ =	sdelay $0x4  }
0x6b: {  	[tilespmem:$0x2820] =	vst v1  }
0x6c: {  	v1 =	vld [tilespmem:s19+$0xFFFFFF40];
	_ =	sdelay $0x4  }
0x6d: {  	[tilespmem:$0x2830] =	vst v1  }
0x6e: {  	v1 =	vld [tilespmem:s19+$0xFFFFFF50];
	_ =	sdelay $0x4  }
0x6f: {  	[tilespmem:$0x2840] =	vst v1  }
0x70: {  	v1 =	vld [tilespmem:s19+$0xFFFFFF60];
	_ =	sdelay $0x4  }
0x71: {  	[tilespmem:$0x2850] =	vst v1  }
0x72: {  	v1 =	vld [tilespmem:s19+$0xFFFFFF70];
	_ =	sdelay $0x4  }
0x73: {  	[tilespmem:$0x2860] =	vst v1  }
0x74: {  	v1 =	vld [tilespmem:s19+$0xFFFFFF80];
	_ =	sdelay $0x4  }
0x75: {  	[tilespmem:$0x2870] =	vst v1  }
0x76: {  	[spmem:s2] =	stream.indirect.scatter.add.f32 [tilespmem:s13], [sflag:$0x1], $0x10, s12, s11, $0xb8;
	[tilespmem:$0x5900] =	vst v63  }
0x77: {  	_ =	swait.ge [sflag:s16], $0x800  }
0x78: {  	[sflag:s16] =	ssyncset.done $0x0  }
0x79: {  	[sflag:s16] =	ssyncadd.s32 $0xFFFFF800  }
0x7a: {  	v1 =	vld [tilespmem:s19+$0xFFFFFF90];
	_ =	sdelay $0x4  }
0x7b: {  	[tilespmem:$0x2880] =	vst v1  }
0x7c: {  	v1 =	vld [tilespmem:s19+$0xFFFFFFA0];
	_ =	sdelay $0x4  }
0x7d: {  	[tilespmem:$0x2890] =	vst v1  }
0x7e: {  	v1 =	vld [tilespmem:s19+$0xFFFFFFB0];
	_ =	sdelay $0x4  }
0x7f: {  	[tilespmem:$0x28A0] =	vst v1  }
0x80: {  	v1 =	vld [tilespmem:s19+$0xFFFFFFC0];
	_ =	sdelay $0x4  }
0x81: {  	[tilespmem:$0x28B0] =	vst v1  }
0x82: {  	v1 =	vld [tilespmem:s19+$0xFFFFFFD0];
	_ =	sdelay $0x4  }
0x83: {  	[tilespmem:$0x28C0] =	vst v1  }
0x84: {  	v1 =	vld [tilespmem:s19+$0xFFFFFFE0];
	_ =	sdelay $0x4  }
0x85: {  	[tilespmem:$0x28D0] =	vst v1  }
0x86: {  	v1 =	vld [tilespmem:s19+$0xFFFFFFF0];
	_ =	sdelay $0x4  }
0x87: {  	[tilespmem:$0x28E0] =	vst v1  }
0x88: {  	v1 =	vld [tilespmem:s19+$0x0]  }
.Ltmp1:
0x89: {  	(pc) =	sbr.rel @p0 .LBB2_4-.Ltmp1, $2  }
0x8a: {  	_ =	sdelay $0x2  }
0x8b: {  	[tilespmem:$0x28F0] =	vst v1  }
0x8c: {  	[spmem:s2] =	stream.indirect.scatter.add.f32 [tilespmem:s13], [sflag:$0x2], $0x10, s14, s11, $0xb8;
	[tilespmem:$0x5900] =	vst v63  }
0x8d: {  	_ =	swait.ge [sflag:s15], $0x800  }
0x8e: {  	[sflag:s15] =	ssyncset.done $0x0  }
0x8f: {  	[sflag:s15] =	ssyncadd.s32 $0xFFFFF800  }
0x90: {  	_ =	swait.ge [sflag:s16], $0x800  }
0x91: {  	s17 =	sadd.s32 $0x1, s17;
	[sflag:s16] =	ssyncset.done $0x0  }
0x92: {  	p0 =	sne.s32 s17, s7;
	[sflag:s16] =	ssyncadd.s32 $0xFFFFF800  }
.Ltmp2:
0x93: {  	[bflag:$0x0] =	sbarrier.arrive $0xFFFF;
	(pc) =	sbr.rel @p0 .LBB2_1-.Ltmp2, $4  }
0x94: {  	[hbm:s6], [sflag:s9] =	dma.local [spmem:s10], $0x500  }
0x95: {  	_ =	swait.ge [sflag:s8], $0x500  }
0x96: {  	[sflag:s8] =	ssyncset.done $0x0  }
0x97: {  	[sflag:s8] =	ssyncadd.s32 $0xFFFFFB00  }
0x98: {  	_ =	sfence.sel $0x180000  }
0x99: {  	[bflag:$0x0] =	sbarrier.arrive $0xFFFF  }
0x9a: {  	p0 =	sne.s32 s0, $0x0;
	_ =	strace $0x90000047  }
0x9b: {  	s0 =	sadd.s32 @!p0 $0x100000, s1;
	[bflag:$0x2] =	sbarrier.arrive $0xFFFF  }
0x9c: {  	[sflag:s0] =	ssyncadd.tile.s32 @!p0 $0x1;
	_ =	shalt  }
.Lfunc_end2:
_tile_overlayer_lowered:
.L_overlay_start_2:
0x9d: {  	(tag) =	ssettag $0x2  }
0x9e: {  	s0 =	rddreg [dreg:$0x0];
	s2 =	stileid.u32  }
0x9f: {  	s1 =	rddreg [dreg:$0x1];
	p0 =	sne.s32 s2, $0x0  }
0xa0: {  	s3 =	rddreg [dreg:$0x2];
	[bflag:$0x3] =	sbarrier.arrive $0xFFFF;
	s2 =	simm.s32 @!p0 $0x1C03  }
0xa1: {  	[timem:s3], [sflag:s2] =	dma.local @!p0 [hbm:s0], s1  }
0xa2: {  	s0 =	simm.s32 @!p0 $0x3  }
0xa3: {  	_ =	swait.ge @!p0 [sflag:s0], s1  }
0xa4: {  	s1 =	ssub.s32 @!p0 $0x0, s1;
	[sflag:s0] =	ssyncset.done @!p0 $0x0  }
0xa5: {  	[sflag:s0] =	ssyncadd.s32 @!p0 s1  }
0xa6: {  	[bflag:$0x3] =	sbarrier.arrive $0xFFFF  }
0xa7: {  	_ =	shalt  }

</sc_bundles>
